<compile_context>
chip_gen: v7x
topology: tpu7x:2x2x1
jax: 0.10.2.dev20260603
libtpu: 0.0.44.dev20260713+nightly
codegen_flags: <defaults>
</compile_context>

<pallas_src>
import functools

import jax
import jax.numpy as jnp
from jax.experimental import pallas as pl
from jax.experimental.pallas import tpu as pltpu
from jax.experimental.pallas import tpu_sc as plsc

N_NODES = 10000
N_EDGES = 320000
K_NUM = 160000
NC = 2
NS = 16

BF = jnp.bfloat16

DEG_CH = 5000
DEG_CHUNKS = 8


def _deg_body(ei_ref, zeros_ref, ones_ref, out_ref, idx_v, ones_v, hist_sh):
    c = jax.lax.axis_index("c")
    s = jax.lax.axis_index("s")

    @pl.when(c == 0)
    def _():
        @pl.when(s == 0)
        def _():
            pltpu.sync_copy(zeros_ref, hist_sh)

        pltpu.sync_copy(ones_ref, ones_v)
        plsc.subcore_barrier()
        for j in range(DEG_CHUNKS):
            base = s * (DEG_CH * DEG_CHUNKS) + j * DEG_CH
            pltpu.sync_copy(ei_ref.at[pl.ds(base, DEG_CH)], idx_v)
            pltpu.sync_copy(ones_v, hist_sh.at[idx_v], add=True)
        plsc.subcore_barrier()

        @pl.when(s == 0)
        def _():
            pltpu.sync_copy(hist_sh, out_ref)


def _deg_counts(ei_flat):
    mesh = plsc.VectorSubcoreMesh(core_axis_name="c", subcore_axis_name="s")
    kern = functools.partial(
        pl.kernel,
        mesh=mesh,
        out_type=jax.ShapeDtypeStruct((N_NODES,), jnp.float32),
        scratch_types=[
            pltpu.VMEM((DEG_CH,), jnp.int32),
            pltpu.VMEM((DEG_CH,), jnp.float32),
            pltpu.VMEM_SHARED((N_NODES,), jnp.float32),
        ],
    )(_deg_body)
    zeros = jnp.zeros((N_NODES,), jnp.float32)
    ones = jnp.ones((DEG_CH,), jnp.float32)
    return kern(ei_flat, zeros, ones)


def _feat_body(deg_ref, h_ref, wft_ref, bft_ref, out_ref):
    x = jnp.concatenate([deg_ref[...], h_ref[...]], axis=1)
    acc = jax.lax.dot_general(x.astype(BF), wft_ref[...].astype(BF),
                              (((1,), (0,)), ((), ())),
                              preferred_element_type=jnp.float32)
    feat = acc + bft_ref[...][None, :]
    out_ref[...] = jnp.concatenate(
        [feat, jnp.zeros((feat.shape[0], 64), jnp.float32)], axis=1)


def _node_feat(deg_col, h, W_ft, b_ft):
    return pl.pallas_call(
        _feat_body,
        out_shape=jax.ShapeDtypeStruct((N_NODES, 128), jnp.float32),
    )(deg_col, h, W_ft, b_ft)


G_CH = 1000
G_CHUNKS = 20


def _gather_body(feat_ref, idx_ref, out_ref, idx_v, rows_v, sem):
    c = jax.lax.axis_index("c")
    s = jax.lax.axis_index("s")
    wid = s * NC + c
    for j in range(G_CHUNKS):
        base = wid * (G_CH * G_CHUNKS) + j * G_CH
        pltpu.sync_copy(idx_ref.at[pl.ds(base, G_CH)], idx_v)
        pltpu.async_copy(feat_ref.at[idx_v], rows_v, sem).wait()
        pltpu.sync_copy(rows_v, out_ref.at[pl.ds(base, G_CH)])


def _gather_rows(feat, ei_flat):
    mesh = plsc.VectorSubcoreMesh(core_axis_name="c", subcore_axis_name="s")
    kern = functools.partial(
        pl.kernel,
        mesh=mesh,
        out_type=jax.ShapeDtypeStruct((2 * N_EDGES, 128), jnp.float32),
        scratch_types=[
            pltpu.VMEM((G_CH,), jnp.int32),
            pltpu.VMEM((G_CH, 128), jnp.float32),
            pltpu.SemaphoreType.DMA,
        ],
    )(_gather_body)
    return kern(feat, ei_flat)


SBLK = 512


def _rowsum64(p):
    acc = p[:, 0:8]
    for s in range(1, 8):
        acc = acc + p[:, 8 * s:8 * s + 8]
    acc = acc[:, 0:4] + acc[:, 4:8]
    acc = acc[:, 0:2] + acc[:, 2:4]
    return acc[:, 0:1] + acc[:, 1:2]


def _score_body(rf_ref, cf_ref, w1_ref, b1_ref, w2_ref, b2_ref, w3_ref,
                b3_ref, s_o):
    rf = rf_ref[...][:, :64]
    cf = cf_ref[...][:, :64]
    dot = _rowsum64(rf * cf)
    na = jnp.sqrt(_rowsum64(rf * rf))
    nb = jnp.sqrt(_rowsum64(cf * cf))
    sim = dot / (jnp.maximum(na, 1e-8) * jnp.maximum(nb, 1e-8))
    link = jnp.concatenate([sim, rf, cf], axis=1)
    mm = lambda a, w: jax.lax.dot_general(a.astype(BF), w.astype(BF),
                                          (((1,), (0,)), ((), ())),
                                          preferred_element_type=jnp.float32)
    l1 = jax.nn.relu(mm(link, w1_ref[...]) + b1_ref[...][None, :])
    l2 = jax.nn.relu(mm(l1, w2_ref[...]) + b2_ref[...][None, :])
    logit = mm(l2, w3_ref[...]) + b3_ref[...][None, :]
    s_o[...] = jax.nn.sigmoid(logit)


def _edge_scores(gathered, W1, b1, W2, b2, W3, b3):
    return pl.pallas_call(
        _score_body,
        out_shape=jax.ShapeDtypeStruct((N_EDGES, 1), jnp.float32),
        grid=(N_EDGES // SBLK,),
        in_specs=[pl.BlockSpec((SBLK, 128), lambda i: (i, 0)),
                  pl.BlockSpec((SBLK, 128), lambda i: (i + N_EDGES // SBLK, 0)),
                  pl.BlockSpec((129, 64), lambda i: (0, 0)),
                  pl.BlockSpec((64,), lambda i: (0,)),
                  pl.BlockSpec((64, 32), lambda i: (0, 0)),
                  pl.BlockSpec((32,), lambda i: (0,)),
                  pl.BlockSpec((32, 1), lambda i: (0, 0)),
                  pl.BlockSpec((1,), lambda i: (0,))],
        out_specs=pl.BlockSpec((SBLK, 1), lambda i: (i, 0)),
    )(gathered, gathered, W1, b1, W2, b2, W3, b3)


def kernel(h, edge_index, largest, W_ft, b_ft, W1, b1, W2, b2, W3, b3):
    ei_flat = edge_index.reshape(-1)
    deg_col = _deg_counts(ei_flat).reshape(N_NODES, 1)
    feat = _node_feat(deg_col, h, W_ft, b_ft)
    gathered = _gather_rows(feat, ei_flat)
    scores = _edge_scores(gathered, W1, b1, W2, b2, W3, b3)[:, 0]

    sign = jnp.where(largest, jnp.float32(1.0), jnp.float32(-1.0))
    top_values, idxs = jax.lax.top_k(scores * sign, K_NUM)
    values = top_values * sign
    sel_edge_index = edge_index[:, idxs]
    edge_mask = values[:, None]
    return (sel_edge_index, h, scores, edge_mask)

# --- scband reference (transcript-rebuilt; emitter-appended) ---
"""Pipeline reference for scband-co-t-8933531976327 (READ-ONLY COPY).

The authoritative reference and input builder live on the scoring server;
editing this copy changes nothing except your own understanding.
"""

import jax, jax.numpy as jnp
import numpy as np

N_NODES = 10000
N_EDGES = 320000
D_FEAT = 128
K_FRAC = 0.5
HID = 64
MLP_IN = HID * 2 + 1  # 129


def setup_inputs(seed: int = 0) -> dict:
    key = jax.random.key(seed)
    ks = jax.random.split(key, 12)
    h = jax.random.normal(ks[0], (N_NODES, D_FEAT), dtype=jnp.float32)
    edge_index = jax.random.randint(ks[1], (2, N_EDGES), 0, N_NODES, dtype=jnp.int32)
    # feat_transform: Linear(in_dim + 1 -> 64)
    W_ft = jax.random.normal(ks[2], (D_FEAT + 1, HID), dtype=jnp.float32) / np.sqrt(D_FEAT + 1)
    b_ft = jnp.zeros((HID,), dtype=jnp.float32)
    # MLPReadout(129 -> 1) standard DGL-benchmark readout: 129 -> 64 -> 32 -> 1 with ReLU
    W1 = jax.random.normal(ks[3], (MLP_IN, 64), dtype=jnp.float32) / np.sqrt(MLP_IN)
    b1 = jnp.zeros((64,), dtype=jnp.float32)
    W2 = jax.random.normal(ks[4], (64, 32), dtype=jnp.float32) / np.sqrt(64)
    b2 = jnp.zeros((32,), dtype=jnp.float32)
    W3 = jax.random.normal(ks[5], (32, 1), dtype=jnp.float32) / np.sqrt(32)
    b3 = jnp.zeros((1,), dtype=jnp.float32)
    return {"h": h, "edge_index": edge_index, "largest": True,
            "W_ft": W_ft, "b_ft": b_ft, "W1": W1, "b1": b1,
            "W2": W2, "b2": b2, "W3": W3, "b3": b3}


def _concat_mlp_score(h, edge_index, W_ft, b_ft, W1, b1, W2, b2, W3, b3):
    row = edge_index[0]
    col = edge_index[1]
    out_deg = jnp.bincount(row, length=N_NODES)
    in_deg = jnp.bincount(col, length=N_NODES)
    deg = (out_deg + in_deg).astype(jnp.float32)  # out_degrees + in_degrees per node
    row_node_feat = jnp.concatenate([deg[row][:, None], h[row]], axis=1)
    row_node_feat = row_node_feat @ W_ft + b_ft
    col_node_feat = jnp.concatenate([deg[col][:, None], h[col]], axis=1)
    col_node_feat = col_node_feat @ W_ft + b_ft
    eps = 1e-8
    dot = jnp.sum(row_node_feat * col_node_feat, axis=1)
    na = jnp.sqrt(jnp.sum(row_node_feat * row_node_feat, axis=1))
    nb = jnp.sqrt(jnp.sum(col_node_feat * col_node_feat, axis=1))
    node_similarity = dot / (jnp.maximum(na, eps) * jnp.maximum(nb, eps))
    link = jnp.concatenate([node_similarity[:, None], row_node_feat, col_node_feat], axis=1)
    link = jax.nn.relu(link @ W1 + b1)
    link = jax.nn.relu(link @ W2 + b2)
    link = link @ W3 + b3
    return jax.nn.sigmoid(link.squeeze(-1))


def reference(h, edge_index, largest, W_ft, b_ft, W1, b1, W2, b2, W3, b3):
    scores = _concat_mlp_score(h, edge_index, W_ft, b_ft, W1, b1, W2, b2, W3, b3)
    # batch_size = 1 graph: top-k over all edges
    k_num = max(2, int(N_EDGES * K_FRAC))
    sign = jnp.where(largest, jnp.float32(1.0), jnp.float32(-1.0))
    top_values, idxs = jax.lax.top_k(scores * sign, k_num)
    values = top_values * sign
    sel_edge_index = edge_index[:, idxs]  # edge_subgraph, relabel_nodes=False
    edge_mask = values[:, None]
    return (sel_edge_index, h, scores, edge_mask)

if __name__ == "__main__":
    import jax
    _d = setup_inputs()
    print(jax.jit(kernel)(*tuple(_d.values())))

</pallas_src>

<mosaic_0001>
#map = affine_map<(d0, d1) -> (0, 0)>
#map1 = affine_map<(d0, d1) -> (0)>
module attributes {stable_mosaic.version = 14 : i64} {
  func.func @_gather_body(%arg0: i32, %arg1: i32, %arg2: memref<10000x128xf32, #tpu.memory_space<hbm>>, %arg3: memref<640000xi32, #tpu.memory_space<hbm>>, %arg4: memref<640000x128xf32, #tpu.memory_space<hbm>>, %arg5: memref<1000xi32, #tpu.memory_space<vmem>>, %arg6: memref<1000x128xf32, #tpu.memory_space<vmem>>, %arg7: memref<!tpu.dma_semaphore, #tpu.memory_space<semaphore_mem>>) attributes {dimension_semantics = [#tpu.dimension_semantics<core_parallel>, #tpu.dimension_semantics<subcore_parallel>], iteration_bounds = array<i64: 2, 16>, scalar_prefetch = 0 : i64, scratch_operands = 3 : i64, tpu.core_type = #tpu.core_type<sc_vector_subcore>, window_params = [{transform_indices = #map}, {transform_indices = #map1}, {transform_indices = #map}]} {
    %mul3A = arith.constant 2 : i32
    %mul3A_0 = arith.muli %arg1, %mul3A : i32
    %add3A = arith.addi %mul3A_0, %arg0 : i32
    %mul3A_1 = arith.constant 20000 : i32
    %mul3A_2 = arith.muli %add3A, %mul3A_1 : i32
    %add3A_3 = arith.constant 0 : i32
    %add3A_4 = arith.addi %mul3A_2, %add3A_3 : i32
    "tpu.region"() ({
      %run_scoped3A = tpu.sem_alloc : memref<!tpu.dma_semaphore, #tpu.memory_space<semaphore_mem>>
      %dma_start3A_199 = tpu.memref_slice %arg3[%add3A_4] : memref<640000xi32, #tpu.memory_space<hbm>> -> memref<1000xi32, #tpu.memory_space<hbm>>
      %dma_start3A_200 = tpu.memref_slice %arg3[%add3A_4] : memref<640000xi32, #tpu.memory_space<hbm>> -> memref<1000xi32, #tpu.memory_space<hbm>>
      tpu.enqueue_dma source(%dma_start3A_200 : memref<1000xi32, #tpu.memory_space<hbm>>) target(%arg5 : memref<1000xi32, #tpu.memory_space<vmem>>) target_semaphore(%run_scoped3A : memref<!tpu.dma_semaphore, #tpu.memory_space<semaphore_mem>>)
      %dma_wait3A_201 = tpu.memref_slice %arg3[%add3A_4] : memref<640000xi32, #tpu.memory_space<hbm>> -> memref<1000xi32, #tpu.memory_space<hbm>>
      %dma_wait3A_202 = tpu.memref_slice %arg3[%add3A_4] : memref<640000xi32, #tpu.memory_space<hbm>> -> memref<1000xi32, #tpu.memory_space<hbm>>
      tpu.wait_dma2 semaphore(%run_scoped3A : memref<!tpu.dma_semaphore, #tpu.memory_space<semaphore_mem>>) src(%dma_wait3A_202 : memref<1000xi32, #tpu.memory_space<hbm>>) dst(%arg5 : memref<1000xi32, #tpu.memory_space<vmem>>)
      tpu.yield
    }) : () -> ()
    %dma_start3A = arith.constant 0 : i32
    %dma_start3A_5 = arith.constant 0 : i32
    %dma_start3A_6 = tpu.memref_slice %arg2[%dma_start3A, %dma_start3A_5] : memref<10000x128xf32, #tpu.memory_space<hbm>> -> memref<10000x128xf32, #tpu.memory_space<hbm>>
    tpu.enqueue_indirect_dma source(%dma_start3A_6 : memref<10000x128xf32, #tpu.memory_space<hbm>>) target(%arg6 : memref<1000x128xf32, #tpu.memory_space<vmem>>) offsets(%arg5 : memref<1000xi32, #tpu.memory_space<vmem>>) semaphore(%arg7 : memref<!tpu.dma_semaphore, #tpu.memory_space<semaphore_mem>>)
    %dma_wait3A = arith.constant 0 : i32
    %dma_wait3A_7 = arith.constant 0 : i32
    %dma_wait3A_8 = tpu.memref_slice %arg2[%dma_wait3A, %dma_wait3A_7] : memref<10000x128xf32, #tpu.memory_space<hbm>> -> memref<10000x128xf32, #tpu.memory_space<hbm>>
    tpu.wait_indirect_dma semaphore(%arg7 : memref<!tpu.dma_semaphore, #tpu.memory_space<semaphore_mem>>) src(%dma_wait3A_8 : memref<10000x128xf32, #tpu.memory_space<hbm>>) dst(%arg6 : memref<1000x128xf32, #tpu.memory_space<vmem>>)
    "tpu.region"() ({
      %run_scoped3A = tpu.sem_alloc : memref<!tpu.dma_semaphore, #tpu.memory_space<semaphore_mem>>
      %dma_start3A_199 = arith.constant 0 : i32
      %dma_start3A_200 = tpu.memref_slice %arg4[%add3A_4, %dma_start3A_199] : memref<640000x128xf32, #tpu.memory_space<hbm>> -> memref<1000x128xf32, #tpu.memory_space<hbm>>
      %dma_start3A_201 = arith.constant 0 : i32
      %dma_start3A_202 = tpu.memref_slice %arg4[%add3A_4, %dma_start3A_201] : memref<640000x128xf32, #tpu.memory_space<hbm>> -> memref<1000x128xf32, #tpu.memory_space<hbm>>
      tpu.enqueue_dma source(%arg6 : memref<1000x128xf32, #tpu.memory_space<vmem>>) target(%dma_start3A_202 : memref<1000x128xf32, #tpu.memory_space<hbm>>) target_semaphore(%run_scoped3A : memref<!tpu.dma_semaphore, #tpu.memory_space<semaphore_mem>>)
      %dma_wait3A_203 = arith.constant 0 : i32
      %dma_wait3A_204 = tpu.memref_slice %arg4[%add3A_4, %dma_wait3A_203] : memref<640000x128xf32, #tpu.memory_space<hbm>> -> memref<1000x128xf32, #tpu.memory_space<hbm>>
      %dma_wait3A_205 = arith.constant 0 : i32
      %dma_wait3A_206 = tpu.memref_slice %arg4[%add3A_4, %dma_wait3A_205] : memref<640000x128xf32, #tpu.memory_space<hbm>> -> memref<1000x128xf32, #tpu.memory_space<hbm>>
      tpu.wait_dma2 semaphore(%run_scoped3A : memref<!tpu.dma_semaphore, #tpu.memory_space<semaphore_mem>>) src(%arg6 : memref<1000x128xf32, #tpu.memory_space<vmem>>) dst(%dma_wait3A_206 : memref<1000x128xf32, #tpu.memory_space<hbm>>)
      tpu.yield
    }) : () -> ()
    %mul3A_9 = arith.constant 20000 : i32
    %mul3A_10 = arith.muli %add3A, %mul3A_9 : i32
    %add3A_11 = arith.constant 1000 : i32
    %add3A_12 = arith.addi %mul3A_10, %add3A_11 : i32
    "tpu.region"() ({
      %run_scoped3A = tpu.sem_alloc : memref<!tpu.dma_semaphore, #tpu.memory_space<semaphore_mem>>
      %dma_start3A_199 = tpu.memref_slice %arg3[%add3A_12] : memref<640000xi32, #tpu.memory_space<hbm>> -> memref<1000xi32, #tpu.memory_space<hbm>>
      %dma_start3A_200 = tpu.memref_slice %arg3[%add3A_12] : memref<640000xi32, #tpu.memory_space<hbm>> -> memref<1000xi32, #tpu.memory_space<hbm>>
      tpu.enqueue_dma source(%dma_start3A_200 : memref<1000xi32, #tpu.memory_space<hbm>>) target(%arg5 : memref<1000xi32, #tpu.memory_space<vmem>>) target_semaphore(%run_scoped3A : memref<!tpu.dma_semaphore, #tpu.memory_space<semaphore_mem>>)
      %dma_wait3A_201 = tpu.memref_slice %arg3[%add3A_12] : memref<640000xi32, #tpu.memory_space<hbm>> -> memref<1000xi32, #tpu.memory_space<hbm>>
      %dma_wait3A_202 = tpu.memref_slice %arg3[%add3A_12] : memref<640000xi32, #tpu.memory_space<hbm>> -> memref<1000xi32, #tpu.memory_space<hbm>>
      tpu.wait_dma2 semaphore(%run_scoped3A : memref<!tpu.dma_semaphore, #tpu.memory_space<semaphore_mem>>) src(%dma_wait3A_202 : memref<1000xi32, #tpu.memory_space<hbm>>) dst(%arg5 : memref<1000xi32, #tpu.memory_space<vmem>>)
      tpu.yield
    }) : () -> ()
    %dma_start3A_13 = arith.constant 0 : i32
    %dma_start3A_14 = arith.constant 0 : i32
    %dma_start3A_15 = tpu.memref_slice %arg2[%dma_start3A_13, %dma_start3A_14] : memref<10000x128xf32, #tpu.memory_space<hbm>> -> memref<10000x128xf32, #tpu.memory_space<hbm>>
    tpu.enqueue_indirect_dma source(%dma_start3A_15 : memref<10000x128xf32, #tpu.memory_space<hbm>>) target(%arg6 : memref<1000x128xf32, #tpu.memory_space<vmem>>) offsets(%arg5 : memref<1000xi32, #tpu.memory_space<vmem>>) semaphore(%arg7 : memref<!tpu.dma_semaphore, #tpu.memory_space<semaphore_mem>>)
    %dma_wait3A_16 = arith.constant 0 : i32
    %dma_wait3A_17 = arith.constant 0 : i32
    %dma_wait3A_18 = tpu.memref_slice %arg2[%dma_wait3A_16, %dma_wait3A_17] : memref<10000x128xf32, #tpu.memory_space<hbm>> -> memref<10000x128xf32, #tpu.memory_space<hbm>>
    tpu.wait_indirect_dma semaphore(%arg7 : memref<!tpu.dma_semaphore, #tpu.memory_space<semaphore_mem>>) src(%dma_wait3A_18 : memref<10000x128xf32, #tpu.memory_space<hbm>>) dst(%arg6 : memref<1000x128xf32, #tpu.memory_space<vmem>>)
    "tpu.region"() ({
      %run_scoped3A = tpu.sem_alloc : memref<!tpu.dma_semaphore, #tpu.memory_space<semaphore_mem>>
      %dma_start3A_199 = arith.constant 0 : i32
      %dma_start3A_200 = tpu.memref_slice %arg4[%add3A_12, %dma_start3A_199] : memref<640000x128xf32, #tpu.memory_space<hbm>> -> memref<1000x128xf32, #tpu.memory_space<hbm>>
      %dma_start3A_201 = arith.constant 0 : i32
      %dma_start3A_202 = tpu.memref_slice %arg4[%add3A_12, %dma_start3A_201] : memref<640000x128xf32, #tpu.memory_space<hbm>> -> memref<1000x128xf32, #tpu.memory_space<hbm>>
      tpu.enqueue_dma source(%arg6 : memref<1000x128xf32, #tpu.memory_space<vmem>>) target(%dma_start3A_202 : memref<1000x128xf32, #tpu.memory_space<hbm>>) target_semaphore(%run_scoped3A : memref<!tpu.dma_semaphore, #tpu.memory_space<semaphore_mem>>)
      %dma_wait3A_203 = arith.constant 0 : i32
      %dma_wait3A_204 = tpu.memref_slice %arg4[%add3A_12, %dma_wait3A_203] : memref<640000x128xf32, #tpu.memory_space<hbm>> -> memref<1000x128xf32, #tpu.memory_space<hbm>>
      %dma_wait3A_205 = arith.constant 0 : i32
      %dma_wait3A_206 = tpu.memref_slice %arg4[%add3A_12, %dma_wait3A_205] : memref<640000x128xf32, #tpu.memory_space<hbm>> -> memref<1000x128xf32, #tpu.memory_space<hbm>>
      tpu.wait_dma2 semaphore(%run_scoped3A : memref<!tpu.dma_semaphore, #tpu.memory_space<semaphore_mem>>) src(%arg6 : memref<1000x128xf32, #tpu.memory_space<vmem>>) dst(%dma_wait3A_206 : memref<1000x128xf32, #tpu.memory_space<hbm>>)
      tpu.yield
    }) : () -> ()
    %mul3A_19 = arith.constant 20000 : i32
    %mul3A_20 = arith.muli %add3A, %mul3A_19 : i32
    %add3A_21 = arith.constant 2000 : i32
    %add3A_22 = arith.addi %mul3A_20, %add3A_21 : i32
    "tpu.region"() ({
      %run_scoped3A = tpu.sem_alloc : memref<!tpu.dma_semaphore, #tpu.memory_space<semaphore_mem>>
      %dma_start3A_199 = tpu.memref_slice %arg3[%add3A_22] : memref<640000xi32, #tpu.memory_space<hbm>> -> memref<1000xi32, #tpu.memory_space<hbm>>
      %dma_start3A_200 = tpu.memref_slice %arg3[%add3A_22] : memref<640000xi32, #tpu.memory_space<hbm>> -> memref<1000xi32, #tpu.memory_space<hbm>>
      tpu.enqueue_dma source(%dma_start3A_200 : memref<1000xi32, #tpu.memory_space<hbm>>) target(%arg5 : memref<1000xi32, #tpu.memory_space<vmem>>) target_semaphore(%run_scoped3A : memref<!tpu.dma_semaphore, #tpu.memory_space<semaphore_mem>>)
      %dma_wait3A_201 = tpu.memref_slice %arg3[%add3A_22] : memref<640000xi32, #tpu.memory_space<hbm>> -> memref<1000xi32, #tpu.memory_space<hbm>>
      %dma_wait3A_202 = tpu.memref_slice %arg3[%add3A_22] : memref<640000xi32, #tpu.memory_space<hbm>> -> memref<1000xi32, #tpu.memory_space<hbm>>
      tpu.wait_dma2 semaphore(%run_scoped3A : memref<!tpu.dma_semaphore, #tpu.memory_space<semaphore_mem>>) src(%dma_wait3A_202 : memref<1000xi32, #tpu.memory_space<hbm>>) dst(%arg5 : memref<1000xi32, #tpu.memory_space<vmem>>)
      tpu.yield
    }) : () -> ()
    %dma_start3A_23 = arith.constant 0 : i32
    %dma_start3A_24 = arith.constant 0 : i32
    %dma_start3A_25 = tpu.memref_slice %arg2[%dma_start3A_23, %dma_start3A_24] : memref<10000x128xf32, #tpu.memory_space<hbm>> -> memref<10000x128xf32, #tpu.memory_space<hbm>>
    tpu.enqueue_indirect_dma source(%dma_start3A_25 : memref<10000x128xf32, #tpu.memory_space<hbm>>) target(%arg6 : memref<1000x128xf32, #tpu.memory_space<vmem>>) offsets(%arg5 : memref<1000xi32, #tpu.memory_space<vmem>>) semaphore(%arg7 : memref<!tpu.dma_semaphore, #tpu.memory_space<semaphore_mem>>)
    %dma_wait3A_26 = arith.constant 0 : i32
    %dma_wait3A_27 = arith.constant 0 : i32
    %dma_wait3A_28 = tpu.memref_slice %arg2[%dma_wait3A_26, %dma_wait3A_27] : memref<10000x128xf32, #tpu.memory_space<hbm>> -> memref<10000x128xf32, #tpu.memory_space<hbm>>
    tpu.wait_indirect_dma semaphore(%arg7 : memref<!tpu.dma_semaphore, #tpu.memory_space<semaphore_mem>>) src(%dma_wait3A_28 : memref<10000x128xf32, #tpu.memory_space<hbm>>) dst(%arg6 : memref<1000x128xf32, #tpu.memory_space<vmem>>)
    "tpu.region"() ({
      %run_scoped3A = tpu.sem_alloc : memref<!tpu.dma_semaphore, #tpu.memory_space<semaphore_mem>>
      %dma_start3A_199 = arith.constant 0 : i32
      %dma_start3A_200 = tpu.memref_slice %arg4[%add3A_22, %dma_start3A_199] : memref<640000x128xf32, #tpu.memory_space<hbm>> -> memref<1000x128xf32, #tpu.memory_space<hbm>>
      %dma_start3A_201 = arith.constant 0 : i32
      %dma_start3A_202 = tpu.memref_slice %arg4[%add3A_22, %dma_start3A_201] : memref<640000x128xf32, #tpu.memory_space<hbm>> -> memref<1000x128xf32, #tpu.memory_space<hbm>>
      tpu.enqueue_dma source(%arg6 : memref<1000x128xf32, #tpu.memory_space<vmem>>) target(%dma_start3A_202 : memref<1000x128xf32, #tpu.memory_space<hbm>>) target_semaphore(%run_scoped3A : memref<!tpu.dma_semaphore, #tpu.memory_space<semaphore_mem>>)
      %dma_wait3A_203 = arith.constant 0 : i32
      %dma_wait3A_204 = tpu.memref_slice %arg4[%add3A_22, %dma_wait3A_203] : memref<640000x128xf32, #tpu.memory_space<hbm>> -> memref<1000x128xf32, #tpu.memory_space<hbm>>
      %dma_wait3A_205 = arith.constant 0 : i32
      %dma_wait3A_206 = tpu.memref_slice %arg4[%add3A_22, %dma_wait3A_205] : memref<640000x128xf32, #tpu.memory_space<hbm>> -> memref<1000x128xf32, #tpu.memory_space<hbm>>
      tpu.wait_dma2 semaphore(%run_scoped3A : memref<!tpu.dma_semaphore, #tpu.memory_space<semaphore_mem>>) src(%arg6 : memref<1000x128xf32, #tpu.memory_space<vmem>>) dst(%dma_wait3A_206 : memref<1000x128xf32, #tpu.memory_space<hbm>>)
      tpu.yield
    }) : () -> ()
    %mul3A_29 = arith.constant 20000 : i32
    %mul3A_30 = arith.muli %add3A, %mul3A_29 : i32
    %add3A_31 = arith.constant 3000 : i32
    %add3A_32 = arith.addi %mul3A_30, %add3A_31 : i32
    "tpu.region"() ({
      %run_scoped3A = tpu.sem_alloc : memref<!tpu.dma_semaphore, #tpu.memory_space<semaphore_mem>>
      %dma_start3A_199 = tpu.memref_slice %arg3[%add3A_32] : memref<640000xi32, #tpu.memory_space<hbm>> -> memref<1000xi32, #tpu.memory_space<hbm>>
      %dma_start3A_200 = tpu.memref_slice %arg3[%add3A_32] : memref<640000xi32, #tpu.memory_space<hbm>> -> memref<1000xi32, #tpu.memory_space<hbm>>
      tpu.enqueue_dma source(%dma_start3A_200 : memref<1000xi32, #tpu.memory_space<hbm>>) target(%arg5 : memref<1000xi32, #tpu.memory_space<vmem>>) target_semaphore(%run_scoped3A : memref<!tpu.dma_semaphore, #tpu.memory_space<semaphore_mem>>)
      %dma_wait3A_201 = tpu.memref_slice %arg3[%add3A_32] : memref<640000xi32, #tpu.memory_space<hbm>> -> memref<1000xi32, #tpu.memory_space<hbm>>
      %dma_wait3A_202 = tpu.memref_slice %arg3[%add3A_32] : memref<640000xi32, #tpu.memory_space<hbm>> -> memref<1000xi32, #tpu.memory_space<hbm>>
      tpu.wait_dma2 semaphore(%run_scoped3A : memref<!tpu.dma_semaphore, #tpu.memory_space<semaphore_mem>>) src(%dma_wait3A_202 : memref<1000xi32, #tpu.memory_space<hbm>>) dst(%arg5 : memref<1000xi32, #tpu.memory_space<vmem>>)
      tpu.yield
    }) : () -> ()
    %dma_start3A_33 = arith.constant 0 : i32
    %dma_start3A_34 = arith.constant 0 : i32
    %dma_start3A_35 = tpu.memref_slice %arg2[%dma_start3A_33, %dma_start3A_34] : memref<10000x128xf32, #tpu.memory_space<hbm>> -> memref<10000x128xf32, #tpu.memory_space<hbm>>
    tpu.enqueue_indirect_dma source(%dma_start3A_35 : memref<10000x128xf32, #tpu.memory_space<hbm>>) target(%arg6 : memref<1000x128xf32, #tpu.memory_space<vmem>>) offsets(%arg5 : memref<1000xi32, #tpu.memory_space<vmem>>) semaphore(%arg7 : memref<!tpu.dma_semaphore, #tpu.memory_space<semaphore_mem>>)
    %dma_wait3A_36 = arith.constant 0 : i32
    %dma_wait3A_37 = arith.constant 0 : i32
    %dma_wait3A_38 = tpu.memref_slice %arg2[%dma_wait3A_36, %dma_wait3A_37] : memref<10000x128xf32, #tpu.memory_space<hbm>> -> memref<10000x128xf32, #tpu.memory_space<hbm>>
    tpu.wait_indirect_dma semaphore(%arg7 : memref<!tpu.dma_semaphore, #tpu.memory_space<semaphore_mem>>) src(%dma_wait3A_38 : memref<10000x128xf32, #tpu.memory_space<hbm>>) dst(%arg6 : memref<1000x128xf32, #tpu.memory_space<vmem>>)
    "tpu.region"() ({
      %run_scoped3A = tpu.sem_alloc : memref<!tpu.dma_semaphore, #tpu.memory_space<semaphore_mem>>
      %dma_start3A_199 = arith.constant 0 : i32
      %dma_start3A_200 = tpu.memref_slice %arg4[%add3A_32, %dma_start3A_199] : memref<640000x128xf32, #tpu.memory_space<hbm>> -> memref<1000x128xf32, #tpu.memory_space<hbm>>
      %dma_start3A_201 = arith.constant 0 : i32
      %dma_start3A_202 = tpu.memref_slice %arg4[%add3A_32, %dma_start3A_201] : memref<640000x128xf32, #tpu.memory_space<hbm>> -> memref<1000x128xf32, #tpu.memory_space<hbm>>
      tpu.enqueue_dma source(%arg6 : memref<1000x128xf32, #tpu.memory_space<vmem>>) target(%dma_start3A_202 : memref<1000x128xf32, #tpu.memory_space<hbm>>) target_semaphore(%run_scoped3A : memref<!tpu.dma_semaphore, #tpu.memory_space<semaphore_mem>>)
      %dma_wait3A_203 = arith.constant 0 : i32
      %dma_wait3A_204 = tpu.memref_slice %arg4[%add3A_32, %dma_wait3A_203] : memref<640000x128xf32, #tpu.memory_space<hbm>> -> memref<1000x128xf32, #tpu.memory_space<hbm>>
      %dma_wait3A_205 = arith.constant 0 : i32
      %dma_wait3A_206 = tpu.memref_slice %arg4[%add3A_32, %dma_wait3A_205] : memref<640000x128xf32, #tpu.memory_space<hbm>> -> memref<1000x128xf32, #tpu.memory_space<hbm>>
      tpu.wait_dma2 semaphore(%run_scoped3A : memref<!tpu.dma_semaphore, #tpu.memory_space<semaphore_mem>>) src(%arg6 : memref<1000x128xf32, #tpu.memory_space<vmem>>) dst(%dma_wait3A_206 : memref<1000x128xf32, #tpu.memory_space<hbm>>)
      tpu.yield
    }) : () -> ()
    %mul3A_39 = arith.constant 20000 : i32
    %mul3A_40 = arith.muli %add3A, %mul3A_39 : i32
    %add3A_41 = arith.constant 4000 : i32
    %add3A_42 = arith.addi %mul3A_40, %add3A_41 : i32
    "tpu.region"() ({
      %run_scoped3A = tpu.sem_alloc : memref<!tpu.dma_semaphore, #tpu.memory_space<semaphore_mem>>
      %dma_start3A_199 = tpu.memref_slice %arg3[%add3A_42] : memref<640000xi32, #tpu.memory_space<hbm>> -> memref<1000xi32, #tpu.memory_space<hbm>>
      %dma_start3A_200 = tpu.memref_slice %arg3[%add3A_42] : memref<640000xi32, #tpu.memory_space<hbm>> -> memref<1000xi32, #tpu.memory_space<hbm>>
      tpu.enqueue_dma source(%dma_start3A_200 : memref<1000xi32, #tpu.memory_space<hbm>>) target(%arg5 : memref<1000xi32, #tpu.memory_space<vmem>>) target_semaphore(%run_scoped3A : memref<!tpu.dma_semaphore, #tpu.memory_space<semaphore_mem>>)
      %dma_wait3A_201 = tpu.memref_slice %arg3[%add3A_42] : memref<640000xi32, #tpu.memory_space<hbm>> -> memref<1000xi32, #tpu.memory_space<hbm>>
      %dma_wait3A_202 = tpu.memref_slice %arg3[%add3A_42] : memref<640000xi32, #tpu.memory_space<hbm>> -> memref<1000xi32, #tpu.memory_space<hbm>>
      tpu.wait_dma2 semaphore(%run_scoped3A : memref<!tpu.dma_semaphore, #tpu.memory_space<semaphore_mem>>) src(%dma_wait3A_202 : memref<1000xi32, #tpu.memory_space<hbm>>) dst(%arg5 : memref<1000xi32, #tpu.memory_space<vmem>>)
      tpu.yield
    }) : () -> ()
    %dma_start3A_43 = arith.constant 0 : i32
    %dma_start3A_44 = arith.constant 0 : i32
    %dma_start3A_45 = tpu.memref_slice %arg2[%dma_start3A_43, %dma_start3A_44] : memref<10000x128xf32, #tpu.memory_space<hbm>> -> memref<10000x128xf32, #tpu.memory_space<hbm>>
    tpu.enqueue_indirect_dma source(%dma_start3A_45 : memref<10000x128xf32, #tpu.memory_space<hbm>>) target(%arg6 : memref<1000x128xf32, #tpu.memory_space<vmem>>) offsets(%arg5 : memref<1000xi32, #tpu.memory_space<vmem>>) semaphore(%arg7 : memref<!tpu.dma_semaphore, #tpu.memory_space<semaphore_mem>>)
    %dma_wait3A_46 = arith.constant 0 : i32
    %dma_wait3A_47 = arith.constant 0 : i32
    %dma_wait3A_48 = tpu.memref_slice %arg2[%dma_wait3A_46, %dma_wait3A_47] : memref<10000x128xf32, #tpu.memory_space<hbm>> -> memref<10000x128xf32, #tpu.memory_space<hbm>>
    tpu.wait_indirect_dma semaphore(%arg7 : memref<!tpu.dma_semaphore, #tpu.memory_space<semaphore_mem>>) src(%dma_wait3A_48 : memref<10000x128xf32, #tpu.memory_space<hbm>>) dst(%arg6 : memref<1000x128xf32, #tpu.memory_space<vmem>>)
    "tpu.region"() ({
      %run_scoped3A = tpu.sem_alloc : memref<!tpu.dma_semaphore, #tpu.memory_space<semaphore_mem>>
      %dma_start3A_199 = arith.constant 0 : i32
      %dma_start3A_200 = tpu.memref_slice %arg4[%add3A_42, %dma_start3A_199] : memref<640000x128xf32, #tpu.memory_space<hbm>> -> memref<1000x128xf32, #tpu.memory_space<hbm>>
      %dma_start3A_201 = arith.constant 0 : i32
      %dma_start3A_202 = tpu.memref_slice %arg4[%add3A_42, %dma_start3A_201] : memref<640000x128xf32, #tpu.memory_space<hbm>> -> memref<1000x128xf32, #tpu.memory_space<hbm>>
      tpu.enqueue_dma source(%arg6 : memref<1000x128xf32, #tpu.memory_space<vmem>>) target(%dma_start3A_202 : memref<1000x128xf32, #tpu.memory_space<hbm>>) target_semaphore(%run_scoped3A : memref<!tpu.dma_semaphore, #tpu.memory_space<semaphore_mem>>)
      %dma_wait3A_203 = arith.constant 0 : i32
      %dma_wait3A_204 = tpu.memref_slice %arg4[%add3A_42, %dma_wait3A_203] : memref<640000x128xf32, #tpu.memory_space<hbm>> -> memref<1000x128xf32, #tpu.memory_space<hbm>>
      %dma_wait3A_205 = arith.constant 0 : i32
      %dma_wait3A_206 = tpu.memref_slice %arg4[%add3A_42, %dma_wait3A_205] : memref<640000x128xf32, #tpu.memory_space<hbm>> -> memref<1000x128xf32, #tpu.memory_space<hbm>>
      tpu.wait_dma2 semaphore(%run_scoped3A : memref<!tpu.dma_semaphore, #tpu.memory_space<semaphore_mem>>) src(%arg6 : memref<1000x128xf32, #tpu.memory_space<vmem>>) dst(%dma_wait3A_206 : memref<1000x128xf32, #tpu.memory_space<hbm>>)
      tpu.yield
    }) : () -> ()
    %mul3A_49 = arith.constant 20000 : i32
    %mul3A_50 = arith.muli %add3A, %mul3A_49 : i32
    %add3A_51 = arith.constant 5000 : i32
    %add3A_52 = arith.addi %mul3A_50, %add3A_51 : i32
    "tpu.region"() ({
      %run_scoped3A = tpu.sem_alloc : memref<!tpu.dma_semaphore, #tpu.memory_space<semaphore_mem>>
      %dma_start3A_199 = tpu.memref_slice %arg3[%add3A_52] : memref<640000xi32, #tpu.memory_space<hbm>> -> memref<1000xi32, #tpu.memory_space<hbm>>
      %dma_start3A_200 = tpu.memref_slice %arg3[%add3A_52] : memref<640000xi32, #tpu.memory_space<hbm>> -> memref<1000xi32, #tpu.memory_space<hbm>>
      tpu.enqueue_dma source(%dma_start3A_200 : memref<1000xi32, #tpu.memory_space<hbm>>) target(%arg5 : memref<1000xi32, #tpu.memory_space<vmem>>) target_semaphore(%run_scoped3A : memref<!tpu.dma_semaphore, #tpu.memory_space<semaphore_mem>>)
      %dma_wait3A_201 = tpu.memref_slice %arg3[%add3A_52] : memref<640000xi32, #tpu.memory_space<hbm>> -> memref<1000xi32, #tpu.memory_space<hbm>>
      %dma_wait3A_202 = tpu.memref_slice %arg3[%add3A_52] : memref<640000xi32, #tpu.memory_space<hbm>> -> memref<1000xi32, #tpu.memory_space<hbm>>
      tpu.wait_dma2 semaphore(%run_scoped3A : memref<!tpu.dma_semaphore, #tpu.memory_space<semaphore_mem>>) src(%dma_wait3A_202 : memref<1000xi32, #tpu.memory_space<hbm>>) dst(%arg5 : memref<1000xi32, #tpu.memory_space<vmem>>)
      tpu.yield
    }) : () -> ()
    %dma_start3A_53 = arith.constant 0 : i32
    %dma_start3A_54 = arith.constant 0 : i32
    %dma_start3A_55 = tpu.memref_slice %arg2[%dma_start3A_53, %dma_start3A_54] : memref<10000x128xf32, #tpu.memory_space<hbm>> -> memref<10000x128xf32, #tpu.memory_space<hbm>>
    tpu.enqueue_indirect_dma source(%dma_start3A_55 : memref<10000x128xf32, #tpu.memory_space<hbm>>) target(%arg6 : memref<1000x128xf32, #tpu.memory_space<vmem>>) offsets(%arg5 : memref<1000xi32, #tpu.memory_space<vmem>>) semaphore(%arg7 : memref<!tpu.dma_semaphore, #tpu.memory_space<semaphore_mem>>)
    %dma_wait3A_56 = arith.constant 0 : i32
    %dma_wait3A_57 = arith.constant 0 : i32
    %dma_wait3A_58 = tpu.memref_slice %arg2[%dma_wait3A_56, %dma_wait3A_57] : memref<10000x128xf32, #tpu.memory_space<hbm>> -> memref<10000x128xf32, #tpu.memory_space<hbm>>
    tpu.wait_indirect_dma semaphore(%arg7 : memref<!tpu.dma_semaphore, #tpu.memory_space<semaphore_mem>>) src(%dma_wait3A_58 : memref<10000x128xf32, #tpu.memory_space<hbm>>) dst(%arg6 : memref<1000x128xf32, #tpu.memory_space<vmem>>)
    "tpu.region"() ({
      %run_scoped3A = tpu.sem_alloc : memref<!tpu.dma_semaphore, #tpu.memory_space<semaphore_mem>>
      %dma_start3A_199 = arith.constant 0 : i32
      %dma_start3A_200 = tpu.memref_slice %arg4[%add3A_52, %dma_start3A_199] : memref<640000x128xf32, #tpu.memory_space<hbm>> -> memref<1000x128xf32, #tpu.memory_space<hbm>>
      %dma_start3A_201 = arith.constant 0 : i32
      %dma_start3A_202 = tpu.memref_slice %arg4[%add3A_52, %dma_start3A_201] : memref<640000x128xf32, #tpu.memory_space<hbm>> -> memref<1000x128xf32, #tpu.memory_space<hbm>>
      tpu.enqueue_dma source(%arg6 : memref<1000x128xf32, #tpu.memory_space<vmem>>) target(%dma_start3A_202 : memref<1000x128xf32, #tpu.memory_space<hbm>>) target_semaphore(%run_scoped3A : memref<!tpu.dma_semaphore, #tpu.memory_space<semaphore_mem>>)
      %dma_wait3A_203 = arith.constant 0 : i32
      %dma_wait3A_204 = tpu.memref_slice %arg4[%add3A_52, %dma_wait3A_203] : memref<640000x128xf32, #tpu.memory_space<hbm>> -> memref<1000x128xf32, #tpu.memory_space<hbm>>
      %dma_wait3A_205 = arith.constant 0 : i32
      %dma_wait3A_206 = tpu.memref_slice %arg4[%add3A_52, %dma_wait3A_205] : memref<640000x128xf32, #tpu.memory_space<hbm>> -> memref<1000x128xf32, #tpu.memory_space<hbm>>
      tpu.wait_dma2 semaphore(%run_scoped3A : memref<!tpu.dma_semaphore, #tpu.memory_space<semaphore_mem>>) src(%arg6 : memref<1000x128xf32, #tpu.memory_space<vmem>>) dst(%dma_wait3A_206 : memref<1000x128xf32, #tpu.memory_space<hbm>>)
      tpu.yield
    }) : () -> ()
    %mul3A_59 = arith.constant 20000 : i32
    %mul3A_60 = arith.muli %add3A, %mul3A_59 : i32
    %add3A_61 = arith.constant 6000 : i32
    %add3A_62 = arith.addi %mul3A_60, %add3A_61 : i32
    "tpu.region"() ({
      %run_scoped3A = tpu.sem_alloc : memref<!tpu.dma_semaphore, #tpu.memory_space<semaphore_mem>>
      %dma_start3A_199 = tpu.memref_slice %arg3[%add3A_62] : memref<640000xi32, #tpu.memory_space<hbm>> -> memref<1000xi32, #tpu.memory_space<hbm>>
      %dma_start3A_200 = tpu.memref_slice %arg3[%add3A_62] : memref<640000xi32, #tpu.memory_space<hbm>> -> memref<1000xi32, #tpu.memory_space<hbm>>
      tpu.enqueue_dma source(%dma_start3A_200 : memref<1000xi32, #tpu.memory_space<hbm>>) target(%arg5 : memref<1000xi32, #tpu.memory_space<vmem>>) target_semaphore(%run_scoped3A : memref<!tpu.dma_semaphore, #tpu.memory_space<semaphore_mem>>)
      %dma_wait3A_201 = tpu.memref_slice %arg3[%add3A_62] : memref<640000xi32, #tpu.memory_space<hbm>> -> memref<1000xi32, #tpu.memory_space<hbm>>
      %dma_wait3A_202 = tpu.memref_slice %arg3[%add3A_62] : memref<640000xi32, #tpu.memory_space<hbm>> -> memref<1000xi32, #tpu.memory_space<hbm>>
      tpu.wait_dma2 semaphore(%run_scoped3A : memref<!tpu.dma_semaphore, #tpu.memory_space<semaphore_mem>>) src(%dma_wait3A_202 : memref<1000xi32, #tpu.memory_space<hbm>>) dst(%arg5 : memref<1000xi32, #tpu.memory_space<vmem>>)
      tpu.yield
    }) : () -> ()
    %dma_start3A_63 = arith.constant 0 : i32
    %dma_start3A_64 = arith.constant 0 : i32
    %dma_start3A_65 = tpu.memref_slice %arg2[%dma_start3A_63, %dma_start3A_64] : memref<10000x128xf32, #tpu.memory_space<hbm>> -> memref<10000x128xf32, #tpu.memory_space<hbm>>
    tpu.enqueue_indirect_dma source(%dma_start3A_65 : memref<10000x128xf32, #tpu.memory_space<hbm>>) target(%arg6 : memref<1000x128xf32, #tpu.memory_space<vmem>>) offsets(%arg5 : memref<1000xi32, #tpu.memory_space<vmem>>) semaphore(%arg7 : memref<!tpu.dma_semaphore, #tpu.memory_space<semaphore_mem>>)
    %dma_wait3A_66 = arith.constant 0 : i32
    %dma_wait3A_67 = arith.constant 0 : i32
    %dma_wait3A_68 = tpu.memref_slice %arg2[%dma_wait3A_66, %dma_wait3A_67] : memref<10000x128xf32, #tpu.memory_space<hbm>> -> memref<10000x128xf32, #tpu.memory_space<hbm>>
    tpu.wait_indirect_dma semaphore(%arg7 : memref<!tpu.dma_semaphore, #tpu.memory_space<semaphore_mem>>) src(%dma_wait3A_68 : memref<10000x128xf32, #tpu.memory_space<hbm>>) dst(%arg6 : memref<1000x128xf32, #tpu.memory_space<vmem>>)
    "tpu.region"() ({
      %run_scoped3A = tpu.sem_alloc : memref<!tpu.dma_semaphore, #tpu.memory_space<semaphore_mem>>
      %dma_start3A_199 = arith.constant 0 : i32
      %dma_start3A_200 = tpu.memref_slice %arg4[%add3A_62, %dma_start3A_199] : memref<640000x128xf32, #tpu.memory_space<hbm>> -> memref<1000x128xf32, #tpu.memory_space<hbm>>
      %dma_start3A_201 = arith.constant 0 : i32
      %dma_start3A_202 = tpu.memref_slice %arg4[%add3A_62, %dma_start3A_201] : memref<640000x128xf32, #tpu.memory_space<hbm>> -> memref<1000x128xf32, #tpu.memory_space<hbm>>
      tpu.enqueue_dma source(%arg6 : memref<1000x128xf32, #tpu.memory_space<vmem>>) target(%dma_start3A_202 : memref<1000x128xf32, #tpu.memory_space<hbm>>) target_semaphore(%run_scoped3A : memref<!tpu.dma_semaphore, #tpu.memory_space<semaphore_mem>>)
      %dma_wait3A_203 = arith.constant 0 : i32
      %dma_wait3A_204 = tpu.memref_slice %arg4[%add3A_62, %dma_wait3A_203] : memref<640000x128xf32, #tpu.memory_space<hbm>> -> memref<1000x128xf32, #tpu.memory_space<hbm>>
      %dma_wait3A_205 = arith.constant 0 : i32
      %dma_wait3A_206 = tpu.memref_slice %arg4[%add3A_62, %dma_wait3A_205] : memref<640000x128xf32, #tpu.memory_space<hbm>> -> memref<1000x128xf32, #tpu.memory_space<hbm>>
      tpu.wait_dma2 semaphore(%run_scoped3A : memref<!tpu.dma_semaphore, #tpu.memory_space<semaphore_mem>>) src(%arg6 : memref<1000x128xf32, #tpu.memory_space<vmem>>) dst(%dma_wait3A_206 : memref<1000x128xf32, #tpu.memory_space<hbm>>)
      tpu.yield
    }) : () -> ()
    %mul3A_69 = arith.constant 20000 : i32
    %mul3A_70 = arith.muli %add3A, %mul3A_69 : i32
    %add3A_71 = arith.constant 7000 : i32
    %add3A_72 = arith.addi %mul3A_70, %add3A_71 : i32
    "tpu.region"() ({
      %run_scoped3A = tpu.sem_alloc : memref<!tpu.dma_semaphore, #tpu.memory_space<semaphore_mem>>
      %dma_start3A_199 = tpu.memref_slice %arg3[%add3A_72] : memref<640000xi32, #tpu.memory_space<hbm>> -> memref<1000xi32, #tpu.memory_space<hbm>>
      %dma_start3A_200 = tpu.memref_slice %arg3[%add3A_72] : memref<640000xi32, #tpu.memory_space<hbm>> -> memref<1000xi32, #tpu.memory_space<hbm>>
      tpu.enqueue_dma source(%dma_start3A_200 : memref<1000xi32, #tpu.memory_space<hbm>>) target(%arg5 : memref<1000xi32, #tpu.memory_space<vmem>>) target_semaphore(%run_scoped3A : memref<!tpu.dma_semaphore, #tpu.memory_space<semaphore_mem>>)
      %dma_wait3A_201 = tpu.memref_slice %arg3[%add3A_72] : memref<640000xi32, #tpu.memory_space<hbm>> -> memref<1000xi32, #tpu.memory_space<hbm>>
      %dma_wait3A_202 = tpu.memref_slice %arg3[%add3A_72] : memref<640000xi32, #tpu.memory_space<hbm>> -> memref<1000xi32, #tpu.memory_space<hbm>>
      tpu.wait_dma2 semaphore(%run_scoped3A : memref<!tpu.dma_semaphore, #tpu.memory_space<semaphore_mem>>) src(%dma_wait3A_202 : memref<1000xi32, #tpu.memory_space<hbm>>) dst(%arg5 : memref<1000xi32, #tpu.memory_space<vmem>>)
      tpu.yield
    }) : () -> ()
    %dma_start3A_73 = arith.constant 0 : i32
    %dma_start3A_74 = arith.constant 0 : i32
    %dma_start3A_75 = tpu.memref_slice %arg2[%dma_start3A_73, %dma_start3A_74] : memref<10000x128xf32, #tpu.memory_space<hbm>> -> memref<10000x128xf32, #tpu.memory_space<hbm>>
    tpu.enqueue_indirect_dma source(%dma_start3A_75 : memref<10000x128xf32, #tpu.memory_space<hbm>>) target(%arg6 : memref<1000x128xf32, #tpu.memory_space<vmem>>) offsets(%arg5 : memref<1000xi32, #tpu.memory_space<vmem>>) semaphore(%arg7 : memref<!tpu.dma_semaphore, #tpu.memory_space<semaphore_mem>>)
    %dma_wait3A_76 = arith.constant 0 : i32
    %dma_wait3A_77 = arith.constant 0 : i32
    %dma_wait3A_78 = tpu.memref_slice %arg2[%dma_wait3A_76, %dma_wait3A_77] : memref<10000x128xf32, #tpu.memory_space<hbm>> -> memref<10000x128xf32, #tpu.memory_space<hbm>>
    tpu.wait_indirect_dma semaphore(%arg7 : memref<!tpu.dma_semaphore, #tpu.memory_space<semaphore_mem>>) src(%dma_wait3A_78 : memref<10000x128xf32, #tpu.memory_space<hbm>>) dst(%arg6 : memref<1000x128xf32, #tpu.memory_space<vmem>>)
    "tpu.region"() ({
      %run_scoped3A = tpu.sem_alloc : memref<!tpu.dma_semaphore, #tpu.memory_space<semaphore_mem>>
      %dma_start3A_199 = arith.constant 0 : i32
      %dma_start3A_200 = tpu.memref_slice %arg4[%add3A_72, %dma_start3A_199] : memref<640000x128xf32, #tpu.memory_space<hbm>> -> memref<1000x128xf32, #tpu.memory_space<hbm>>
      %dma_start3A_201 = arith.constant 0 : i32
      %dma_start3A_202 = tpu.memref_slice %arg4[%add3A_72, %dma_start3A_201] : memref<640000x128xf32, #tpu.memory_space<hbm>> -> memref<1000x128xf32, #tpu.memory_space<hbm>>
      tpu.enqueue_dma source(%arg6 : memref<1000x128xf32, #tpu.memory_space<vmem>>) target(%dma_start3A_202 : memref<1000x128xf32, #tpu.memory_space<hbm>>) target_semaphore(%run_scoped3A : memref<!tpu.dma_semaphore, #tpu.memory_space<semaphore_mem>>)
      %dma_wait3A_203 = arith.constant 0 : i32
      %dma_wait3A_204 = tpu.memref_slice %arg4[%add3A_72, %dma_wait3A_203] : memref<640000x128xf32, #tpu.memory_space<hbm>> -> memref<1000x128xf32, #tpu.memory_space<hbm>>
      %dma_wait3A_205 = arith.constant 0 : i32
      %dma_wait3A_206 = tpu.memref_slice %arg4[%add3A_72, %dma_wait3A_205] : memref<640000x128xf32, #tpu.memory_space<hbm>> -> memref<1000x128xf32, #tpu.memory_space<hbm>>
      tpu.wait_dma2 semaphore(%run_scoped3A : memref<!tpu.dma_semaphore, #tpu.memory_space<semaphore_mem>>) src(%arg6 : memref<1000x128xf32, #tpu.memory_space<vmem>>) dst(%dma_wait3A_206 : memref<1000x128xf32, #tpu.memory_space<hbm>>)
      tpu.yield
    }) : () -> ()
    %mul3A_79 = arith.constant 20000 : i32
    %mul3A_80 = arith.muli %add3A, %mul3A_79 : i32
    %add3A_81 = arith.constant 8000 : i32
    %add3A_82 = arith.addi %mul3A_80, %add3A_81 : i32
    "tpu.region"() ({
      %run_scoped3A = tpu.sem_alloc : memref<!tpu.dma_semaphore, #tpu.memory_space<semaphore_mem>>
      %dma_start3A_199 = tpu.memref_slice %arg3[%add3A_82] : memref<640000xi32, #tpu.memory_space<hbm>> -> memref<1000xi32, #tpu.memory_space<hbm>>
      %dma_start3A_200 = tpu.memref_slice %arg3[%add3A_82] : memref<640000xi32, #tpu.memory_space<hbm>> -> memref<1000xi32, #tpu.memory_space<hbm>>
      tpu.enqueue_dma source(%dma_start3A_200 : memref<1000xi32, #tpu.memory_space<hbm>>) target(%arg5 : memref<1000xi32, #tpu.memory_space<vmem>>) target_semaphore(%run_scoped3A : memref<!tpu.dma_semaphore, #tpu.memory_space<semaphore_mem>>)
      %dma_wait3A_201 = tpu.memref_slice %arg3[%add3A_82] : memref<640000xi32, #tpu.memory_space<hbm>> -> memref<1000xi32, #tpu.memory_space<hbm>>
      %dma_wait3A_202 = tpu.memref_slice %arg3[%add3A_82] : memref<640000xi32, #tpu.memory_space<hbm>> -> memref<1000xi32, #tpu.memory_space<hbm>>
      tpu.wait_dma2 semaphore(%run_scoped3A : memref<!tpu.dma_semaphore, #tpu.memory_space<semaphore_mem>>) src(%dma_wait3A_202 : memref<1000xi32, #tpu.memory_space<hbm>>) dst(%arg5 : memref<1000xi32, #tpu.memory_space<vmem>>)
      tpu.yield
    }) : () -> ()
    %dma_start3A_83 = arith.constant 0 : i32
    %dma_start3A_84 = arith.constant 0 : i32
    %dma_start3A_85 = tpu.memref_slice %arg2[%dma_start3A_83, %dma_start3A_84] : memref<10000x128xf32, #tpu.memory_space<hbm>> -> memref<10000x128xf32, #tpu.memory_space<hbm>>
    tpu.enqueue_indirect_dma source(%dma_start3A_85 : memref<10000x128xf32, #tpu.memory_space<hbm>>) target(%arg6 : memref<1000x128xf32, #tpu.memory_space<vmem>>) offsets(%arg5 : memref<1000xi32, #tpu.memory_space<vmem>>) semaphore(%arg7 : memref<!tpu.dma_semaphore, #tpu.memory_space<semaphore_mem>>)
    %dma_wait3A_86 = arith.constant 0 : i32
    %dma_wait3A_87 = arith.constant 0 : i32
    %dma_wait3A_88 = tpu.memref_slice %arg2[%dma_wait3A_86, %dma_wait3A_87] : memref<10000x128xf32, #tpu.memory_space<hbm>> -> memref<10000x128xf32, #tpu.memory_space<hbm>>
    tpu.wait_indirect_dma semaphore(%arg7 : memref<!tpu.dma_semaphore, #tpu.memory_space<semaphore_mem>>) src(%dma_wait3A_88 : memref<10000x128xf32, #tpu.memory_space<hbm>>) dst(%arg6 : memref<1000x128xf32, #tpu.memory_space<vmem>>)
    "tpu.region"() ({
      %run_scoped3A = tpu.sem_alloc : memref<!tpu.dma_semaphore, #tpu.memory_space<semaphore_mem>>
      %dma_start3A_199 = arith.constant 0 : i32
      %dma_start3A_200 = tpu.memref_slice %arg4[%add3A_82, %dma_start3A_199] : memref<640000x128xf32, #tpu.memory_space<hbm>> -> memref<1000x128xf32, #tpu.memory_space<hbm>>
      %dma_start3A_201 = arith.constant 0 : i32
      %dma_start3A_202 = tpu.memref_slice %arg4[%add3A_82, %dma_start3A_201] : memref<640000x128xf32, #tpu.memory_space<hbm>> -> memref<1000x128xf32, #tpu.memory_space<hbm>>
      tpu.enqueue_dma source(%arg6 : memref<1000x128xf32, #tpu.memory_space<vmem>>) target(%dma_start3A_202 : memref<1000x128xf32, #tpu.memory_space<hbm>>) target_semaphore(%run_scoped3A : memref<!tpu.dma_semaphore, #tpu.memory_space<semaphore_mem>>)
      %dma_wait3A_203 = arith.constant 0 : i32
      %dma_wait3A_204 = tpu.memref_slice %arg4[%add3A_82, %dma_wait3A_203] : memref<640000x128xf32, #tpu.memory_space<hbm>> -> memref<1000x128xf32, #tpu.memory_space<hbm>>
      %dma_wait3A_205 = arith.constant 0 : i32
      %dma_wait3A_206 = tpu.memref_slice %arg4[%add3A_82, %dma_wait3A_205] : memref<640000x128xf32, #tpu.memory_space<hbm>> -> memref<1000x128xf32, #tpu.memory_space<hbm>>
      tpu.wait_dma2 semaphore(%run_scoped3A : memref<!tpu.dma_semaphore, #tpu.memory_space<semaphore_mem>>) src(%arg6 : memref<1000x128xf32, #tpu.memory_space<vmem>>) dst(%dma_wait3A_206 : memref<1000x128xf32, #tpu.memory_space<hbm>>)
      tpu.yield
    }) : () -> ()
    %mul3A_89 = arith.constant 20000 : i32
    %mul3A_90 = arith.muli %add3A, %mul3A_89 : i32
    %add3A_91 = arith.constant 9000 : i32
    %add3A_92 = arith.addi %mul3A_90, %add3A_91 : i32
    "tpu.region"() ({
      %run_scoped3A = tpu.sem_alloc : memref<!tpu.dma_semaphore, #tpu.memory_space<semaphore_mem>>
      %dma_start3A_199 = tpu.memref_slice %arg3[%add3A_92] : memref<640000xi32, #tpu.memory_space<hbm>> -> memref<1000xi32, #tpu.memory_space<hbm>>
      %dma_start3A_200 = tpu.memref_slice %arg3[%add3A_92] : memref<640000xi32, #tpu.memory_space<hbm>> -> memref<1000xi32, #tpu.memory_space<hbm>>
      tpu.enqueue_dma source(%dma_start3A_200 : memref<1000xi32, #tpu.memory_space<hbm>>) target(%arg5 : memref<1000xi32, #tpu.memory_space<vmem>>) target_semaphore(%run_scoped3A : memref<!tpu.dma_semaphore, #tpu.memory_space<semaphore_mem>>)
      %dma_wait3A_201 = tpu.memref_slice %arg3[%add3A_92] : memref<640000xi32, #tpu.memory_space<hbm>> -> memref<1000xi32, #tpu.memory_space<hbm>>
      %dma_wait3A_202 = tpu.memref_slice %arg3[%add3A_92] : memref<640000xi32, #tpu.memory_space<hbm>> -> memref<1000xi32, #tpu.memory_space<hbm>>
      tpu.wait_dma2 semaphore(%run_scoped3A : memref<!tpu.dma_semaphore, #tpu.memory_space<semaphore_mem>>) src(%dma_wait3A_202 : memref<1000xi32, #tpu.memory_space<hbm>>) dst(%arg5 : memref<1000xi32, #tpu.memory_space<vmem>>)
      tpu.yield
    }) : () -> ()
    %dma_start3A_93 = arith.constant 0 : i32
    %dma_start3A_94 = arith.constant 0 : i32
    %dma_start3A_95 = tpu.memref_slice %arg2[%dma_start3A_93, %dma_start3A_94] : memref<10000x128xf32, #tpu.memory_space<hbm>> -> memref<10000x128xf32, #tpu.memory_space<hbm>>
    tpu.enqueue_indirect_dma source(%dma_start3A_95 : memref<10000x128xf32, #tpu.memory_space<hbm>>) target(%arg6 : memref<1000x128xf32, #tpu.memory_space<vmem>>) offsets(%arg5 : memref<1000xi32, #tpu.memory_space<vmem>>) semaphore(%arg7 : memref<!tpu.dma_semaphore, #tpu.memory_space<semaphore_mem>>)
    %dma_wait3A_96 = arith.constant 0 : i32
    %dma_wait3A_97 = arith.constant 0 : i32
    %dma_wait3A_98 = tpu.memref_slice %arg2[%dma_wait3A_96, %dma_wait3A_97] : memref<10000x128xf32, #tpu.memory_space<hbm>> -> memref<10000x128xf32, #tpu.memory_space<hbm>>
    tpu.wait_indirect_dma semaphore(%arg7 : memref<!tpu.dma_semaphore, #tpu.memory_space<semaphore_mem>>) src(%dma_wait3A_98 : memref<10000x128xf32, #tpu.memory_space<hbm>>) dst(%arg6 : memref<1000x128xf32, #tpu.memory_space<vmem>>)
    "tpu.region"() ({
      %run_scoped3A = tpu.sem_alloc : memref<!tpu.dma_semaphore, #tpu.memory_space<semaphore_mem>>
      %dma_start3A_199 = arith.constant 0 : i32
      %dma_start3A_200 = tpu.memref_slice %arg4[%add3A_92, %dma_start3A_199] : memref<640000x128xf32, #tpu.memory_space<hbm>> -> memref<1000x128xf32, #tpu.memory_space<hbm>>
      %dma_start3A_201 = arith.constant 0 : i32
      %dma_start3A_202 = tpu.memref_slice %arg4[%add3A_92, %dma_start3A_201] : memref<640000x128xf32, #tpu.memory_space<hbm>> -> memref<1000x128xf32, #tpu.memory_space<hbm>>
      tpu.enqueue_dma source(%arg6 : memref<1000x128xf32, #tpu.memory_space<vmem>>) target(%dma_start3A_202 : memref<1000x128xf32, #tpu.memory_space<hbm>>) target_semaphore(%run_scoped3A : memref<!tpu.dma_semaphore, #tpu.memory_space<semaphore_mem>>)
      %dma_wait3A_203 = arith.constant 0 : i32
      %dma_wait3A_204 = tpu.memref_slice %arg4[%add3A_92, %dma_wait3A_203] : memref<640000x128xf32, #tpu.memory_space<hbm>> -> memref<1000x128xf32, #tpu.memory_space<hbm>>
      %dma_wait3A_205 = arith.constant 0 : i32
      %dma_wait3A_206 = tpu.memref_slice %arg4[%add3A_92, %dma_wait3A_205] : memref<640000x128xf32, #tpu.memory_space<hbm>> -> memref<1000x128xf32, #tpu.memory_space<hbm>>
      tpu.wait_dma2 semaphore(%run_scoped3A : memref<!tpu.dma_semaphore, #tpu.memory_space<semaphore_mem>>) src(%arg6 : memref<1000x128xf32, #tpu.memory_space<vmem>>) dst(%dma_wait3A_206 : memref<1000x128xf32, #tpu.memory_space<hbm>>)
      tpu.yield
    }) : () -> ()
    %mul3A_99 = arith.constant 20000 : i32
    %mul3A_100 = arith.muli %add3A, %mul3A_99 : i32
    %add3A_101 = arith.constant 10000 : i32
    %add3A_102 = arith.addi %mul3A_100, %add3A_101 : i32
    "tpu.region"() ({
      %run_scoped3A = tpu.sem_alloc : memref<!tpu.dma_semaphore, #tpu.memory_space<semaphore_mem>>
      %dma_start3A_199 = tpu.memref_slice %arg3[%add3A_102] : memref<640000xi32, #tpu.memory_space<hbm>> -> memref<1000xi32, #tpu.memory_space<hbm>>
      %dma_start3A_200 = tpu.memref_slice %arg3[%add3A_102] : memref<640000xi32, #tpu.memory_space<hbm>> -> memref<1000xi32, #tpu.memory_space<hbm>>
      tpu.enqueue_dma source(%dma_start3A_200 : memref<1000xi32, #tpu.memory_space<hbm>>) target(%arg5 : memref<1000xi32, #tpu.memory_space<vmem>>) target_semaphore(%run_scoped3A : memref<!tpu.dma_semaphore, #tpu.memory_space<semaphore_mem>>)
      %dma_wait3A_201 = tpu.memref_slice %arg3[%add3A_102] : memref<640000xi32, #tpu.memory_space<hbm>> -> memref<1000xi32, #tpu.memory_space<hbm>>
      %dma_wait3A_202 = tpu.memref_slice %arg3[%add3A_102] : memref<640000xi32, #tpu.memory_space<hbm>> -> memref<1000xi32, #tpu.memory_space<hbm>>
      tpu.wait_dma2 semaphore(%run_scoped3A : memref<!tpu.dma_semaphore, #tpu.memory_space<semaphore_mem>>) src(%dma_wait3A_202 : memref<1000xi32, #tpu.memory_space<hbm>>) dst(%arg5 : memref<1000xi32, #tpu.memory_space<vmem>>)
      tpu.yield
    }) : () -> ()
    %dma_start3A_103 = arith.constant 0 : i32
    %dma_start3A_104 = arith.constant 0 : i32
    %dma_start3A_105 = tpu.memref_slice %arg2[%dma_start3A_103, %dma_start3A_104] : memref<10000x128xf32, #tpu.memory_space<hbm>> -> memref<10000x128xf32, #tpu.memory_space<hbm>>
    tpu.enqueue_indirect_dma source(%dma_start3A_105 : memref<10000x128xf32, #tpu.memory_space<hbm>>) target(%arg6 : memref<1000x128xf32, #tpu.memory_space<vmem>>) offsets(%arg5 : memref<1000xi32, #tpu.memory_space<vmem>>) semaphore(%arg7 : memref<!tpu.dma_semaphore, #tpu.memory_space<semaphore_mem>>)
    %dma_wait3A_106 = arith.constant 0 : i32
    %dma_wait3A_107 = arith.constant 0 : i32
    %dma_wait3A_108 = tpu.memref_slice %arg2[%dma_wait3A_106, %dma_wait3A_107] : memref<10000x128xf32, #tpu.memory_space<hbm>> -> memref<10000x128xf32, #tpu.memory_space<hbm>>
    tpu.wait_indirect_dma semaphore(%arg7 : memref<!tpu.dma_semaphore, #tpu.memory_space<semaphore_mem>>) src(%dma_wait3A_108 : memref<10000x128xf32, #tpu.memory_space<hbm>>) dst(%arg6 : memref<1000x128xf32, #tpu.memory_space<vmem>>)
    "tpu.region"() ({
      %run_scoped3A = tpu.sem_alloc : memref<!tpu.dma_semaphore, #tpu.memory_space<semaphore_mem>>
      %dma_start3A_199 = arith.constant 0 : i32
      %dma_start3A_200 = tpu.memref_slice %arg4[%add3A_102, %dma_start3A_199] : memref<640000x128xf32, #tpu.memory_space<hbm>> -> memref<1000x128xf32, #tpu.memory_space<hbm>>
      %dma_start3A_201 = arith.constant 0 : i32
      %dma_start3A_202 = tpu.memref_slice %arg4[%add3A_102, %dma_start3A_201] : memref<640000x128xf32, #tpu.memory_space<hbm>> -> memref<1000x128xf32, #tpu.memory_space<hbm>>
      tpu.enqueue_dma source(%arg6 : memref<1000x128xf32, #tpu.memory_space<vmem>>) target(%dma_start3A_202 : memref<1000x128xf32, #tpu.memory_space<hbm>>) target_semaphore(%run_scoped3A : memref<!tpu.dma_semaphore, #tpu.memory_space<semaphore_mem>>)
      %dma_wait3A_203 = arith.constant 0 : i32
      %dma_wait3A_204 = tpu.memref_slice %arg4[%add3A_102, %dma_wait3A_203] : memref<640000x128xf32, #tpu.memory_space<hbm>> -> memref<1000x128xf32, #tpu.memory_space<hbm>>
      %dma_wait3A_205 = arith.constant 0 : i32
      %dma_wait3A_206 = tpu.memref_slice %arg4[%add3A_102, %dma_wait3A_205] : memref<640000x128xf32, #tpu.memory_space<hbm>> -> memref<1000x128xf32, #tpu.memory_space<hbm>>
      tpu.wait_dma2 semaphore(%run_scoped3A : memref<!tpu.dma_semaphore, #tpu.memory_space<semaphore_mem>>) src(%arg6 : memref<1000x128xf32, #tpu.memory_space<vmem>>) dst(%dma_wait3A_206 : memref<1000x128xf32, #tpu.memory_space<hbm>>)
      tpu.yield
    }) : () -> ()
    %mul3A_109 = arith.constant 20000 : i32
    %mul3A_110 = arith.muli %add3A, %mul3A_109 : i32
    %add3A_111 = arith.constant 11000 : i32
    %add3A_112 = arith.addi %mul3A_110, %add3A_111 : i32
    "tpu.region"() ({
      %run_scoped3A = tpu.sem_alloc : memref<!tpu.dma_semaphore, #tpu.memory_space<semaphore_mem>>
      %dma_start3A_199 = tpu.memref_slice %arg3[%add3A_112] : memref<640000xi32, #tpu.memory_space<hbm>> -> memref<1000xi32, #tpu.memory_space<hbm>>
      %dma_start3A_200 = tpu.memref_slice %arg3[%add3A_112] : memref<640000xi32, #tpu.memory_space<hbm>> -> memref<1000xi32, #tpu.memory_space<hbm>>
      tpu.enqueue_dma source(%dma_start3A_200 : memref<1000xi32, #tpu.memory_space<hbm>>) target(%arg5 : memref<1000xi32, #tpu.memory_space<vmem>>) target_semaphore(%run_scoped3A : memref<!tpu.dma_semaphore, #tpu.memory_space<semaphore_mem>>)
      %dma_wait3A_201 = tpu.memref_slice %arg3[%add3A_112] : memref<640000xi32, #tpu.memory_space<hbm>> -> memref<1000xi32, #tpu.memory_space<hbm>>
      %dma_wait3A_202 = tpu.memref_slice %arg3[%add3A_112] : memref<640000xi32, #tpu.memory_space<hbm>> -> memref<1000xi32, #tpu.memory_space<hbm>>
      tpu.wait_dma2 semaphore(%run_scoped3A : memref<!tpu.dma_semaphore, #tpu.memory_space<semaphore_mem>>) src(%dma_wait3A_202 : memref<1000xi32, #tpu.memory_space<hbm>>) dst(%arg5 : memref<1000xi32, #tpu.memory_space<vmem>>)
      tpu.yield
    }) : () -> ()
    %dma_start3A_113 = arith.constant 0 : i32
    %dma_start3A_114 = arith.constant 0 : i32
    %dma_start3A_115 = tpu.memref_slice %arg2[%dma_start3A_113, %dma_start3A_114] : memref<10000x128xf32, #tpu.memory_space<hbm>> -> memref<10000x128xf32, #tpu.memory_space<hbm>>
    tpu.enqueue_indirect_dma source(%dma_start3A_115 : memref<10000x128xf32, #tpu.memory_space<hbm>>) target(%arg6 : memref<1000x128xf32, #tpu.memory_space<vmem>>) offsets(%arg5 : memref<1000xi32, #tpu.memory_space<vmem>>) semaphore(%arg7 : memref<!tpu.dma_semaphore, #tpu.memory_space<semaphore_mem>>)
    %dma_wait3A_116 = arith.constant 0 : i32
    %dma_wait3A_117 = arith.constant 0 : i32
    %dma_wait3A_118 = tpu.memref_slice %arg2[%dma_wait3A_116, %dma_wait3A_117] : memref<10000x128xf32, #tpu.memory_space<hbm>> -> memref<10000x128xf32, #tpu.memory_space<hbm>>
    tpu.wait_indirect_dma semaphore(%arg7 : memref<!tpu.dma_semaphore, #tpu.memory_space<semaphore_mem>>) src(%dma_wait3A_118 : memref<10000x128xf32, #tpu.memory_space<hbm>>) dst(%arg6 : memref<1000x128xf32, #tpu.memory_space<vmem>>)
    "tpu.region"() ({
      %run_scoped3A = tpu.sem_alloc : memref<!tpu.dma_semaphore, #tpu.memory_space<semaphore_mem>>
      %dma_start3A_199 = arith.constant 0 : i32
      %dma_start3A_200 = tpu.memref_slice %arg4[%add3A_112, %dma_start3A_199] : memref<640000x128xf32, #tpu.memory_space<hbm>> -> memref<1000x128xf32, #tpu.memory_space<hbm>>
      %dma_start3A_201 = arith.constant 0 : i32
      %dma_start3A_202 = tpu.memref_slice %arg4[%add3A_112, %dma_start3A_201] : memref<640000x128xf32, #tpu.memory_space<hbm>> -> memref<1000x128xf32, #tpu.memory_space<hbm>>
      tpu.enqueue_dma source(%arg6 : memref<1000x128xf32, #tpu.memory_space<vmem>>) target(%dma_start3A_202 : memref<1000x128xf32, #tpu.memory_space<hbm>>) target_semaphore(%run_scoped3A : memref<!tpu.dma_semaphore, #tpu.memory_space<semaphore_mem>>)
      %dma_wait3A_203 = arith.constant 0 : i32
      %dma_wait3A_204 = tpu.memref_slice %arg4[%add3A_112, %dma_wait3A_203] : memref<640000x128xf32, #tpu.memory_space<hbm>> -> memref<1000x128xf32, #tpu.memory_space<hbm>>
      %dma_wait3A_205 = arith.constant 0 : i32
      %dma_wait3A_206 = tpu.memref_slice %arg4[%add3A_112, %dma_wait3A_205] : memref<640000x128xf32, #tpu.memory_space<hbm>> -> memref<1000x128xf32, #tpu.memory_space<hbm>>
      tpu.wait_dma2 semaphore(%run_scoped3A : memref<!tpu.dma_semaphore, #tpu.memory_space<semaphore_mem>>) src(%arg6 : memref<1000x128xf32, #tpu.memory_space<vmem>>) dst(%dma_wait3A_206 : memref<1000x128xf32, #tpu.memory_space<hbm>>)
      tpu.yield
    }) : () -> ()
    %mul3A_119 = arith.constant 20000 : i32
    %mul3A_120 = arith.muli %add3A, %mul3A_119 : i32
    %add3A_121 = arith.constant 12000 : i32
    %add3A_122 = arith.addi %mul3A_120, %add3A_121 : i32
    "tpu.region"() ({
      %run_scoped3A = tpu.sem_alloc : memref<!tpu.dma_semaphore, #tpu.memory_space<semaphore_mem>>
      %dma_start3A_199 = tpu.memref_slice %arg3[%add3A_122] : memref<640000xi32, #tpu.memory_space<hbm>> -> memref<1000xi32, #tpu.memory_space<hbm>>
      %dma_start3A_200 = tpu.memref_slice %arg3[%add3A_122] : memref<640000xi32, #tpu.memory_space<hbm>> -> memref<1000xi32, #tpu.memory_space<hbm>>
      tpu.enqueue_dma source(%dma_start3A_200 : memref<1000xi32, #tpu.memory_space<hbm>>) target(%arg5 : memref<1000xi32, #tpu.memory_space<vmem>>) target_semaphore(%run_scoped3A : memref<!tpu.dma_semaphore, #tpu.memory_space<semaphore_mem>>)
      %dma_wait3A_201 = tpu.memref_slice %arg3[%add3A_122] : memref<640000xi32, #tpu.memory_space<hbm>> -> memref<1000xi32, #tpu.memory_space<hbm>>
      %dma_wait3A_202 = tpu.memref_slice %arg3[%add3A_122] : memref<640000xi32, #tpu.memory_space<hbm>> -> memref<1000xi32, #tpu.memory_space<hbm>>
      tpu.wait_dma2 semaphore(%run_scoped3A : memref<!tpu.dma_semaphore, #tpu.memory_space<semaphore_mem>>) src(%dma_wait3A_202 : memref<1000xi32, #tpu.memory_space<hbm>>) dst(%arg5 : memref<1000xi32, #tpu.memory_space<vmem>>)
      tpu.yield
    }) : () -> ()
    %dma_start3A_123 = arith.constant 0 : i32
    %dma_start3A_124 = arith.constant 0 : i32
    %dma_start3A_125 = tpu.memref_slice %arg2[%dma_start3A_123, %dma_start3A_124] : memref<10000x128xf32, #tpu.memory_space<hbm>> -> memref<10000x128xf32, #tpu.memory_space<hbm>>
    tpu.enqueue_indirect_dma source(%dma_start3A_125 : memref<10000x128xf32, #tpu.memory_space<hbm>>) target(%arg6 : memref<1000x128xf32, #tpu.memory_space<vmem>>) offsets(%arg5 : memref<1000xi32, #tpu.memory_space<vmem>>) semaphore(%arg7 : memref<!tpu.dma_semaphore, #tpu.memory_space<semaphore_mem>>)
    %dma_wait3A_126 = arith.constant 0 : i32
    %dma_wait3A_127 = arith.constant 0 : i32
    %dma_wait3A_128 = tpu.memref_slice %arg2[%dma_wait3A_126, %dma_wait3A_127] : memref<10000x128xf32, #tpu.memory_space<hbm>> -> memref<10000x128xf32, #tpu.memory_space<hbm>>
    tpu.wait_indirect_dma semaphore(%arg7 : memref<!tpu.dma_semaphore, #tpu.memory_space<semaphore_mem>>) src(%dma_wait3A_128 : memref<10000x128xf32, #tpu.memory_space<hbm>>) dst(%arg6 : memref<1000x128xf32, #tpu.memory_space<vmem>>)
    "tpu.region"() ({
      %run_scoped3A = tpu.sem_alloc : memref<!tpu.dma_semaphore, #tpu.memory_space<semaphore_mem>>
      %dma_start3A_199 = arith.constant 0 : i32
      %dma_start3A_200 = tpu.memref_slice %arg4[%add3A_122, %dma_start3A_199] : memref<640000x128xf32, #tpu.memory_space<hbm>> -> memref<1000x128xf32, #tpu.memory_space<hbm>>
      %dma_start3A_201 = arith.constant 0 : i32
      %dma_start3A_202 = tpu.memref_slice %arg4[%add3A_122, %dma_start3A_201] : memref<640000x128xf32, #tpu.memory_space<hbm>> -> memref<1000x128xf32, #tpu.memory_space<hbm>>
      tpu.enqueue_dma source(%arg6 : memref<1000x128xf32, #tpu.memory_space<vmem>>) target(%dma_start3A_202 : memref<1000x128xf32, #tpu.memory_space<hbm>>) target_semaphore(%run_scoped3A : memref<!tpu.dma_semaphore, #tpu.memory_space<semaphore_mem>>)
      %dma_wait3A_203 = arith.constant 0 : i32
      %dma_wait3A_204 = tpu.memref_slice %arg4[%add3A_122, %dma_wait3A_203] : memref<640000x128xf32, #tpu.memory_space<hbm>> -> memref<1000x128xf32, #tpu.memory_space<hbm>>
      %dma_wait3A_205 = arith.constant 0 : i32
      %dma_wait3A_206 = tpu.memref_slice %arg4[%add3A_122, %dma_wait3A_205] : memref<640000x128xf32, #tpu.memory_space<hbm>> -> memref<1000x128xf32, #tpu.memory_space<hbm>>
      tpu.wait_dma2 semaphore(%run_scoped3A : memref<!tpu.dma_semaphore, #tpu.memory_space<semaphore_mem>>) src(%arg6 : memref<1000x128xf32, #tpu.memory_space<vmem>>) dst(%dma_wait3A_206 : memref<1000x128xf32, #tpu.memory_space<hbm>>)
      tpu.yield
    }) : () -> ()
    %mul3A_129 = arith.constant 20000 : i32
    %mul3A_130 = arith.muli %add3A, %mul3A_129 : i32
    %add3A_131 = arith.constant 13000 : i32
    %add3A_132 = arith.addi %mul3A_130, %add3A_131 : i32
    "tpu.region"() ({
      %run_scoped3A = tpu.sem_alloc : memref<!tpu.dma_semaphore, #tpu.memory_space<semaphore_mem>>
      %dma_start3A_199 = tpu.memref_slice %arg3[%add3A_132] : memref<640000xi32, #tpu.memory_space<hbm>> -> memref<1000xi32, #tpu.memory_space<hbm>>
      %dma_start3A_200 = tpu.memref_slice %arg3[%add3A_132] : memref<640000xi32, #tpu.memory_space<hbm>> -> memref<1000xi32, #tpu.memory_space<hbm>>
      tpu.enqueue_dma source(%dma_start3A_200 : memref<1000xi32, #tpu.memory_space<hbm>>) target(%arg5 : memref<1000xi32, #tpu.memory_space<vmem>>) target_semaphore(%run_scoped3A : memref<!tpu.dma_semaphore, #tpu.memory_space<semaphore_mem>>)
      %dma_wait3A_201 = tpu.memref_slice %arg3[%add3A_132] : memref<640000xi32, #tpu.memory_space<hbm>> -> memref<1000xi32, #tpu.memory_space<hbm>>
      %dma_wait3A_202 = tpu.memref_slice %arg3[%add3A_132] : memref<640000xi32, #tpu.memory_space<hbm>> -> memref<1000xi32, #tpu.memory_space<hbm>>
      tpu.wait_dma2 semaphore(%run_scoped3A : memref<!tpu.dma_semaphore, #tpu.memory_space<semaphore_mem>>) src(%dma_wait3A_202 : memref<1000xi32, #tpu.memory_space<hbm>>) dst(%arg5 : memref<1000xi32, #tpu.memory_space<vmem>>)
      tpu.yield
    }) : () -> ()
    %dma_start3A_133 = arith.constant 0 : i32
    %dma_start3A_134 = arith.constant 0 : i32
    %dma_start3A_135 = tpu.memref_slice %arg2[%dma_start3A_133, %dma_start3A_134] : memref<10000x128xf32, #tpu.memory_space<hbm>> -> memref<10000x128xf32, #tpu.memory_space<hbm>>
    tpu.enqueue_indirect_dma source(%dma_start3A_135 : memref<10000x128xf32, #tpu.memory_space<hbm>>) target(%arg6 : memref<1000x128xf32, #tpu.memory_space<vmem>>) offsets(%arg5 : memref<1000xi32, #tpu.memory_space<vmem>>) semaphore(%arg7 : memref<!tpu.dma_semaphore, #tpu.memory_space<semaphore_mem>>)
    %dma_wait3A_136 = arith.constant 0 : i32
    %dma_wait3A_137 = arith.constant 0 : i32
    %dma_wait3A_138 = tpu.memref_slice %arg2[%dma_wait3A_136, %dma_wait3A_137] : memref<10000x128xf32, #tpu.memory_space<hbm>> -> memref<10000x128xf32, #tpu.memory_space<hbm>>
    tpu.wait_indirect_dma semaphore(%arg7 : memref<!tpu.dma_semaphore, #tpu.memory_space<semaphore_mem>>) src(%dma_wait3A_138 : memref<10000x128xf32, #tpu.memory_space<hbm>>) dst(%arg6 : memref<1000x128xf32, #tpu.memory_space<vmem>>)
    "tpu.region"() ({
      %run_scoped3A = tpu.sem_alloc : memref<!tpu.dma_semaphore, #tpu.memory_space<semaphore_mem>>
      %dma_start3A_199 = arith.constant 0 : i32
      %dma_start3A_200 = tpu.memref_slice %arg4[%add3A_132, %dma_start3A_199] : memref<640000x128xf32, #tpu.memory_space<hbm>> -> memref<1000x128xf32, #tpu.memory_space<hbm>>
      %dma_start3A_201 = arith.constant 0 : i32
      %dma_start3A_202 = tpu.memref_slice %arg4[%add3A_132, %dma_start3A_201] : memref<640000x128xf32, #tpu.memory_space<hbm>> -> memref<1000x128xf32, #tpu.memory_space<hbm>>
      tpu.enqueue_dma source(%arg6 : memref<1000x128xf32, #tpu.memory_space<vmem>>) target(%dma_start3A_202 : memref<1000x128xf32, #tpu.memory_space<hbm>>) target_semaphore(%run_scoped3A : memref<!tpu.dma_semaphore, #tpu.memory_space<semaphore_mem>>)
      %dma_wait3A_203 = arith.constant 0 : i32
      %dma_wait3A_204 = tpu.memref_slice %arg4[%add3A_132, %dma_wait3A_203] : memref<640000x128xf32, #tpu.memory_space<hbm>> -> memref<1000x128xf32, #tpu.memory_space<hbm>>
      %dma_wait3A_205 = arith.constant 0 : i32
      %dma_wait3A_206 = tpu.memref_slice %arg4[%add3A_132, %dma_wait3A_205] : memref<640000x128xf32, #tpu.memory_space<hbm>> -> memref<1000x128xf32, #tpu.memory_space<hbm>>
      tpu.wait_dma2 semaphore(%run_scoped3A : memref<!tpu.dma_semaphore, #tpu.memory_space<semaphore_mem>>) src(%arg6 : memref<1000x128xf32, #tpu.memory_space<vmem>>) dst(%dma_wait3A_206 : memref<1000x128xf32, #tpu.memory_space<hbm>>)
      tpu.yield
    }) : () -> ()
    %mul3A_139 = arith.constant 20000 : i32
    %mul3A_140 = arith.muli %add3A, %mul3A_139 : i32
    %add3A_141 = arith.constant 14000 : i32
    %add3A_142 = arith.addi %mul3A_140, %add3A_141 : i32
    "tpu.region"() ({
      %run_scoped3A = tpu.sem_alloc : memref<!tpu.dma_semaphore, #tpu.memory_space<semaphore_mem>>
      %dma_start3A_199 = tpu.memref_slice %arg3[%add3A_142] : memref<640000xi32, #tpu.memory_space<hbm>> -> memref<1000xi32, #tpu.memory_space<hbm>>
      %dma_start3A_200 = tpu.memref_slice %arg3[%add3A_142] : memref<640000xi32, #tpu.memory_space<hbm>> -> memref<1000xi32, #tpu.memory_space<hbm>>
      tpu.enqueue_dma source(%dma_start3A_200 : memref<1000xi32, #tpu.memory_space<hbm>>) target(%arg5 : memref<1000xi32, #tpu.memory_space<vmem>>) target_semaphore(%run_scoped3A : memref<!tpu.dma_semaphore, #tpu.memory_space<semaphore_mem>>)
      %dma_wait3A_201 = tpu.memref_slice %arg3[%add3A_142] : memref<640000xi32, #tpu.memory_space<hbm>> -> memref<1000xi32, #tpu.memory_space<hbm>>
      %dma_wait3A_202 = tpu.memref_slice %arg3[%add3A_142] : memref<640000xi32, #tpu.memory_space<hbm>> -> memref<1000xi32, #tpu.memory_space<hbm>>
      tpu.wait_dma2 semaphore(%run_scoped3A : memref<!tpu.dma_semaphore, #tpu.memory_space<semaphore_mem>>) src(%dma_wait3A_202 : memref<1000xi32, #tpu.memory_space<hbm>>) dst(%arg5 : memref<1000xi32, #tpu.memory_space<vmem>>)
      tpu.yield
    }) : () -> ()
    %dma_start3A_143 = arith.constant 0 : i32
    %dma_start3A_144 = arith.constant 0 : i32
    %dma_start3A_145 = tpu.memref_slice %arg2[%dma_start3A_143, %dma_start3A_144] : memref<10000x128xf32, #tpu.memory_space<hbm>> -> memref<10000x128xf32, #tpu.memory_space<hbm>>
    tpu.enqueue_indirect_dma source(%dma_start3A_145 : memref<10000x128xf32, #tpu.memory_space<hbm>>) target(%arg6 : memref<1000x128xf32, #tpu.memory_space<vmem>>) offsets(%arg5 : memref<1000xi32, #tpu.memory_space<vmem>>) semaphore(%arg7 : memref<!tpu.dma_semaphore, #tpu.memory_space<semaphore_mem>>)
    %dma_wait3A_146 = arith.constant 0 : i32
    %dma_wait3A_147 = arith.constant 0 : i32
    %dma_wait3A_148 = tpu.memref_slice %arg2[%dma_wait3A_146, %dma_wait3A_147] : memref<10000x128xf32, #tpu.memory_space<hbm>> -> memref<10000x128xf32, #tpu.memory_space<hbm>>
    tpu.wait_indirect_dma semaphore(%arg7 : memref<!tpu.dma_semaphore, #tpu.memory_space<semaphore_mem>>) src(%dma_wait3A_148 : memref<10000x128xf32, #tpu.memory_space<hbm>>) dst(%arg6 : memref<1000x128xf32, #tpu.memory_space<vmem>>)
    "tpu.region"() ({
      %run_scoped3A = tpu.sem_alloc : memref<!tpu.dma_semaphore, #tpu.memory_space<semaphore_mem>>
      %dma_start3A_199 = arith.constant 0 : i32
      %dma_start3A_200 = tpu.memref_slice %arg4[%add3A_142, %dma_start3A_199] : memref<640000x128xf32, #tpu.memory_space<hbm>> -> memref<1000x128xf32, #tpu.memory_space<hbm>>
      %dma_start3A_201 = arith.constant 0 : i32
      %dma_start3A_202 = tpu.memref_slice %arg4[%add3A_142, %dma_start3A_201] : memref<640000x128xf32, #tpu.memory_space<hbm>> -> memref<1000x128xf32, #tpu.memory_space<hbm>>
      tpu.enqueue_dma source(%arg6 : memref<1000x128xf32, #tpu.memory_space<vmem>>) target(%dma_start3A_202 : memref<1000x128xf32, #tpu.memory_space<hbm>>) target_semaphore(%run_scoped3A : memref<!tpu.dma_semaphore, #tpu.memory_space<semaphore_mem>>)
      %dma_wait3A_203 = arith.constant 0 : i32
      %dma_wait3A_204 = tpu.memref_slice %arg4[%add3A_142, %dma_wait3A_203] : memref<640000x128xf32, #tpu.memory_space<hbm>> -> memref<1000x128xf32, #tpu.memory_space<hbm>>
      %dma_wait3A_205 = arith.constant 0 : i32
      %dma_wait3A_206 = tpu.memref_slice %arg4[%add3A_142, %dma_wait3A_205] : memref<640000x128xf32, #tpu.memory_space<hbm>> -> memref<1000x128xf32, #tpu.memory_space<hbm>>
      tpu.wait_dma2 semaphore(%run_scoped3A : memref<!tpu.dma_semaphore, #tpu.memory_space<semaphore_mem>>) src(%arg6 : memref<1000x128xf32, #tpu.memory_space<vmem>>) dst(%dma_wait3A_206 : memref<1000x128xf32, #tpu.memory_space<hbm>>)
      tpu.yield
    }) : () -> ()
    %mul3A_149 = arith.constant 20000 : i32
    %mul3A_150 = arith.muli %add3A, %mul3A_149 : i32
    %add3A_151 = arith.constant 15000 : i32
    %add3A_152 = arith.addi %mul3A_150, %add3A_151 : i32
    "tpu.region"() ({
      %run_scoped3A = tpu.sem_alloc : memref<!tpu.dma_semaphore, #tpu.memory_space<semaphore_mem>>
      %dma_start3A_199 = tpu.memref_slice %arg3[%add3A_152] : memref<640000xi32, #tpu.memory_space<hbm>> -> memref<1000xi32, #tpu.memory_space<hbm>>
      %dma_start3A_200 = tpu.memref_slice %arg3[%add3A_152] : memref<640000xi32, #tpu.memory_space<hbm>> -> memref<1000xi32, #tpu.memory_space<hbm>>
      tpu.enqueue_dma source(%dma_start3A_200 : memref<1000xi32, #tpu.memory_space<hbm>>) target(%arg5 : memref<1000xi32, #tpu.memory_space<vmem>>) target_semaphore(%run_scoped3A : memref<!tpu.dma_semaphore, #tpu.memory_space<semaphore_mem>>)
      %dma_wait3A_201 = tpu.memref_slice %arg3[%add3A_152] : memref<640000xi32, #tpu.memory_space<hbm>> -> memref<1000xi32, #tpu.memory_space<hbm>>
      %dma_wait3A_202 = tpu.memref_slice %arg3[%add3A_152] : memref<640000xi32, #tpu.memory_space<hbm>> -> memref<1000xi32, #tpu.memory_space<hbm>>
      tpu.wait_dma2 semaphore(%run_scoped3A : memref<!tpu.dma_semaphore, #tpu.memory_space<semaphore_mem>>) src(%dma_wait3A_202 : memref<1000xi32, #tpu.memory_space<hbm>>) dst(%arg5 : memref<1000xi32, #tpu.memory_space<vmem>>)
      tpu.yield
    }) : () -> ()
    %dma_start3A_153 = arith.constant 0 : i32
    %dma_start3A_154 = arith.constant 0 : i32
    %dma_start3A_155 = tpu.memref_slice %arg2[%dma_start3A_153, %dma_start3A_154] : memref<10000x128xf32, #tpu.memory_space<hbm>> -> memref<10000x128xf32, #tpu.memory_space<hbm>>
    tpu.enqueue_indirect_dma source(%dma_start3A_155 : memref<10000x128xf32, #tpu.memory_space<hbm>>) target(%arg6 : memref<1000x128xf32, #tpu.memory_space<vmem>>) offsets(%arg5 : memref<1000xi32, #tpu.memory_space<vmem>>) semaphore(%arg7 : memref<!tpu.dma_semaphore, #tpu.memory_space<semaphore_mem>>)
    %dma_wait3A_156 = arith.constant 0 : i32
    %dma_wait3A_157 = arith.constant 0 : i32
    %dma_wait3A_158 = tpu.memref_slice %arg2[%dma_wait3A_156, %dma_wait3A_157] : memref<10000x128xf32, #tpu.memory_space<hbm>> -> memref<10000x128xf32, #tpu.memory_space<hbm>>
    tpu.wait_indirect_dma semaphore(%arg7 : memref<!tpu.dma_semaphore, #tpu.memory_space<semaphore_mem>>) src(%dma_wait3A_158 : memref<10000x128xf32, #tpu.memory_space<hbm>>) dst(%arg6 : memref<1000x128xf32, #tpu.memory_space<vmem>>)
    "tpu.region"() ({
      %run_scoped3A = tpu.sem_alloc : memref<!tpu.dma_semaphore, #tpu.memory_space<semaphore_mem>>
      %dma_start3A_199 = arith.constant 0 : i32
      %dma_start3A_200 = tpu.memref_slice %arg4[%add3A_152, %dma_start3A_199] : memref<640000x128xf32, #tpu.memory_space<hbm>> -> memref<1000x128xf32, #tpu.memory_space<hbm>>
      %dma_start3A_201 = arith.constant 0 : i32
      %dma_start3A_202 = tpu.memref_slice %arg4[%add3A_152, %dma_start3A_201] : memref<640000x128xf32, #tpu.memory_space<hbm>> -> memref<1000x128xf32, #tpu.memory_space<hbm>>
      tpu.enqueue_dma source(%arg6 : memref<1000x128xf32, #tpu.memory_space<vmem>>) target(%dma_start3A_202 : memref<1000x128xf32, #tpu.memory_space<hbm>>) target_semaphore(%run_scoped3A : memref<!tpu.dma_semaphore, #tpu.memory_space<semaphore_mem>>)
      %dma_wait3A_203 = arith.constant 0 : i32
      %dma_wait3A_204 = tpu.memref_slice %arg4[%add3A_152, %dma_wait3A_203] : memref<640000x128xf32, #tpu.memory_space<hbm>> -> memref<1000x128xf32, #tpu.memory_space<hbm>>
      %dma_wait3A_205 = arith.constant 0 : i32
      %dma_wait3A_206 = tpu.memref_slice %arg4[%add3A_152, %dma_wait3A_205] : memref<640000x128xf32, #tpu.memory_space<hbm>> -> memref<1000x128xf32, #tpu.memory_space<hbm>>
      tpu.wait_dma2 semaphore(%run_scoped3A : memref<!tpu.dma_semaphore, #tpu.memory_space<semaphore_mem>>) src(%arg6 : memref<1000x128xf32, #tpu.memory_space<vmem>>) dst(%dma_wait3A_206 : memref<1000x128xf32, #tpu.memory_space<hbm>>)
      tpu.yield
    }) : () -> ()
    %mul3A_159 = arith.constant 20000 : i32
    %mul3A_160 = arith.muli %add3A, %mul3A_159 : i32
    %add3A_161 = arith.constant 16000 : i32
    %add3A_162 = arith.addi %mul3A_160, %add3A_161 : i32
    "tpu.region"() ({
      %run_scoped3A = tpu.sem_alloc : memref<!tpu.dma_semaphore, #tpu.memory_space<semaphore_mem>>
      %dma_start3A_199 = tpu.memref_slice %arg3[%add3A_162] : memref<640000xi32, #tpu.memory_space<hbm>> -> memref<1000xi32, #tpu.memory_space<hbm>>
      %dma_start3A_200 = tpu.memref_slice %arg3[%add3A_162] : memref<640000xi32, #tpu.memory_space<hbm>> -> memref<1000xi32, #tpu.memory_space<hbm>>
      tpu.enqueue_dma source(%dma_start3A_200 : memref<1000xi32, #tpu.memory_space<hbm>>) target(%arg5 : memref<1000xi32, #tpu.memory_space<vmem>>) target_semaphore(%run_scoped3A : memref<!tpu.dma_semaphore, #tpu.memory_space<semaphore_mem>>)
      %dma_wait3A_201 = tpu.memref_slice %arg3[%add3A_162] : memref<640000xi32, #tpu.memory_space<hbm>> -> memref<1000xi32, #tpu.memory_space<hbm>>
      %dma_wait3A_202 = tpu.memref_slice %arg3[%add3A_162] : memref<640000xi32, #tpu.memory_space<hbm>> -> memref<1000xi32, #tpu.memory_space<hbm>>
      tpu.wait_dma2 semaphore(%run_scoped3A : memref<!tpu.dma_semaphore, #tpu.memory_space<semaphore_mem>>) src(%dma_wait3A_202 : memref<1000xi32, #tpu.memory_space<hbm>>) dst(%arg5 : memref<1000xi32, #tpu.memory_space<vmem>>)
      tpu.yield
    }) : () -> ()
    %dma_start3A_163 = arith.constant 0 : i32
    %dma_start3A_164 = arith.constant 0 : i32
    %dma_start3A_165 = tpu.memref_slice %arg2[%dma_start3A_163, %dma_start3A_164] : memref<10000x128xf32, #tpu.memory_space<hbm>> -> memref<10000x128xf32, #tpu.memory_space<hbm>>
    tpu.enqueue_indirect_dma source(%dma_start3A_165 : memref<10000x128xf32, #tpu.memory_space<hbm>>) target(%arg6 : memref<1000x128xf32, #tpu.memory_space<vmem>>) offsets(%arg5 : memref<1000xi32, #tpu.memory_space<vmem>>) semaphore(%arg7 : memref<!tpu.dma_semaphore, #tpu.memory_space<semaphore_mem>>)
    %dma_wait3A_166 = arith.constant 0 : i32
    %dma_wait3A_167 = arith.constant 0 : i32
    %dma_wait3A_168 = tpu.memref_slice %arg2[%dma_wait3A_166, %dma_wait3A_167] : memref<10000x128xf32, #tpu.memory_space<hbm>> -> memref<10000x128xf32, #tpu.memory_space<hbm>>
    tpu.wait_indirect_dma semaphore(%arg7 : memref<!tpu.dma_semaphore, #tpu.memory_space<semaphore_mem>>) src(%dma_wait3A_168 : memref<10000x128xf32, #tpu.memory_space<hbm>>) dst(%arg6 : memref<1000x128xf32, #tpu.memory_space<vmem>>)
    "tpu.region"() ({
      %run_scoped3A = tpu.sem_alloc : memref<!tpu.dma_semaphore, #tpu.memory_space<semaphore_mem>>
      %dma_start3A_199 = arith.constant 0 : i32
      %dma_start3A_200 = tpu.memref_slice %arg4[%add3A_162, %dma_start3A_199] : memref<640000x128xf32, #tpu.memory_space<hbm>> -> memref<1000x128xf32, #tpu.memory_space<hbm>>
      %dma_start3A_201 = arith.constant 0 : i32
      %dma_start3A_202 = tpu.memref_slice %arg4[%add3A_162, %dma_start3A_201] : memref<640000x128xf32, #tpu.memory_space<hbm>> -> memref<1000x128xf32, #tpu.memory_space<hbm>>
      tpu.enqueue_dma source(%arg6 : memref<1000x128xf32, #tpu.memory_space<vmem>>) target(%dma_start3A_202 : memref<1000x128xf32, #tpu.memory_space<hbm>>) target_semaphore(%run_scoped3A : memref<!tpu.dma_semaphore, #tpu.memory_space<semaphore_mem>>)
      %dma_wait3A_203 = arith.constant 0 : i32
      %dma_wait3A_204 = tpu.memref_slice %arg4[%add3A_162, %dma_wait3A_203] : memref<640000x128xf32, #tpu.memory_space<hbm>> -> memref<1000x128xf32, #tpu.memory_space<hbm>>
      %dma_wait3A_205 = arith.constant 0 : i32
      %dma_wait3A_206 = tpu.memref_slice %arg4[%add3A_162, %dma_wait3A_205] : memref<640000x128xf32, #tpu.memory_space<hbm>> -> memref<1000x128xf32, #tpu.memory_space<hbm>>
      tpu.wait_dma2 semaphore(%run_scoped3A : memref<!tpu.dma_semaphore, #tpu.memory_space<semaphore_mem>>) src(%arg6 : memref<1000x128xf32, #tpu.memory_space<vmem>>) dst(%dma_wait3A_206 : memref<1000x128xf32, #tpu.memory_space<hbm>>)
      tpu.yield
    }) : () -> ()
    %mul3A_169 = arith.constant 20000 : i32
    %mul3A_170 = arith.muli %add3A, %mul3A_169 : i32
    %add3A_171 = arith.constant 17000 : i32
    %add3A_172 = arith.addi %mul3A_170, %add3A_171 : i32
    "tpu.region"() ({
      %run_scoped3A = tpu.sem_alloc : memref<!tpu.dma_semaphore, #tpu.memory_space<semaphore_mem>>
      %dma_start3A_199 = tpu.memref_slice %arg3[%add3A_172] : memref<640000xi32, #tpu.memory_space<hbm>> -> memref<1000xi32, #tpu.memory_space<hbm>>
      %dma_start3A_200 = tpu.memref_slice %arg3[%add3A_172] : memref<640000xi32, #tpu.memory_space<hbm>> -> memref<1000xi32, #tpu.memory_space<hbm>>
      tpu.enqueue_dma source(%dma_start3A_200 : memref<1000xi32, #tpu.memory_space<hbm>>) target(%arg5 : memref<1000xi32, #tpu.memory_space<vmem>>) target_semaphore(%run_scoped3A : memref<!tpu.dma_semaphore, #tpu.memory_space<semaphore_mem>>)
      %dma_wait3A_201 = tpu.memref_slice %arg3[%add3A_172] : memref<640000xi32, #tpu.memory_space<hbm>> -> memref<1000xi32, #tpu.memory_space<hbm>>
      %dma_wait3A_202 = tpu.memref_slice %arg3[%add3A_172] : memref<640000xi32, #tpu.memory_space<hbm>> -> memref<1000xi32, #tpu.memory_space<hbm>>
      tpu.wait_dma2 semaphore(%run_scoped3A : memref<!tpu.dma_semaphore, #tpu.memory_space<semaphore_mem>>) src(%dma_wait3A_202 : memref<1000xi32, #tpu.memory_space<hbm>>) dst(%arg5 : memref<1000xi32, #tpu.memory_space<vmem>>)
      tpu.yield
    }) : () -> ()
    %dma_start3A_173 = arith.constant 0 : i32
    %dma_start3A_174 = arith.constant 0 : i32
    %dma_start3A_175 = tpu.memref_slice %arg2[%dma_start3A_173, %dma_start3A_174] : memref<10000x128xf32, #tpu.memory_space<hbm>> -> memref<10000x128xf32, #tpu.memory_space<hbm>>
    tpu.enqueue_indirect_dma source(%dma_start3A_175 : memref<10000x128xf32, #tpu.memory_space<hbm>>) target(%arg6 : memref<1000x128xf32, #tpu.memory_space<vmem>>) offsets(%arg5 : memref<1000xi32, #tpu.memory_space<vmem>>) semaphore(%arg7 : memref<!tpu.dma_semaphore, #tpu.memory_space<semaphore_mem>>)
    %dma_wait3A_176 = arith.constant 0 : i32
    %dma_wait3A_177 = arith.constant 0 : i32
    %dma_wait3A_178 = tpu.memref_slice %arg2[%dma_wait3A_176, %dma_wait3A_177] : memref<10000x128xf32, #tpu.memory_space<hbm>> -> memref<10000x128xf32, #tpu.memory_space<hbm>>
    tpu.wait_indirect_dma semaphore(%arg7 : memref<!tpu.dma_semaphore, #tpu.memory_space<semaphore_mem>>) src(%dma_wait3A_178 : memref<10000x128xf32, #tpu.memory_space<hbm>>) dst(%arg6 : memref<1000x128xf32, #tpu.memory_space<vmem>>)
    "tpu.region"() ({
      %run_scoped3A = tpu.sem_alloc : memref<!tpu.dma_semaphore, #tpu.memory_space<semaphore_mem>>
      %dma_start3A_199 = arith.constant 0 : i32
      %dma_start3A_200 = tpu.memref_slice %arg4[%add3A_172, %dma_start3A_199] : memref<640000x128xf32, #tpu.memory_space<hbm>> -> memref<1000x128xf32, #tpu.memory_space<hbm>>
      %dma_start3A_201 = arith.constant 0 : i32
      %dma_start3A_202 = tpu.memref_slice %arg4[%add3A_172, %dma_start3A_201] : memref<640000x128xf32, #tpu.memory_space<hbm>> -> memref<1000x128xf32, #tpu.memory_space<hbm>>
      tpu.enqueue_dma source(%arg6 : memref<1000x128xf32, #tpu.memory_space<vmem>>) target(%dma_start3A_202 : memref<1000x128xf32, #tpu.memory_space<hbm>>) target_semaphore(%run_scoped3A : memref<!tpu.dma_semaphore, #tpu.memory_space<semaphore_mem>>)
      %dma_wait3A_203 = arith.constant 0 : i32
      %dma_wait3A_204 = tpu.memref_slice %arg4[%add3A_172, %dma_wait3A_203] : memref<640000x128xf32, #tpu.memory_space<hbm>> -> memref<1000x128xf32, #tpu.memory_space<hbm>>
      %dma_wait3A_205 = arith.constant 0 : i32
      %dma_wait3A_206 = tpu.memref_slice %arg4[%add3A_172, %dma_wait3A_205] : memref<640000x128xf32, #tpu.memory_space<hbm>> -> memref<1000x128xf32, #tpu.memory_space<hbm>>
      tpu.wait_dma2 semaphore(%run_scoped3A : memref<!tpu.dma_semaphore, #tpu.memory_space<semaphore_mem>>) src(%arg6 : memref<1000x128xf32, #tpu.memory_space<vmem>>) dst(%dma_wait3A_206 : memref<1000x128xf32, #tpu.memory_space<hbm>>)
      tpu.yield
    }) : () -> ()
    %mul3A_179 = arith.constant 20000 : i32
    %mul3A_180 = arith.muli %add3A, %mul3A_179 : i32
    %add3A_181 = arith.constant 18000 : i32
    %add3A_182 = arith.addi %mul3A_180, %add3A_181 : i32
    "tpu.region"() ({
      %run_scoped3A = tpu.sem_alloc : memref<!tpu.dma_semaphore, #tpu.memory_space<semaphore_mem>>
      %dma_start3A_199 = tpu.memref_slice %arg3[%add3A_182] : memref<640000xi32, #tpu.memory_space<hbm>> -> memref<1000xi32, #tpu.memory_space<hbm>>
      %dma_start3A_200 = tpu.memref_slice %arg3[%add3A_182] : memref<640000xi32, #tpu.memory_space<hbm>> -> memref<1000xi32, #tpu.memory_space<hbm>>
      tpu.enqueue_dma source(%dma_start3A_200 : memref<1000xi32, #tpu.memory_space<hbm>>) target(%arg5 : memref<1000xi32, #tpu.memory_space<vmem>>) target_semaphore(%run_scoped3A : memref<!tpu.dma_semaphore, #tpu.memory_space<semaphore_mem>>)
      %dma_wait3A_201 = tpu.memref_slice %arg3[%add3A_182] : memref<640000xi32, #tpu.memory_space<hbm>> -> memref<1000xi32, #tpu.memory_space<hbm>>
      %dma_wait3A_202 = tpu.memref_slice %arg3[%add3A_182] : memref<640000xi32, #tpu.memory_space<hbm>> -> memref<1000xi32, #tpu.memory_space<hbm>>
      tpu.wait_dma2 semaphore(%run_scoped3A : memref<!tpu.dma_semaphore, #tpu.memory_space<semaphore_mem>>) src(%dma_wait3A_202 : memref<1000xi32, #tpu.memory_space<hbm>>) dst(%arg5 : memref<1000xi32, #tpu.memory_space<vmem>>)
      tpu.yield
    }) : () -> ()
    %dma_start3A_183 = arith.constant 0 : i32
    %dma_start3A_184 = arith.constant 0 : i32
    %dma_start3A_185 = tpu.memref_slice %arg2[%dma_start3A_183, %dma_start3A_184] : memref<10000x128xf32, #tpu.memory_space<hbm>> -> memref<10000x128xf32, #tpu.memory_space<hbm>>
    tpu.enqueue_indirect_dma source(%dma_start3A_185 : memref<10000x128xf32, #tpu.memory_space<hbm>>) target(%arg6 : memref<1000x128xf32, #tpu.memory_space<vmem>>) offsets(%arg5 : memref<1000xi32, #tpu.memory_space<vmem>>) semaphore(%arg7 : memref<!tpu.dma_semaphore, #tpu.memory_space<semaphore_mem>>)
    %dma_wait3A_186 = arith.constant 0 : i32
    %dma_wait3A_187 = arith.constant 0 : i32
    %dma_wait3A_188 = tpu.memref_slice %arg2[%dma_wait3A_186, %dma_wait3A_187] : memref<10000x128xf32, #tpu.memory_space<hbm>> -> memref<10000x128xf32, #tpu.memory_space<hbm>>
    tpu.wait_indirect_dma semaphore(%arg7 : memref<!tpu.dma_semaphore, #tpu.memory_space<semaphore_mem>>) src(%dma_wait3A_188 : memref<10000x128xf32, #tpu.memory_space<hbm>>) dst(%arg6 : memref<1000x128xf32, #tpu.memory_space<vmem>>)
    "tpu.region"() ({
      %run_scoped3A = tpu.sem_alloc : memref<!tpu.dma_semaphore, #tpu.memory_space<semaphore_mem>>
      %dma_start3A_199 = arith.constant 0 : i32
      %dma_start3A_200 = tpu.memref_slice %arg4[%add3A_182, %dma_start3A_199] : memref<640000x128xf32, #tpu.memory_space<hbm>> -> memref<1000x128xf32, #tpu.memory_space<hbm>>
      %dma_start3A_201 = arith.constant 0 : i32
      %dma_start3A_202 = tpu.memref_slice %arg4[%add3A_182, %dma_start3A_201] : memref<640000x128xf32, #tpu.memory_space<hbm>> -> memref<1000x128xf32, #tpu.memory_space<hbm>>
      tpu.enqueue_dma source(%arg6 : memref<1000x128xf32, #tpu.memory_space<vmem>>) target(%dma_start3A_202 : memref<1000x128xf32, #tpu.memory_space<hbm>>) target_semaphore(%run_scoped3A : memref<!tpu.dma_semaphore, #tpu.memory_space<semaphore_mem>>)
      %dma_wait3A_203 = arith.constant 0 : i32
      %dma_wait3A_204 = tpu.memref_slice %arg4[%add3A_182, %dma_wait3A_203] : memref<640000x128xf32, #tpu.memory_space<hbm>> -> memref<1000x128xf32, #tpu.memory_space<hbm>>
      %dma_wait3A_205 = arith.constant 0 : i32
      %dma_wait3A_206 = tpu.memref_slice %arg4[%add3A_182, %dma_wait3A_205] : memref<640000x128xf32, #tpu.memory_space<hbm>> -> memref<1000x128xf32, #tpu.memory_space<hbm>>
      tpu.wait_dma2 semaphore(%run_scoped3A : memref<!tpu.dma_semaphore, #tpu.memory_space<semaphore_mem>>) src(%arg6 : memref<1000x128xf32, #tpu.memory_space<vmem>>) dst(%dma_wait3A_206 : memref<1000x128xf32, #tpu.memory_space<hbm>>)
      tpu.yield
    }) : () -> ()
    %mul3A_189 = arith.constant 20000 : i32
    %mul3A_190 = arith.muli %add3A, %mul3A_189 : i32
    %add3A_191 = arith.constant 19000 : i32
    %add3A_192 = arith.addi %mul3A_190, %add3A_191 : i32
    "tpu.region"() ({
      %run_scoped3A = tpu.sem_alloc : memref<!tpu.dma_semaphore, #tpu.memory_space<semaphore_mem>>
      %dma_start3A_199 = tpu.memref_slice %arg3[%add3A_192] : memref<640000xi32, #tpu.memory_space<hbm>> -> memref<1000xi32, #tpu.memory_space<hbm>>
      %dma_start3A_200 = tpu.memref_slice %arg3[%add3A_192] : memref<640000xi32, #tpu.memory_space<hbm>> -> memref<1000xi32, #tpu.memory_space<hbm>>
      tpu.enqueue_dma source(%dma_start3A_200 : memref<1000xi32, #tpu.memory_space<hbm>>) target(%arg5 : memref<1000xi32, #tpu.memory_space<vmem>>) target_semaphore(%run_scoped3A : memref<!tpu.dma_semaphore, #tpu.memory_space<semaphore_mem>>)
      %dma_wait3A_201 = tpu.memref_slice %arg3[%add3A_192] : memref<640000xi32, #tpu.memory_space<hbm>> -> memref<1000xi32, #tpu.memory_space<hbm>>
      %dma_wait3A_202 = tpu.memref_slice %arg3[%add3A_192] : memref<640000xi32, #tpu.memory_space<hbm>> -> memref<1000xi32, #tpu.memory_space<hbm>>
      tpu.wait_dma2 semaphore(%run_scoped3A : memref<!tpu.dma_semaphore, #tpu.memory_space<semaphore_mem>>) src(%dma_wait3A_202 : memref<1000xi32, #tpu.memory_space<hbm>>) dst(%arg5 : memref<1000xi32, #tpu.memory_space<vmem>>)
      tpu.yield
    }) : () -> ()
    %dma_start3A_193 = arith.constant 0 : i32
    %dma_start3A_194 = arith.constant 0 : i32
    %dma_start3A_195 = tpu.memref_slice %arg2[%dma_start3A_193, %dma_start3A_194] : memref<10000x128xf32, #tpu.memory_space<hbm>> -> memref<10000x128xf32, #tpu.memory_space<hbm>>
    tpu.enqueue_indirect_dma source(%dma_start3A_195 : memref<10000x128xf32, #tpu.memory_space<hbm>>) target(%arg6 : memref<1000x128xf32, #tpu.memory_space<vmem>>) offsets(%arg5 : memref<1000xi32, #tpu.memory_space<vmem>>) semaphore(%arg7 : memref<!tpu.dma_semaphore, #tpu.memory_space<semaphore_mem>>)
    %dma_wait3A_196 = arith.constant 0 : i32
    %dma_wait3A_197 = arith.constant 0 : i32
    %dma_wait3A_198 = tpu.memref_slice %arg2[%dma_wait3A_196, %dma_wait3A_197] : memref<10000x128xf32, #tpu.memory_space<hbm>> -> memref<10000x128xf32, #tpu.memory_space<hbm>>
    tpu.wait_indirect_dma semaphore(%arg7 : memref<!tpu.dma_semaphore, #tpu.memory_space<semaphore_mem>>) src(%dma_wait3A_198 : memref<10000x128xf32, #tpu.memory_space<hbm>>) dst(%arg6 : memref<1000x128xf32, #tpu.memory_space<vmem>>)
    "tpu.region"() ({
      %run_scoped3A = tpu.sem_alloc : memref<!tpu.dma_semaphore, #tpu.memory_space<semaphore_mem>>
      %dma_start3A_199 = arith.constant 0 : i32
      %dma_start3A_200 = tpu.memref_slice %arg4[%add3A_192, %dma_start3A_199] : memref<640000x128xf32, #tpu.memory_space<hbm>> -> memref<1000x128xf32, #tpu.memory_space<hbm>>
      %dma_start3A_201 = arith.constant 0 : i32
      %dma_start3A_202 = tpu.memref_slice %arg4[%add3A_192, %dma_start3A_201] : memref<640000x128xf32, #tpu.memory_space<hbm>> -> memref<1000x128xf32, #tpu.memory_space<hbm>>
      tpu.enqueue_dma source(%arg6 : memref<1000x128xf32, #tpu.memory_space<vmem>>) target(%dma_start3A_202 : memref<1000x128xf32, #tpu.memory_space<hbm>>) target_semaphore(%run_scoped3A : memref<!tpu.dma_semaphore, #tpu.memory_space<semaphore_mem>>)
      %dma_wait3A_203 = arith.constant 0 : i32
      %dma_wait3A_204 = tpu.memref_slice %arg4[%add3A_192, %dma_wait3A_203] : memref<640000x128xf32, #tpu.memory_space<hbm>> -> memref<1000x128xf32, #tpu.memory_space<hbm>>
      %dma_wait3A_205 = arith.constant 0 : i32
      %dma_wait3A_206 = tpu.memref_slice %arg4[%add3A_192, %dma_wait3A_205] : memref<640000x128xf32, #tpu.memory_space<hbm>> -> memref<1000x128xf32, #tpu.memory_space<hbm>>
      tpu.wait_dma2 semaphore(%run_scoped3A : memref<!tpu.dma_semaphore, #tpu.memory_space<semaphore_mem>>) src(%arg6 : memref<1000x128xf32, #tpu.memory_space<vmem>>) dst(%dma_wait3A_206 : memref<1000x128xf32, #tpu.memory_space<hbm>>)
      tpu.yield
    }) : () -> ()
    return
  }
}

#map = affine_map<(d0, d1) -> (0)>
module attributes {stable_mosaic.version = 14 : i64} {
  func.func @_deg_body(%arg0: i32, %arg1: i32, %arg2: memref<640000xi32, #tpu.memory_space<hbm>>, %arg3: memref<10000xf32, #tpu.memory_space<hbm>>, %arg4: memref<5000xf32, #tpu.memory_space<hbm>>, %arg5: memref<10000xf32, #tpu.memory_space<hbm>>, %arg6: memref<5000xi32, #tpu.memory_space<vmem>>, %arg7: memref<5000xf32, #tpu.memory_space<vmem>>, %arg8: memref<10000xf32, #tpu.memory_space<vmem_shared>>) attributes {dimension_semantics = [#tpu.dimension_semantics<core_parallel>, #tpu.dimension_semantics<subcore_parallel>], iteration_bounds = array<i64: 2, 16>, scalar_prefetch = 0 : i64, scratch_operands = 3 : i64, tpu.core_type = #tpu.core_type<sc_vector_subcore>, window_params = [{transform_indices = #map}, {transform_indices = #map}, {transform_indices = #map}, {transform_indices = #map}]} {
    %eq3A = arith.constant 0 : i32
    %eq3A_0 = arith.cmpi eq, %arg0, %eq3A : i32
    %convert_element_type3A = arith.extui %eq3A_0 : i1 to i32
    %cond3A = arith.constant 0 : i32
    %cond3A_1 = arith.cmpi ne, %convert_element_type3A, %cond3A : i32
    scf.if %cond3A_1 {
      %eq3A_2 = arith.constant 0 : i32
      %eq3A_3 = arith.cmpi eq, %arg1, %eq3A_2 : i32
      %convert_element_type3A_4 = arith.extui %eq3A_3 : i1 to i32
      %cond3A_5 = arith.constant 0 : i32
      %cond3A_6 = arith.cmpi ne, %convert_element_type3A_4, %cond3A_5 : i32
      scf.if %cond3A_6 {
        "tpu.region"() ({
          %run_scoped3A = tpu.sem_alloc : memref<!tpu.dma_semaphore, #tpu.memory_space<semaphore_mem>>
          tpu.enqueue_dma source(%arg3 : memref<10000xf32, #tpu.memory_space<hbm>>) target(%arg8 : memref<10000xf32, #tpu.memory_space<vmem_shared>>) target_semaphore(%run_scoped3A : memref<!tpu.dma_semaphore, #tpu.memory_space<semaphore_mem>>)
          tpu.wait_dma2 semaphore(%run_scoped3A : memref<!tpu.dma_semaphore, #tpu.memory_space<semaphore_mem>>) src(%arg3 : memref<10000xf32, #tpu.memory_space<hbm>>) dst(%arg8 : memref<10000xf32, #tpu.memory_space<vmem_shared>>)
          tpu.yield
        }) : () -> ()
      } else {
      }
      "tpu.region"() ({
        %run_scoped3A = tpu.sem_alloc : memref<!tpu.dma_semaphore, #tpu.memory_space<semaphore_mem>>
        tpu.enqueue_dma source(%arg4 : memref<5000xf32, #tpu.memory_space<hbm>>) target(%arg7 : memref<5000xf32, #tpu.memory_space<vmem>>) target_semaphore(%run_scoped3A : memref<!tpu.dma_semaphore, #tpu.memory_space<semaphore_mem>>)
        tpu.wait_dma2 semaphore(%run_scoped3A : memref<!tpu.dma_semaphore, #tpu.memory_space<semaphore_mem>>) src(%arg4 : memref<5000xf32, #tpu.memory_space<hbm>>) dst(%arg7 : memref<5000xf32, #tpu.memory_space<vmem>>)
        tpu.yield
      }) : () -> ()
      %barrier3A = arith.constant 0 : index
      tpu.barrier barrier_id(%barrier3A)
      %mul3A = arith.constant 40000 : i32
      %mul3A_7 = arith.muli %arg1, %mul3A : i32
      %add3A = arith.constant 0 : i32
      %add3A_8 = arith.addi %mul3A_7, %add3A : i32
      "tpu.region"() ({
        %run_scoped3A = tpu.sem_alloc : memref<!tpu.dma_semaphore, #tpu.memory_space<semaphore_mem>>
        %dma_start3A = tpu.memref_slice %arg2[%add3A_8] : memref<640000xi32, #tpu.memory_space<hbm>> -> memref<5000xi32, #tpu.memory_space<hbm>>
        %dma_start3A_43 = tpu.memref_slice %arg2[%add3A_8] : memref<640000xi32, #tpu.memory_space<hbm>> -> memref<5000xi32, #tpu.memory_space<hbm>>
        tpu.enqueue_dma source(%dma_start3A_43 : memref<5000xi32, #tpu.memory_space<hbm>>) target(%arg6 : memref<5000xi32, #tpu.memory_space<vmem>>) target_semaphore(%run_scoped3A : memref<!tpu.dma_semaphore, #tpu.memory_space<semaphore_mem>>)
        %dma_wait3A = tpu.memref_slice %arg2[%add3A_8] : memref<640000xi32, #tpu.memory_space<hbm>> -> memref<5000xi32, #tpu.memory_space<hbm>>
        %dma_wait3A_44 = tpu.memref_slice %arg2[%add3A_8] : memref<640000xi32, #tpu.memory_space<hbm>> -> memref<5000xi32, #tpu.memory_space<hbm>>
        tpu.wait_dma2 semaphore(%run_scoped3A : memref<!tpu.dma_semaphore, #tpu.memory_space<semaphore_mem>>) src(%dma_wait3A_44 : memref<5000xi32, #tpu.memory_space<hbm>>) dst(%arg6 : memref<5000xi32, #tpu.memory_space<vmem>>)
        tpu.yield
      }) : () -> ()
      "tpu.region"() ({
        %run_scoped3A = tpu.sem_alloc : memref<!tpu.dma_semaphore, #tpu.memory_space<semaphore_mem>>
        %dma_start3A = arith.constant 0 : i32
        %dma_start3A_43 = tpu.memref_slice %arg8[%dma_start3A] : memref<10000xf32, #tpu.memory_space<vmem_shared>> -> memref<10000xf32, #tpu.memory_space<vmem_shared>>
        tpu.enqueue_indirect_dma source(%arg7 : memref<5000xf32, #tpu.memory_space<vmem>>) target(%dma_start3A_43 : memref<10000xf32, #tpu.memory_space<vmem_shared>>) offsets(%arg6 : memref<5000xi32, #tpu.memory_space<vmem>>) semaphore(%run_scoped3A : memref<!tpu.dma_semaphore, #tpu.memory_space<semaphore_mem>>) {add = true}
        %dma_wait3A = arith.constant 0 : i32
        %dma_wait3A_44 = tpu.memref_slice %arg8[%dma_wait3A] : memref<10000xf32, #tpu.memory_space<vmem_shared>> -> memref<10000xf32, #tpu.memory_space<vmem_shared>>
        tpu.wait_indirect_dma semaphore(%run_scoped3A : memref<!tpu.dma_semaphore, #tpu.memory_space<semaphore_mem>>) src(%arg7 : memref<5000xf32, #tpu.memory_space<vmem>>) dst(%dma_wait3A_44 : memref<10000xf32, #tpu.memory_space<vmem_shared>>)
        tpu.yield
      }) : () -> ()
      %mul3A_9 = arith.constant 40000 : i32
      %mul3A_10 = arith.muli %arg1, %mul3A_9 : i32
      %add3A_11 = arith.constant 5000 : i32
      %add3A_12 = arith.addi %mul3A_10, %add3A_11 : i32
      "tpu.region"() ({
        %run_scoped3A = tpu.sem_alloc : memref<!tpu.dma_semaphore, #tpu.memory_space<semaphore_mem>>
        %dma_start3A = tpu.memref_slice %arg2[%add3A_12] : memref<640000xi32, #tpu.memory_space<hbm>> -> memref<5000xi32, #tpu.memory_space<hbm>>
        %dma_start3A_43 = tpu.memref_slice %arg2[%add3A_12] : memref<640000xi32, #tpu.memory_space<hbm>> -> memref<5000xi32, #tpu.memory_space<hbm>>
        tpu.enqueue_dma source(%dma_start3A_43 : memref<5000xi32, #tpu.memory_space<hbm>>) target(%arg6 : memref<5000xi32, #tpu.memory_space<vmem>>) target_semaphore(%run_scoped3A : memref<!tpu.dma_semaphore, #tpu.memory_space<semaphore_mem>>)
        %dma_wait3A = tpu.memref_slice %arg2[%add3A_12] : memref<640000xi32, #tpu.memory_space<hbm>> -> memref<5000xi32, #tpu.memory_space<hbm>>
        %dma_wait3A_44 = tpu.memref_slice %arg2[%add3A_12] : memref<640000xi32, #tpu.memory_space<hbm>> -> memref<5000xi32, #tpu.memory_space<hbm>>
        tpu.wait_dma2 semaphore(%run_scoped3A : memref<!tpu.dma_semaphore, #tpu.memory_space<semaphore_mem>>) src(%dma_wait3A_44 : memref<5000xi32, #tpu.memory_space<hbm>>) dst(%arg6 : memref<5000xi32, #tpu.memory_space<vmem>>)
        tpu.yield
      }) : () -> ()
      "tpu.region"() ({
        %run_scoped3A = tpu.sem_alloc : memref<!tpu.dma_semaphore, #tpu.memory_space<semaphore_mem>>
        %dma_start3A = arith.constant 0 : i32
        %dma_start3A_43 = tpu.memref_slice %arg8[%dma_start3A] : memref<10000xf32, #tpu.memory_space<vmem_shared>> -> memref<10000xf32, #tpu.memory_space<vmem_shared>>
        tpu.enqueue_indirect_dma source(%arg7 : memref<5000xf32, #tpu.memory_space<vmem>>) target(%dma_start3A_43 : memref<10000xf32, #tpu.memory_space<vmem_shared>>) offsets(%arg6 : memref<5000xi32, #tpu.memory_space<vmem>>) semaphore(%run_scoped3A : memref<!tpu.dma_semaphore, #tpu.memory_space<semaphore_mem>>) {add = true}
        %dma_wait3A = arith.constant 0 : i32
        %dma_wait3A_44 = tpu.memref_slice %arg8[%dma_wait3A] : memref<10000xf32, #tpu.memory_space<vmem_shared>> -> memref<10000xf32, #tpu.memory_space<vmem_shared>>
        tpu.wait_indirect_dma semaphore(%run_scoped3A : memref<!tpu.dma_semaphore, #tpu.memory_space<semaphore_mem>>) src(%arg7 : memref<5000xf32, #tpu.memory_space<vmem>>) dst(%dma_wait3A_44 : memref<10000xf32, #tpu.memory_space<vmem_shared>>)
        tpu.yield
      }) : () -> ()
      %mul3A_13 = arith.constant 40000 : i32
      %mul3A_14 = arith.muli %arg1, %mul3A_13 : i32
      %add3A_15 = arith.constant 10000 : i32
      %add3A_16 = arith.addi %mul3A_14, %add3A_15 : i32
      "tpu.region"() ({
        %run_scoped3A = tpu.sem_alloc : memref<!tpu.dma_semaphore, #tpu.memory_space<semaphore_mem>>
        %dma_start3A = tpu.memref_slice %arg2[%add3A_16] : memref<640000xi32, #tpu.memory_space<hbm>> -> memref<5000xi32, #tpu.memory_space<hbm>>
        %dma_start3A_43 = tpu.memref_slice %arg2[%add3A_16] : memref<640000xi32, #tpu.memory_space<hbm>> -> memref<5000xi32, #tpu.memory_space<hbm>>
        tpu.enqueue_dma source(%dma_start3A_43 : memref<5000xi32, #tpu.memory_space<hbm>>) target(%arg6 : memref<5000xi32, #tpu.memory_space<vmem>>) target_semaphore(%run_scoped3A : memref<!tpu.dma_semaphore, #tpu.memory_space<semaphore_mem>>)
        %dma_wait3A = tpu.memref_slice %arg2[%add3A_16] : memref<640000xi32, #tpu.memory_space<hbm>> -> memref<5000xi32, #tpu.memory_space<hbm>>
        %dma_wait3A_44 = tpu.memref_slice %arg2[%add3A_16] : memref<640000xi32, #tpu.memory_space<hbm>> -> memref<5000xi32, #tpu.memory_space<hbm>>
        tpu.wait_dma2 semaphore(%run_scoped3A : memref<!tpu.dma_semaphore, #tpu.memory_space<semaphore_mem>>) src(%dma_wait3A_44 : memref<5000xi32, #tpu.memory_space<hbm>>) dst(%arg6 : memref<5000xi32, #tpu.memory_space<vmem>>)
        tpu.yield
      }) : () -> ()
      "tpu.region"() ({
        %run_scoped3A = tpu.sem_alloc : memref<!tpu.dma_semaphore, #tpu.memory_space<semaphore_mem>>
        %dma_start3A = arith.constant 0 : i32
        %dma_start3A_43 = tpu.memref_slice %arg8[%dma_start3A] : memref<10000xf32, #tpu.memory_space<vmem_shared>> -> memref<10000xf32, #tpu.memory_space<vmem_shared>>
        tpu.enqueue_indirect_dma source(%arg7 : memref<5000xf32, #tpu.memory_space<vmem>>) target(%dma_start3A_43 : memref<10000xf32, #tpu.memory_space<vmem_shared>>) offsets(%arg6 : memref<5000xi32, #tpu.memory_space<vmem>>) semaphore(%run_scoped3A : memref<!tpu.dma_semaphore, #tpu.memory_space<semaphore_mem>>) {add = true}
        %dma_wait3A = arith.constant 0 : i32
        %dma_wait3A_44 = tpu.memref_slice %arg8[%dma_wait3A] : memref<10000xf32, #tpu.memory_space<vmem_shared>> -> memref<10000xf32, #tpu.memory_space<vmem_shared>>
        tpu.wait_indirect_dma semaphore(%run_scoped3A : memref<!tpu.dma_semaphore, #tpu.memory_space<semaphore_mem>>) src(%arg7 : memref<5000xf32, #tpu.memory_space<vmem>>) dst(%dma_wait3A_44 : memref<10000xf32, #tpu.memory_space<vmem_shared>>)
        tpu.yield
      }) : () -> ()
      %mul3A_17 = arith.constant 40000 : i32
      %mul3A_18 = arith.muli %arg1, %mul3A_17 : i32
      %add3A_19 = arith.constant 15000 : i32
      %add3A_20 = arith.addi %mul3A_18, %add3A_19 : i32
      "tpu.region"() ({
        %run_scoped3A = tpu.sem_alloc : memref<!tpu.dma_semaphore, #tpu.memory_space<semaphore_mem>>
        %dma_start3A = tpu.memref_slice %arg2[%add3A_20] : memref<640000xi32, #tpu.memory_space<hbm>> -> memref<5000xi32, #tpu.memory_space<hbm>>
        %dma_start3A_43 = tpu.memref_slice %arg2[%add3A_20] : memref<640000xi32, #tpu.memory_space<hbm>> -> memref<5000xi32, #tpu.memory_space<hbm>>
        tpu.enqueue_dma source(%dma_start3A_43 : memref<5000xi32, #tpu.memory_space<hbm>>) target(%arg6 : memref<5000xi32, #tpu.memory_space<vmem>>) target_semaphore(%run_scoped3A : memref<!tpu.dma_semaphore, #tpu.memory_space<semaphore_mem>>)
        %dma_wait3A = tpu.memref_slice %arg2[%add3A_20] : memref<640000xi32, #tpu.memory_space<hbm>> -> memref<5000xi32, #tpu.memory_space<hbm>>
        %dma_wait3A_44 = tpu.memref_slice %arg2[%add3A_20] : memref<640000xi32, #tpu.memory_space<hbm>> -> memref<5000xi32, #tpu.memory_space<hbm>>
        tpu.wait_dma2 semaphore(%run_scoped3A : memref<!tpu.dma_semaphore, #tpu.memory_space<semaphore_mem>>) src(%dma_wait3A_44 : memref<5000xi32, #tpu.memory_space<hbm>>) dst(%arg6 : memref<5000xi32, #tpu.memory_space<vmem>>)
        tpu.yield
      }) : () -> ()
      "tpu.region"() ({
        %run_scoped3A = tpu.sem_alloc : memref<!tpu.dma_semaphore, #tpu.memory_space<semaphore_mem>>
        %dma_start3A = arith.constant 0 : i32
        %dma_start3A_43 = tpu.memref_slice %arg8[%dma_start3A] : memref<10000xf32, #tpu.memory_space<vmem_shared>> -> memref<10000xf32, #tpu.memory_space<vmem_shared>>
        tpu.enqueue_indirect_dma source(%arg7 : memref<5000xf32, #tpu.memory_space<vmem>>) target(%dma_start3A_43 : memref<10000xf32, #tpu.memory_space<vmem_shared>>) offsets(%arg6 : memref<5000xi32, #tpu.memory_space<vmem>>) semaphore(%run_scoped3A : memref<!tpu.dma_semaphore, #tpu.memory_space<semaphore_mem>>) {add = true}
        %dma_wait3A = arith.constant 0 : i32
        %dma_wait3A_44 = tpu.memref_slice %arg8[%dma_wait3A] : memref<10000xf32, #tpu.memory_space<vmem_shared>> -> memref<10000xf32, #tpu.memory_space<vmem_shared>>
        tpu.wait_indirect_dma semaphore(%run_scoped3A : memref<!tpu.dma_semaphore, #tpu.memory_space<semaphore_mem>>) src(%arg7 : memref<5000xf32, #tpu.memory_space<vmem>>) dst(%dma_wait3A_44 : memref<10000xf32, #tpu.memory_space<vmem_shared>>)
        tpu.yield
      }) : () -> ()
      %mul3A_21 = arith.constant 40000 : i32
      %mul3A_22 = arith.muli %arg1, %mul3A_21 : i32
      %add3A_23 = arith.constant 20000 : i32
      %add3A_24 = arith.addi %mul3A_22, %add3A_23 : i32
      "tpu.region"() ({
        %run_scoped3A = tpu.sem_alloc : memref<!tpu.dma_semaphore, #tpu.memory_space<semaphore_mem>>
        %dma_start3A = tpu.memref_slice %arg2[%add3A_24] : memref<640000xi32, #tpu.memory_space<hbm>> -> memref<5000xi32, #tpu.memory_space<hbm>>
        %dma_start3A_43 = tpu.memref_slice %arg2[%add3A_24] : memref<640000xi32, #tpu.memory_space<hbm>> -> memref<5000xi32, #tpu.memory_space<hbm>>
        tpu.enqueue_dma source(%dma_start3A_43 : memref<5000xi32, #tpu.memory_space<hbm>>) target(%arg6 : memref<5000xi32, #tpu.memory_space<vmem>>) target_semaphore(%run_scoped3A : memref<!tpu.dma_semaphore, #tpu.memory_space<semaphore_mem>>)
        %dma_wait3A = tpu.memref_slice %arg2[%add3A_24] : memref<640000xi32, #tpu.memory_space<hbm>> -> memref<5000xi32, #tpu.memory_space<hbm>>
        %dma_wait3A_44 = tpu.memref_slice %arg2[%add3A_24] : memref<640000xi32, #tpu.memory_space<hbm>> -> memref<5000xi32, #tpu.memory_space<hbm>>
        tpu.wait_dma2 semaphore(%run_scoped3A : memref<!tpu.dma_semaphore, #tpu.memory_space<semaphore_mem>>) src(%dma_wait3A_44 : memref<5000xi32, #tpu.memory_space<hbm>>) dst(%arg6 : memref<5000xi32, #tpu.memory_space<vmem>>)
        tpu.yield
      }) : () -> ()
      "tpu.region"() ({
        %run_scoped3A = tpu.sem_alloc : memref<!tpu.dma_semaphore, #tpu.memory_space<semaphore_mem>>
        %dma_start3A = arith.constant 0 : i32
        %dma_start3A_43 = tpu.memref_slice %arg8[%dma_start3A] : memref<10000xf32, #tpu.memory_space<vmem_shared>> -> memref<10000xf32, #tpu.memory_space<vmem_shared>>
        tpu.enqueue_indirect_dma source(%arg7 : memref<5000xf32, #tpu.memory_space<vmem>>) target(%dma_start3A_43 : memref<10000xf32, #tpu.memory_space<vmem_shared>>) offsets(%arg6 : memref<5000xi32, #tpu.memory_space<vmem>>) semaphore(%run_scoped3A : memref<!tpu.dma_semaphore, #tpu.memory_space<semaphore_mem>>) {add = true}
        %dma_wait3A = arith.constant 0 : i32
        %dma_wait3A_44 = tpu.memref_slice %arg8[%dma_wait3A] : memref<10000xf32, #tpu.memory_space<vmem_shared>> -> memref<10000xf32, #tpu.memory_space<vmem_shared>>
        tpu.wait_indirect_dma semaphore(%run_scoped3A : memref<!tpu.dma_semaphore, #tpu.memory_space<semaphore_mem>>) src(%arg7 : memref<5000xf32, #tpu.memory_space<vmem>>) dst(%dma_wait3A_44 : memref<10000xf32, #tpu.memory_space<vmem_shared>>)
        tpu.yield
      }) : () -> ()
      %mul3A_25 = arith.constant 40000 : i32
      %mul3A_26 = arith.muli %arg1, %mul3A_25 : i32
      %add3A_27 = arith.constant 25000 : i32
      %add3A_28 = arith.addi %mul3A_26, %add3A_27 : i32
      "tpu.region"() ({
        %run_scoped3A = tpu.sem_alloc : memref<!tpu.dma_semaphore, #tpu.memory_space<semaphore_mem>>
        %dma_start3A = tpu.memref_slice %arg2[%add3A_28] : memref<640000xi32, #tpu.memory_space<hbm>> -> memref<5000xi32, #tpu.memory_space<hbm>>
        %dma_start3A_43 = tpu.memref_slice %arg2[%add3A_28] : memref<640000xi32, #tpu.memory_space<hbm>> -> memref<5000xi32, #tpu.memory_space<hbm>>
        tpu.enqueue_dma source(%dma_start3A_43 : memref<5000xi32, #tpu.memory_space<hbm>>) target(%arg6 : memref<5000xi32, #tpu.memory_space<vmem>>) target_semaphore(%run_scoped3A : memref<!tpu.dma_semaphore, #tpu.memory_space<semaphore_mem>>)
        %dma_wait3A = tpu.memref_slice %arg2[%add3A_28] : memref<640000xi32, #tpu.memory_space<hbm>> -> memref<5000xi32, #tpu.memory_space<hbm>>
        %dma_wait3A_44 = tpu.memref_slice %arg2[%add3A_28] : memref<640000xi32, #tpu.memory_space<hbm>> -> memref<5000xi32, #tpu.memory_space<hbm>>
        tpu.wait_dma2 semaphore(%run_scoped3A : memref<!tpu.dma_semaphore, #tpu.memory_space<semaphore_mem>>) src(%dma_wait3A_44 : memref<5000xi32, #tpu.memory_space<hbm>>) dst(%arg6 : memref<5000xi32, #tpu.memory_space<vmem>>)
        tpu.yield
      }) : () -> ()
      "tpu.region"() ({
        %run_scoped3A = tpu.sem_alloc : memref<!tpu.dma_semaphore, #tpu.memory_space<semaphore_mem>>
        %dma_start3A = arith.constant 0 : i32
        %dma_start3A_43 = tpu.memref_slice %arg8[%dma_start3A] : memref<10000xf32, #tpu.memory_space<vmem_shared>> -> memref<10000xf32, #tpu.memory_space<vmem_shared>>
        tpu.enqueue_indirect_dma source(%arg7 : memref<5000xf32, #tpu.memory_space<vmem>>) target(%dma_start3A_43 : memref<10000xf32, #tpu.memory_space<vmem_shared>>) offsets(%arg6 : memref<5000xi32, #tpu.memory_space<vmem>>) semaphore(%run_scoped3A : memref<!tpu.dma_semaphore, #tpu.memory_space<semaphore_mem>>) {add = true}
        %dma_wait3A = arith.constant 0 : i32
        %dma_wait3A_44 = tpu.memref_slice %arg8[%dma_wait3A] : memref<10000xf32, #tpu.memory_space<vmem_shared>> -> memref<10000xf32, #tpu.memory_space<vmem_shared>>
        tpu.wait_indirect_dma semaphore(%run_scoped3A : memref<!tpu.dma_semaphore, #tpu.memory_space<semaphore_mem>>) src(%arg7 : memref<5000xf32, #tpu.memory_space<vmem>>) dst(%dma_wait3A_44 : memref<10000xf32, #tpu.memory_space<vmem_shared>>)
        tpu.yield
      }) : () -> ()
      %mul3A_29 = arith.constant 40000 : i32
      %mul3A_30 = arith.muli %arg1, %mul3A_29 : i32
      %add3A_31 = arith.constant 30000 : i32
      %add3A_32 = arith.addi %mul3A_30, %add3A_31 : i32
      "tpu.region"() ({
        %run_scoped3A = tpu.sem_alloc : memref<!tpu.dma_semaphore, #tpu.memory_space<semaphore_mem>>
        %dma_start3A = tpu.memref_slice %arg2[%add3A_32] : memref<640000xi32, #tpu.memory_space<hbm>> -> memref<5000xi32, #tpu.memory_space<hbm>>
        %dma_start3A_43 = tpu.memref_slice %arg2[%add3A_32] : memref<640000xi32, #tpu.memory_space<hbm>> -> memref<5000xi32, #tpu.memory_space<hbm>>
        tpu.enqueue_dma source(%dma_start3A_43 : memref<5000xi32, #tpu.memory_space<hbm>>) target(%arg6 : memref<5000xi32, #tpu.memory_space<vmem>>) target_semaphore(%run_scoped3A : memref<!tpu.dma_semaphore, #tpu.memory_space<semaphore_mem>>)
        %dma_wait3A = tpu.memref_slice %arg2[%add3A_32] : memref<640000xi32, #tpu.memory_space<hbm>> -> memref<5000xi32, #tpu.memory_space<hbm>>
        %dma_wait3A_44 = tpu.memref_slice %arg2[%add3A_32] : memref<640000xi32, #tpu.memory_space<hbm>> -> memref<5000xi32, #tpu.memory_space<hbm>>
        tpu.wait_dma2 semaphore(%run_scoped3A : memref<!tpu.dma_semaphore, #tpu.memory_space<semaphore_mem>>) src(%dma_wait3A_44 : memref<5000xi32, #tpu.memory_space<hbm>>) dst(%arg6 : memref<5000xi32, #tpu.memory_space<vmem>>)
        tpu.yield
      }) : () -> ()
      "tpu.region"() ({
        %run_scoped3A = tpu.sem_alloc : memref<!tpu.dma_semaphore, #tpu.memory_space<semaphore_mem>>
        %dma_start3A = arith.constant 0 : i32
        %dma_start3A_43 = tpu.memref_slice %arg8[%dma_start3A] : memref<10000xf32, #tpu.memory_space<vmem_shared>> -> memref<10000xf32, #tpu.memory_space<vmem_shared>>
        tpu.enqueue_indirect_dma source(%arg7 : memref<5000xf32, #tpu.memory_space<vmem>>) target(%dma_start3A_43 : memref<10000xf32, #tpu.memory_space<vmem_shared>>) offsets(%arg6 : memref<5000xi32, #tpu.memory_space<vmem>>) semaphore(%run_scoped3A : memref<!tpu.dma_semaphore, #tpu.memory_space<semaphore_mem>>) {add = true}
        %dma_wait3A = arith.constant 0 : i32
        %dma_wait3A_44 = tpu.memref_slice %arg8[%dma_wait3A] : memref<10000xf32, #tpu.memory_space<vmem_shared>> -> memref<10000xf32, #tpu.memory_space<vmem_shared>>
        tpu.wait_indirect_dma semaphore(%run_scoped3A : memref<!tpu.dma_semaphore, #tpu.memory_space<semaphore_mem>>) src(%arg7 : memref<5000xf32, #tpu.memory_space<vmem>>) dst(%dma_wait3A_44 : memref<10000xf32, #tpu.memory_space<vmem_shared>>)
        tpu.yield
      }) : () -> ()
      %mul3A_33 = arith.constant 40000 : i32
      %mul3A_34 = arith.muli %arg1, %mul3A_33 : i32
      %add3A_35 = arith.constant 35000 : i32
      %add3A_36 = arith.addi %mul3A_34, %add3A_35 : i32
      "tpu.region"() ({
        %run_scoped3A = tpu.sem_alloc : memref<!tpu.dma_semaphore, #tpu.memory_space<semaphore_mem>>
        %dma_start3A = tpu.memref_slice %arg2[%add3A_36] : memref<640000xi32, #tpu.memory_space<hbm>> -> memref<5000xi32, #tpu.memory_space<hbm>>
        %dma_start3A_43 = tpu.memref_slice %arg2[%add3A_36] : memref<640000xi32, #tpu.memory_space<hbm>> -> memref<5000xi32, #tpu.memory_space<hbm>>
        tpu.enqueue_dma source(%dma_start3A_43 : memref<5000xi32, #tpu.memory_space<hbm>>) target(%arg6 : memref<5000xi32, #tpu.memory_space<vmem>>) target_semaphore(%run_scoped3A : memref<!tpu.dma_semaphore, #tpu.memory_space<semaphore_mem>>)
        %dma_wait3A = tpu.memref_slice %arg2[%add3A_36] : memref<640000xi32, #tpu.memory_space<hbm>> -> memref<5000xi32, #tpu.memory_space<hbm>>
        %dma_wait3A_44 = tpu.memref_slice %arg2[%add3A_36] : memref<640000xi32, #tpu.memory_space<hbm>> -> memref<5000xi32, #tpu.memory_space<hbm>>
        tpu.wait_dma2 semaphore(%run_scoped3A : memref<!tpu.dma_semaphore, #tpu.memory_space<semaphore_mem>>) src(%dma_wait3A_44 : memref<5000xi32, #tpu.memory_space<hbm>>) dst(%arg6 : memref<5000xi32, #tpu.memory_space<vmem>>)
        tpu.yield
      }) : () -> ()
      "tpu.region"() ({
        %run_scoped3A = tpu.sem_alloc : memref<!tpu.dma_semaphore, #tpu.memory_space<semaphore_mem>>
        %dma_start3A = arith.constant 0 : i32
        %dma_start3A_43 = tpu.memref_slice %arg8[%dma_start3A] : memref<10000xf32, #tpu.memory_space<vmem_shared>> -> memref<10000xf32, #tpu.memory_space<vmem_shared>>
        tpu.enqueue_indirect_dma source(%arg7 : memref<5000xf32, #tpu.memory_space<vmem>>) target(%dma_start3A_43 : memref<10000xf32, #tpu.memory_space<vmem_shared>>) offsets(%arg6 : memref<5000xi32, #tpu.memory_space<vmem>>) semaphore(%run_scoped3A : memref<!tpu.dma_semaphore, #tpu.memory_space<semaphore_mem>>) {add = true}
        %dma_wait3A = arith.constant 0 : i32
        %dma_wait3A_44 = tpu.memref_slice %arg8[%dma_wait3A] : memref<10000xf32, #tpu.memory_space<vmem_shared>> -> memref<10000xf32, #tpu.memory_space<vmem_shared>>
        tpu.wait_indirect_dma semaphore(%run_scoped3A : memref<!tpu.dma_semaphore, #tpu.memory_space<semaphore_mem>>) src(%arg7 : memref<5000xf32, #tpu.memory_space<vmem>>) dst(%dma_wait3A_44 : memref<10000xf32, #tpu.memory_space<vmem_shared>>)
        tpu.yield
      }) : () -> ()
      %barrier3A_37 = arith.constant 0 : index
      tpu.barrier barrier_id(%barrier3A_37)
      %eq3A_38 = arith.constant 0 : i32
      %eq3A_39 = arith.cmpi eq, %arg1, %eq3A_38 : i32
      %convert_element_type3A_40 = arith.extui %eq3A_39 : i1 to i32
      %cond3A_41 = arith.constant 0 : i32
      %cond3A_42 = arith.cmpi ne, %convert_element_type3A_40, %cond3A_41 : i32
      scf.if %cond3A_42 {
        "tpu.region"() ({
          %run_scoped3A = tpu.sem_alloc : memref<!tpu.dma_semaphore, #tpu.memory_space<semaphore_mem>>
          tpu.enqueue_dma source(%arg8 : memref<10000xf32, #tpu.memory_space<vmem_shared>>) target(%arg5 : memref<10000xf32, #tpu.memory_space<hbm>>) target_semaphore(%run_scoped3A : memref<!tpu.dma_semaphore, #tpu.memory_space<semaphore_mem>>)
          tpu.wait_dma2 semaphore(%run_scoped3A : memref<!tpu.dma_semaphore, #tpu.memory_space<semaphore_mem>>) src(%arg8 : memref<10000xf32, #tpu.memory_space<vmem_shared>>) dst(%arg5 : memref<10000xf32, #tpu.memory_space<hbm>>)
          tpu.yield
        }) : () -> ()
      } else {
      }
    } else {
    }
    return
  }
}

module attributes {stable_mosaic.version = 14 : i64} {
  func.func @_feat_body(%arg0: memref<10000x1xf32, #tpu.memory_space<vmem>>, %arg1: memref<10000x128xf32, #tpu.memory_space<vmem>>, %arg2: memref<129x64xf32, #tpu.memory_space<vmem>>, %arg3: memref<64xf32, #tpu.memory_space<vmem>>, %arg4: memref<10000x128xf32, #tpu.memory_space<vmem>>) attributes {dimension_semantics = [], scalar_prefetch = 0 : i64, scratch_operands = 0 : i64, tpu.core_type = #tpu.core_type<tc>} {
    %get3A = arith.constant 0 : index
    %get3A_0 = arith.constant 0 : index
    %get3A_1 = vector.load %arg0[%get3A, %get3A_0] : memref<10000x1xf32, #tpu.memory_space<vmem>>, vector<10000x1xf32>
    %get3A_2 = arith.constant 0 : index
    %get3A_3 = arith.constant 0 : index
    %get3A_4 = vector.load %arg1[%get3A_2, %get3A_3] : memref<10000x128xf32, #tpu.memory_space<vmem>>, vector<10000x128xf32>
    %concatenate3A = tpu.concatenate %get3A_1, %get3A_4 in 1 : vector<10000x1xf32>, vector<10000x128xf32> -> vector<10000x129xf32>
    %convert_element_type3A = arith.truncf %concatenate3A : vector<10000x129xf32> to vector<10000x129xbf16>
    %get3A_5 = arith.constant 0 : index
    %get3A_6 = arith.constant 0 : index
    %get3A_7 = vector.load %arg2[%get3A_5, %get3A_6] : memref<129x64xf32, #tpu.memory_space<vmem>>, vector<129x64xf32>
    %convert_element_type3A_8 = arith.truncf %get3A_7 : vector<129x64xf32> to vector<129x64xbf16>
    %dot_general3A = arith.constant dense<0.000000e+00> : vector<10000x64xf32>
    %dot_general3A_9 = tpu.matmul %convert_element_type3A, %convert_element_type3A_8, %dot_general3A {dimension_numbers = #tpu.dot_dimension_numbers<[1], [0], [0], [1], [0, 0, 1, 1], [], []>, transpose_lhs_hint = false} : vector<10000x129xbf16>, vector<129x64xbf16>, vector<10000x64xf32> -> vector<10000x64xf32>
    %get3A_10 = arith.constant 0 : index
    %get3A_11 = vector.load %arg3[%get3A_10] : memref<64xf32, #tpu.memory_space<vmem>>, vector<64xf32>
    %broadcast_in_dim3A = vector.shape_cast %get3A_11 : vector<64xf32> to vector<1x64xf32>
    %add3A = vector.broadcast %broadcast_in_dim3A : vector<1x64xf32> to vector<10000x64xf32>
    %add3A_12 = arith.addf %dot_general3A_9, %add3A : vector<10000x64xf32>
    %broadcast_in_dim3A_13 = arith.constant 0.000000e+00 : f32
    %broadcast_in_dim3A_14 = vector.broadcast %broadcast_in_dim3A_13 : f32 to vector<10000x64xf32>
    %concatenate3A_15 = tpu.concatenate %add3A_12, %broadcast_in_dim3A_14 in 1 : vector<10000x64xf32>, vector<10000x64xf32> -> vector<10000x128xf32>
    %swap3A = arith.constant 0 : index
    %swap3A_16 = arith.constant 0 : index
    %swap3A_17 = vector.load %arg4[%swap3A, %swap3A_16] : memref<10000x128xf32, #tpu.memory_space<vmem>>, vector<10000x128xf32>
    tpu.vector_store %arg4[%swap3A, %swap3A_16], %concatenate3A_15 {strides = array<i32>} : memref<10000x128xf32, #tpu.memory_space<vmem>>, vector<10000x128xf32>,
    return
  }
}

module attributes {stable_mosaic.version = 14 : i64} {
  func.func @_score_body(%arg0: i32, %arg1: memref<512x128xf32, #tpu.memory_space<vmem>>, %arg2: memref<512x128xf32, #tpu.memory_space<vmem>>, %arg3: memref<129x64xf32, #tpu.memory_space<vmem>>, %arg4: memref<64xf32, #tpu.memory_space<vmem>>, %arg5: memref<64x32xf32, #tpu.memory_space<vmem>>, %arg6: memref<32xf32, #tpu.memory_space<vmem>>, %arg7: memref<32x1xf32, #tpu.memory_space<vmem>>, %arg8: memref<1xf32, #tpu.memory_space<vmem>>, %arg9: memref<512x1xf32, #tpu.memory_space<vmem>>) attributes {dimension_semantics = [#tpu.dimension_semantics<arbitrary>], iteration_bounds = array<i64: 625>, scalar_prefetch = 0 : i64, scratch_operands = 0 : i64, tpu.core_type = #tpu.core_type<tc>, window_params = [{transform_indices = @transform_0, window_bounds = array<i64: 512, 128>}, {transform_indices = @transform_1, window_bounds = array<i64: 512, 128>}, {pipeline_mode = #tpu.pipeline_mode<synchronous>, transform_indices = @transform_2, window_bounds = array<i64: 129, 64>}, {pipeline_mode = #tpu.pipeline_mode<synchronous>, transform_indices = @transform_3, window_bounds = array<i64: 64>}, {pipeline_mode = #tpu.pipeline_mode<synchronous>, transform_indices = @transform_4, window_bounds = array<i64: 64, 32>}, {pipeline_mode = #tpu.pipeline_mode<synchronous>, transform_indices = @transform_5, window_bounds = array<i64: 32>}, {pipeline_mode = #tpu.pipeline_mode<synchronous>, transform_indices = @transform_6, window_bounds = array<i64: 32, 1>}, {pipeline_mode = #tpu.pipeline_mode<synchronous>, transform_indices = @transform_7, window_bounds = array<i64: 1>}, {transform_indices = @transform_8, window_bounds = array<i64: 512, 1>}]} {
    %get3A = arith.constant 0 : index
    %get3A_0 = arith.constant 0 : index
    %get3A_1 = vector.load %arg1[%get3A, %get3A_0] : memref<512x128xf32, #tpu.memory_space<vmem>>, vector<512x128xf32>
    %slice3A = vector.extract_strided_slice %get3A_1 {offsets = [0, 0], sizes = [512, 64], strides = [1, 1]} : vector<512x128xf32> to vector<512x64xf32>
    %get3A_2 = arith.constant 0 : index
    %get3A_3 = arith.constant 0 : index
    %get3A_4 = vector.load %arg2[%get3A_2, %get3A_3] : memref<512x128xf32, #tpu.memory_space<vmem>>, vector<512x128xf32>
    %slice3A_5 = vector.extract_strided_slice %get3A_4 {offsets = [0, 0], sizes = [512, 64], strides = [1, 1]} : vector<512x128xf32> to vector<512x64xf32>
    %mul3A = arith.mulf %slice3A, %slice3A_5 : vector<512x64xf32>
    %slice3A_6 = vector.extract_strided_slice %mul3A {offsets = [0, 0], sizes = [512, 8], strides = [1, 1]} : vector<512x64xf32> to vector<512x8xf32>
    %slice3A_7 = vector.extract_strided_slice %mul3A {offsets = [0, 8], sizes = [512, 8], strides = [1, 1]} : vector<512x64xf32> to vector<512x8xf32>
    %add3A = arith.addf %slice3A_6, %slice3A_7 : vector<512x8xf32>
    %slice3A_8 = vector.extract_strided_slice %mul3A {offsets = [0, 16], sizes = [512, 8], strides = [1, 1]} : vector<512x64xf32> to vector<512x8xf32>
    %add3A_9 = arith.addf %add3A, %slice3A_8 : vector<512x8xf32>
    %slice3A_10 = vector.extract_strided_slice %mul3A {offsets = [0, 24], sizes = [512, 8], strides = [1, 1]} : vector<512x64xf32> to vector<512x8xf32>
    %add3A_11 = arith.addf %add3A_9, %slice3A_10 : vector<512x8xf32>
    %slice3A_12 = vector.extract_strided_slice %mul3A {offsets = [0, 32], sizes = [512, 8], strides = [1, 1]} : vector<512x64xf32> to vector<512x8xf32>
    %add3A_13 = arith.addf %add3A_11, %slice3A_12 : vector<512x8xf32>
    %slice3A_14 = vector.extract_strided_slice %mul3A {offsets = [0, 40], sizes = [512, 8], strides = [1, 1]} : vector<512x64xf32> to vector<512x8xf32>
    %add3A_15 = arith.addf %add3A_13, %slice3A_14 : vector<512x8xf32>
    %slice3A_16 = vector.extract_strided_slice %mul3A {offsets = [0, 48], sizes = [512, 8], strides = [1, 1]} : vector<512x64xf32> to vector<512x8xf32>
    %add3A_17 = arith.addf %add3A_15, %slice3A_16 : vector<512x8xf32>
    %slice3A_18 = vector.extract_strided_slice %mul3A {offsets = [0, 56], sizes = [512, 8], strides = [1, 1]} : vector<512x64xf32> to vector<512x8xf32>
    %add3A_19 = arith.addf %add3A_17, %slice3A_18 : vector<512x8xf32>
    %slice3A_20 = vector.extract_strided_slice %add3A_19 {offsets = [0, 0], sizes = [512, 4], strides = [1, 1]} : vector<512x8xf32> to vector<512x4xf32>
    %slice3A_21 = vector.extract_strided_slice %add3A_19 {offsets = [0, 4], sizes = [512, 4], strides = [1, 1]} : vector<512x8xf32> to vector<512x4xf32>
    %add3A_22 = arith.addf %slice3A_20, %slice3A_21 : vector<512x4xf32>
    %slice3A_23 = vector.extract_strided_slice %add3A_22 {offsets = [0, 0], sizes = [512, 2], strides = [1, 1]} : vector<512x4xf32> to vector<512x2xf32>
    %slice3A_24 = vector.extract_strided_slice %add3A_22 {offsets = [0, 2], sizes = [512, 2], strides = [1, 1]} : vector<512x4xf32> to vector<512x2xf32>
    %add3A_25 = arith.addf %slice3A_23, %slice3A_24 : vector<512x2xf32>
    %slice3A_26 = vector.extract_strided_slice %add3A_25 {offsets = [0, 0], sizes = [512, 1], strides = [1, 1]} : vector<512x2xf32> to vector<512x1xf32>
    %slice3A_27 = vector.extract_strided_slice %add3A_25 {offsets = [0, 1], sizes = [512, 1], strides = [1, 1]} : vector<512x2xf32> to vector<512x1xf32>
    %add3A_28 = arith.addf %slice3A_26, %slice3A_27 : vector<512x1xf32>
    %mul3A_29 = arith.mulf %slice3A, %slice3A : vector<512x64xf32>
    %slice3A_30 = vector.extract_strided_slice %mul3A_29 {offsets = [0, 0], sizes = [512, 8], strides = [1, 1]} : vector<512x64xf32> to vector<512x8xf32>
    %slice3A_31 = vector.extract_strided_slice %mul3A_29 {offsets = [0, 8], sizes = [512, 8], strides = [1, 1]} : vector<512x64xf32> to vector<512x8xf32>
    %add3A_32 = arith.addf %slice3A_30, %slice3A_31 : vector<512x8xf32>
    %slice3A_33 = vector.extract_strided_slice %mul3A_29 {offsets = [0, 16], sizes = [512, 8], strides = [1, 1]} : vector<512x64xf32> to vector<512x8xf32>
    %add3A_34 = arith.addf %add3A_32, %slice3A_33 : vector<512x8xf32>
    %slice3A_35 = vector.extract_strided_slice %mul3A_29 {offsets = [0, 24], sizes = [512, 8], strides = [1, 1]} : vector<512x64xf32> to vector<512x8xf32>
    %add3A_36 = arith.addf %add3A_34, %slice3A_35 : vector<512x8xf32>
    %slice3A_37 = vector.extract_strided_slice %mul3A_29 {offsets = [0, 32], sizes = [512, 8], strides = [1, 1]} : vector<512x64xf32> to vector<512x8xf32>
    %add3A_38 = arith.addf %add3A_36, %slice3A_37 : vector<512x8xf32>
    %slice3A_39 = vector.extract_strided_slice %mul3A_29 {offsets = [0, 40], sizes = [512, 8], strides = [1, 1]} : vector<512x64xf32> to vector<512x8xf32>
    %add3A_40 = arith.addf %add3A_38, %slice3A_39 : vector<512x8xf32>
    %slice3A_41 = vector.extract_strided_slice %mul3A_29 {offsets = [0, 48], sizes = [512, 8], strides = [1, 1]} : vector<512x64xf32> to vector<512x8xf32>
    %add3A_42 = arith.addf %add3A_40, %slice3A_41 : vector<512x8xf32>
    %slice3A_43 = vector.extract_strided_slice %mul3A_29 {offsets = [0, 56], sizes = [512, 8], strides = [1, 1]} : vector<512x64xf32> to vector<512x8xf32>
    %add3A_44 = arith.addf %add3A_42, %slice3A_43 : vector<512x8xf32>
    %slice3A_45 = vector.extract_strided_slice %add3A_44 {offsets = [0, 0], sizes = [512, 4], strides = [1, 1]} : vector<512x8xf32> to vector<512x4xf32>
    %slice3A_46 = vector.extract_strided_slice %add3A_44 {offsets = [0, 4], sizes = [512, 4], strides = [1, 1]} : vector<512x8xf32> to vector<512x4xf32>
    %add3A_47 = arith.addf %slice3A_45, %slice3A_46 : vector<512x4xf32>
    %slice3A_48 = vector.extract_strided_slice %add3A_47 {offsets = [0, 0], sizes = [512, 2], strides = [1, 1]} : vector<512x4xf32> to vector<512x2xf32>
    %slice3A_49 = vector.extract_strided_slice %add3A_47 {offsets = [0, 2], sizes = [512, 2], strides = [1, 1]} : vector<512x4xf32> to vector<512x2xf32>
    %add3A_50 = arith.addf %slice3A_48, %slice3A_49 : vector<512x2xf32>
    %slice3A_51 = vector.extract_strided_slice %add3A_50 {offsets = [0, 0], sizes = [512, 1], strides = [1, 1]} : vector<512x2xf32> to vector<512x1xf32>
    %slice3A_52 = vector.extract_strided_slice %add3A_50 {offsets = [0, 1], sizes = [512, 1], strides = [1, 1]} : vector<512x2xf32> to vector<512x1xf32>
    %add3A_53 = arith.addf %slice3A_51, %slice3A_52 : vector<512x1xf32>
    %sqrt3A = math.sqrt %add3A_53 : vector<512x1xf32>
    %mul3A_54 = arith.mulf %slice3A_5, %slice3A_5 : vector<512x64xf32>
    %slice3A_55 = vector.extract_strided_slice %mul3A_54 {offsets = [0, 0], sizes = [512, 8], strides = [1, 1]} : vector<512x64xf32> to vector<512x8xf32>
    %slice3A_56 = vector.extract_strided_slice %mul3A_54 {offsets = [0, 8], sizes = [512, 8], strides = [1, 1]} : vector<512x64xf32> to vector<512x8xf32>
    %add3A_57 = arith.addf %slice3A_55, %slice3A_56 : vector<512x8xf32>
    %slice3A_58 = vector.extract_strided_slice %mul3A_54 {offsets = [0, 16], sizes = [512, 8], strides = [1, 1]} : vector<512x64xf32> to vector<512x8xf32>
    %add3A_59 = arith.addf %add3A_57, %slice3A_58 : vector<512x8xf32>
    %slice3A_60 = vector.extract_strided_slice %mul3A_54 {offsets = [0, 24], sizes = [512, 8], strides = [1, 1]} : vector<512x64xf32> to vector<512x8xf32>
    %add3A_61 = arith.addf %add3A_59, %slice3A_60 : vector<512x8xf32>
    %slice3A_62 = vector.extract_strided_slice %mul3A_54 {offsets = [0, 32], sizes = [512, 8], strides = [1, 1]} : vector<512x64xf32> to vector<512x8xf32>
    %add3A_63 = arith.addf %add3A_61, %slice3A_62 : vector<512x8xf32>
    %slice3A_64 = vector.extract_strided_slice %mul3A_54 {offsets = [0, 40], sizes = [512, 8], strides = [1, 1]} : vector<512x64xf32> to vector<512x8xf32>
    %add3A_65 = arith.addf %add3A_63, %slice3A_64 : vector<512x8xf32>
    %slice3A_66 = vector.extract_strided_slice %mul3A_54 {offsets = [0, 48], sizes = [512, 8], strides = [1, 1]} : vector<512x64xf32> to vector<512x8xf32>
    %add3A_67 = arith.addf %add3A_65, %slice3A_66 : vector<512x8xf32>
    %slice3A_68 = vector.extract_strided_slice %mul3A_54 {offsets = [0, 56], sizes = [512, 8], strides = [1, 1]} : vector<512x64xf32> to vector<512x8xf32>
    %add3A_69 = arith.addf %add3A_67, %slice3A_68 : vector<512x8xf32>
    %slice3A_70 = vector.extract_strided_slice %add3A_69 {offsets = [0, 0], sizes = [512, 4], strides = [1, 1]} : vector<512x8xf32> to vector<512x4xf32>
    %slice3A_71 = vector.extract_strided_slice %add3A_69 {offsets = [0, 4], sizes = [512, 4], strides = [1, 1]} : vector<512x8xf32> to vector<512x4xf32>
    %add3A_72 = arith.addf %slice3A_70, %slice3A_71 : vector<512x4xf32>
    %slice3A_73 = vector.extract_strided_slice %add3A_72 {offsets = [0, 0], sizes = [512, 2], strides = [1, 1]} : vector<512x4xf32> to vector<512x2xf32>
    %slice3A_74 = vector.extract_strided_slice %add3A_72 {offsets = [0, 2], sizes = [512, 2], strides = [1, 1]} : vector<512x4xf32> to vector<512x2xf32>
    %add3A_75 = arith.addf %slice3A_73, %slice3A_74 : vector<512x2xf32>
    %slice3A_76 = vector.extract_strided_slice %add3A_75 {offsets = [0, 0], sizes = [512, 1], strides = [1, 1]} : vector<512x2xf32> to vector<512x1xf32>
    %slice3A_77 = vector.extract_strided_slice %add3A_75 {offsets = [0, 1], sizes = [512, 1], strides = [1, 1]} : vector<512x2xf32> to vector<512x1xf32>
    %add3A_78 = arith.addf %slice3A_76, %slice3A_77 : vector<512x1xf32>
    %sqrt3A_79 = math.sqrt %add3A_78 : vector<512x1xf32>
    %max3A = arith.constant 9.99999993E-9 : f32
    %max3A_80 = vector.broadcast %max3A : f32 to vector<512x1xf32>
    %max3A_81 = arith.maximumf %sqrt3A, %max3A_80 : vector<512x1xf32>
    %max3A_82 = arith.constant 9.99999993E-9 : f32
    %max3A_83 = vector.broadcast %max3A_82 : f32 to vector<512x1xf32>
    %max3A_84 = arith.maximumf %sqrt3A_79, %max3A_83 : vector<512x1xf32>
    %mul3A_85 = arith.mulf %max3A_81, %max3A_84 : vector<512x1xf32>
    %div3A = arith.divf %add3A_28, %mul3A_85 : vector<512x1xf32>
    %concatenate3A = tpu.concatenate %div3A, %slice3A, %slice3A_5 in 1 : vector<512x1xf32>, vector<512x64xf32>, vector<512x64xf32> -> vector<512x129xf32>
    %get3A_86 = arith.constant 0 : index
    %get3A_87 = arith.constant 0 : index
    %get3A_88 = vector.load %arg3[%get3A_86, %get3A_87] : memref<129x64xf32, #tpu.memory_space<vmem>>, vector<129x64xf32>
    %convert_element_type3A = arith.truncf %concatenate3A : vector<512x129xf32> to vector<512x129xbf16>
    %convert_element_type3A_89 = arith.truncf %get3A_88 : vector<129x64xf32> to vector<129x64xbf16>
    %dot_general3A = arith.constant dense<0.000000e+00> : vector<512x64xf32>
    %dot_general3A_90 = tpu.matmul %convert_element_type3A, %convert_element_type3A_89, %dot_general3A {dimension_numbers = #tpu.dot_dimension_numbers<[1], [0], [0], [1], [0, 0, 1, 1], [], []>, transpose_lhs_hint = false} : vector<512x129xbf16>, vector<129x64xbf16>, vector<512x64xf32> -> vector<512x64xf32>
    %get3A_91 = arith.constant 0 : index
    %get3A_92 = vector.load %arg4[%get3A_91] : memref<64xf32, #tpu.memory_space<vmem>>, vector<64xf32>
    %broadcast_in_dim3A = vector.shape_cast %get3A_92 : vector<64xf32> to vector<1x64xf32>
    %add3A_93 = vector.broadcast %broadcast_in_dim3A : vector<1x64xf32> to vector<512x64xf32>
    %add3A_94 = arith.addf %dot_general3A_90, %add3A_93 : vector<512x64xf32>
    %max3A_95 = arith.constant 0.000000e+00 : f32
    %max3A_96 = vector.broadcast %max3A_95 : f32 to vector<512x64xf32>
    %max3A_97 = arith.maximumf %add3A_94, %max3A_96 : vector<512x64xf32>
    %get3A_98 = arith.constant 0 : index
    %get3A_99 = arith.constant 0 : index
    %get3A_100 = vector.load %arg5[%get3A_98, %get3A_99] : memref<64x32xf32, #tpu.memory_space<vmem>>, vector<64x32xf32>
    %convert_element_type3A_101 = arith.truncf %max3A_97 : vector<512x64xf32> to vector<512x64xbf16>
    %convert_element_type3A_102 = arith.truncf %get3A_100 : vector<64x32xf32> to vector<64x32xbf16>
    %dot_general3A_103 = arith.constant dense<0.000000e+00> : vector<512x32xf32>
    %dot_general3A_104 = tpu.matmul %convert_element_type3A_101, %convert_element_type3A_102, %dot_general3A_103 {dimension_numbers = #tpu.dot_dimension_numbers<[1], [0], [0], [1], [0, 0, 1, 1], [], []>, transpose_lhs_hint = false} : vector<512x64xbf16>, vector<64x32xbf16>, vector<512x32xf32> -> vector<512x32xf32>
    %get3A_105 = arith.constant 0 : index
    %get3A_106 = vector.load %arg6[%get3A_105] : memref<32xf32, #tpu.memory_space<vmem>>, vector<32xf32>
    %broadcast_in_dim3A_107 = vector.shape_cast %get3A_106 : vector<32xf32> to vector<1x32xf32>
    %add3A_108 = vector.broadcast %broadcast_in_dim3A_107 : vector<1x32xf32> to vector<512x32xf32>
    %add3A_109 = arith.addf %dot_general3A_104, %add3A_108 : vector<512x32xf32>
    %max3A_110 = arith.constant 0.000000e+00 : f32
    %max3A_111 = vector.broadcast %max3A_110 : f32 to vector<512x32xf32>
    %max3A_112 = arith.maximumf %add3A_109, %max3A_111 : vector<512x32xf32>
    %get3A_113 = arith.constant 0 : index
    %get3A_114 = arith.constant 0 : index
    %get3A_115 = vector.load %arg7[%get3A_113, %get3A_114] : memref<32x1xf32, #tpu.memory_space<vmem>>, vector<32x1xf32>
    %convert_element_type3A_116 = arith.truncf %max3A_112 : vector<512x32xf32> to vector<512x32xbf16>
    %convert_element_type3A_117 = arith.truncf %get3A_115 : vector<32x1xf32> to vector<32x1xbf16>
    %dot_general3A_118 = arith.constant dense<0.000000e+00> : vector<512x1xf32>
    %dot_general3A_119 = tpu.matmul %convert_element_type3A_116, %convert_element_type3A_117, %dot_general3A_118 {dimension_numbers = #tpu.dot_dimension_numbers<[1], [0], [0], [1], [0, 0, 1, 1], [], []>, transpose_lhs_hint = false} : vector<512x32xbf16>, vector<32x1xbf16>, vector<512x1xf32> -> vector<512x1xf32>
    %get3A_120 = arith.constant 0 : index
    %get3A_121 = vector.load %arg8[%get3A_120] : memref<1xf32, #tpu.memory_space<vmem>>, vector<1xf32>
    %broadcast_in_dim3A_122 = vector.shape_cast %get3A_121 : vector<1xf32> to vector<1x1xf32>
    %add3A_123 = vector.broadcast %broadcast_in_dim3A_122 : vector<1x1xf32> to vector<512x1xf32>
    %add3A_124 = arith.addf %dot_general3A_119, %add3A_123 : vector<512x1xf32>
    %logistic3A = arith.negf %add3A_124 : vector<512x1xf32>
    %logistic3A_125 = math.exp %logistic3A : vector<512x1xf32>
    %logistic3A_126 = arith.constant 1.000000e+00 : f32
    %logistic3A_127 = vector.broadcast %logistic3A_126 : f32 to vector<512x1xf32>
    %logistic3A_128 = arith.addf %logistic3A_127, %logistic3A_125 : vector<512x1xf32>
    %logistic3A_129 = arith.divf %logistic3A_127, %logistic3A_128 : vector<512x1xf32>
    %swap3A = arith.constant 0 : index
    %swap3A_130 = arith.constant 0 : index
    %swap3A_131 = vector.load %arg9[%swap3A, %swap3A_130] : memref<512x1xf32, #tpu.memory_space<vmem>>, vector<512x1xf32>
    tpu.vector_store %arg9[%swap3A, %swap3A_130], %logistic3A_129 {strides = array<i32>} : memref<512x1xf32, #tpu.memory_space<vmem>>, vector<512x1xf32>,
    return
  }
  func.func @transform_0(%arg0: i32) -> (i32, i32) {
    %c0_i32 = arith.constant 0 : i32
    %c0_i32_0 = arith.constant 0 : i32
    return %arg0, %c0_i32 : i32, i32
  }
  func.func @transform_1(%arg0: i32) -> (i32, i32) {
    %add3A = arith.constant 625 : i32
    %add3A_0 = arith.addi %arg0, %add3A : i32
    %c0_i32 = arith.constant 0 : i32
    %c0_i32_1 = arith.constant 0 : i32
    return %add3A_0, %c0_i32 : i32, i32
  }
  func.func @transform_2(%arg0: i32) -> (i32, i32) {
    %c0_i32 = arith.constant 0 : i32
    %c0_i32_0 = arith.constant 0 : i32
    %c0_i32_1 = arith.constant 0 : i32
    return %c0_i32, %c0_i32_0 : i32, i32
  }
  func.func @transform_3(%arg0: i32) -> i32 {
    %c0_i32 = arith.constant 0 : i32
    %c0_i32_0 = arith.constant 0 : i32
    return %c0_i32 : i32
  }
  func.func @transform_4(%arg0: i32) -> (i32, i32) {
    %c0_i32 = arith.constant 0 : i32
    %c0_i32_0 = arith.constant 0 : i32
    %c0_i32_1 = arith.constant 0 : i32
    return %c0_i32, %c0_i32_0 : i32, i32
  }
  func.func @transform_5(%arg0: i32) -> i32 {
    %c0_i32 = arith.constant 0 : i32
    %c0_i32_0 = arith.constant 0 : i32
    return %c0_i32 : i32
  }
  func.func @transform_6(%arg0: i32) -> (i32, i32) {
    %c0_i32 = arith.constant 0 : i32
    %c0_i32_0 = arith.constant 0 : i32
    %c0_i32_1 = arith.constant 0 : i32
    return %c0_i32, %c0_i32_0 : i32, i32
  }
  func.func @transform_7(%arg0: i32) -> i32 {
    %c0_i32 = arith.constant 0 : i32
    %c0_i32_0 = arith.constant 0 : i32
    return %c0_i32 : i32
  }
  func.func @transform_8(%arg0: i32) -> (i32, i32) {
    %c0_i32 = arith.constant 0 : i32
    %c0_i32_0 = arith.constant 0 : i32
    return %arg0, %c0_i32 : i32, i32
  }
}

</mosaic_0001>

<sc_bundles>
// kernel: gather_offload_async_start
scs
__scs_entry_jumppad:
0x0: {  	(pc) =	sbr.rel $0x88, $3  }
0x1: {  	(tag) =	ssettag $0x0;
	lr =	simm.s32 $0x1  }
0x2: {  	[smem:$0x3F96] =	sst lr;
	_ =	strace $0xD0000000  }
0x3: {  	_ = 	snop  }
0x4: {  	_ = 	snop  }
0x5: {  	_ = 	snop  }
0x6: {  	_ = 	snop  }
0x7: {  	_ = 	snop  }
__scs_overlays_trampoline_lowered:
0x8: {  	[smem:$0x3FA5] =	sst s0  }
0x9: {  	[smem:$0x3FA6] =	sst s1  }
0xa: {  	[smem:$0x3FA7] =	sst s2  }
0xb: {  	[smem:$0x3FA8] =	sst s3  }
0xc: {  	[smem:$0x3FA9] =	sst s4  }
0xd: {  	[smem:$0x3FAA] =	sst s5  }
0xe: {  	[smem:$0x3FAB] =	sst s6  }
0xf: {  	[smem:$0x3FAC] =	sst s7  }
0x10: {  	[smem:$0x3FAD] =	sst s8  }
0x11: {  	[smem:$0x3FAE] =	sst s9;
	s0 =	simm.s32 @!p0 $0x0  }
0x12: {  	s1 =	sld [smem:$0x3F94];
	s0 =	simm.s32 @p0 $0x1  }
0x13: {  	[smem:$0x3FAF] =	sst s0;
	s0 =	simm.s32 @!p1 $0x0  }
0x14: {  	s2 =	sld [smem:$0x3F93];
	s0 =	simm.s32 @p1 $0x1  }
0x15: {  	[smem:$0x3FB0] =	sst s0;
	s0 =	simm.s32 @!p2 $0x0  }
0x16: {  	s3 =	sld [smem:$0x3FDB];
	s0 =	simm.s32 @p2 $0x1  }
0x17: {  	s4 =	simm.s32 $0x1BF5;
	[smem:$0x3FB2] =	sst s0  }
0x18: {  	s0 =	sld [smem:$0x3F95];
	_ =	swait.ge [sflag:s4], $0x0  }
0x19: {  	s7 =	sld [smem:$0x3F96]  }
0x1a: {  	s8 =	sadd.s32 $0xFFFFE003, lr  }
0x1b: {  	s9 =	sadd.s32 $0xFFFFFEF7, lr;
	s5 =	simm.s32 $0xFFFFFFFF;
	p2 =	slt.u32 s8, $0xFFFFF086  }
0x1c: {  	p1 =	slt.u32 s9, $0xF7A;
	s5 =	simm.s32 @!p2 $0x0  }
0x1d: {  	s5 =	simm.s32 @p1 $0x1;
	p0 =	seq.s32 s7, s2  }
0x1e: {  	s7 =	smul.u32 @!p0 $0xF7A, s2;
	p2 =	seq.s32 @!p0 s5, $0x0  }
0x1f: {  	s9 =	smul.u32 $0xF7A, s1;
	s8 =	simm.s32 @!p0 $0x1BF5;
	p2 =	por !p2, p0  }
0x20: {  	[sflag:s8] =	ssyncset.s32 @!p0 $0xFFFFF086;
	s6 =	sadd.s32 @!p0 s3, s7;
	s7 =	simm.s32 @!p0 $0x108  }
0x21: {  	s3 =	sadd.s32 s3, s9;
	s6 =	sadd.s32 @!p0 $0x88, s6;
	s7 =	simm.s32 @p2 $0x1082  }
0x22: {  	[simem:s7], [sflag:s8] =	dma.local @!p0 [hbm:s6], $0xF7A  }
0x23: {  	s9 =	sor.u32 $0xD0000000, s2;
	s6 =	simm.s32 $0x108;
	_ =	swait.ge @!p0 [sflag:s8], $0x0  }
0x24: {  	s3 =	sadd.s32 $0x88, s3;
	s6 =	simm.s32 @!p1 $0x1082;
	[sflag:s4] =	ssyncset.s32 $0xFFFFF086  }
0x25: {  	[simem:s6], [sflag:s4] =	dma.local [hbm:s3], $0xF7A  }
0x26: {  	[smem:$0x3F96] =	sst s1;
	(tag) =	ssettag s2;
	_ =	strace s9  }
0x27: {  	s1 =	sld [smem:$0x3FA6]  }
0x28: {  	s2 =	sld [smem:$0x3FA7]  }
0x29: {  	s4 =	sld [smem:$0x3FA9]  }
0x2a: {  	p0 =	seq.s32 s5, $0x0;
	s5 =	sld [smem:$0x3FAA]  }
0x2b: {  	s6 =	sld [smem:$0x3FAB]  }
0x2c: {  	s7 =	sld [smem:$0x3FAC]  }
0x2d: {  	s3 =	simm.s32 $0x108;
	s8 =	sld [smem:$0x3FAD]  }
0x2e: {  	s3 =	simm.s32 @!p0 $0x1082;
	s9 =	sld [smem:$0x3FAE]  }
0x2f: {  	lr =	sadd.s32 s0, s3;
	s0 =	sld [smem:$0x3FA5]  }
0x30: {  	s3 =	sld [smem:$0x3FA8]  }
0x31: {  	[smem:$0x3FB1] =	sst s10  }
0x32: {  	s10 =	sld [smem:$0x3FAF];
	_ =	sdelay $0x3  }
0x33: {  	p0 =	seq.s32 s10, $0x1;
	s10 =	sld [smem:$0x3FB1];
	_ =	sdelay $0x3  }
0x34: {  	[smem:$0x3FB1] =	sst s10  }
0x35: {  	s10 =	sld [smem:$0x3FB0];
	_ =	sdelay $0x3  }
0x36: {  	p1 =	seq.s32 s10, $0x1;
	s10 =	sld [smem:$0x3FB1];
	_ =	sdelay $0x3  }
0x37: {  	[smem:$0x3FB1] =	sst s10  }
0x38: {  	s10 =	sld [smem:$0x3FB2]  }
0x39: {  	_ = 	snop;
	(pc) =	sbr.ind lr, $3  }
0x3a: {  	_ = 	snop  }
0x3b: {  	_ = 	snop  }
0x3c: {  	p2 =	seq.s32 s10, $0x1;
	s10 =	sld [smem:$0x3FB1]  }
0x3d: {  	_ =	shalt  }
0x3e: {  	_ =	shalt  }
0x3f: {  	_ =	shalt  }
0x40: {  	_ =	shalt  }
0x41: {  	_ =	shalt  }
0x42: {  	_ =	shalt  }
0x43: {  	_ =	shalt  }
0x44: {  	_ =	shalt  }
0x45: {  	_ =	shalt  }
0x46: {  	_ =	shalt  }
0x47: {  	_ =	shalt  }
0x48: {  	_ =	shalt  }
0x49: {  	_ =	shalt  }
0x4a: {  	_ =	shalt  }
0x4b: {  	_ =	shalt  }
0x4c: {  	_ =	shalt  }
0x4d: {  	_ =	shalt  }
0x4e: {  	_ =	shalt  }
0x4f: {  	_ =	shalt  }
0x50: {  	_ =	shalt  }
0x51: {  	_ =	shalt  }
0x52: {  	_ =	shalt  }
0x53: {  	_ =	shalt  }
0x54: {  	_ =	shalt  }
0x55: {  	_ =	shalt  }
0x56: {  	_ =	shalt  }
0x57: {  	_ =	shalt  }
0x58: {  	_ =	shalt  }
0x59: {  	_ =	shalt  }
0x5a: {  	_ =	shalt  }
0x5b: {  	_ =	shalt  }
0x5c: {  	_ =	shalt  }
0x5d: {  	_ =	shalt  }
0x5e: {  	_ =	shalt  }
0x5f: {  	_ =	shalt  }
0x60: {  	_ =	shalt  }
0x61: {  	_ =	shalt  }
0x62: {  	_ =	shalt  }
0x63: {  	_ =	shalt  }
0x64: {  	_ =	shalt  }
0x65: {  	_ =	shalt  }
0x66: {  	_ =	shalt  }
0x67: {  	_ =	shalt  }
0x68: {  	_ =	shalt  }
0x69: {  	_ =	shalt  }
0x6a: {  	_ =	shalt  }
0x6b: {  	_ =	shalt  }
0x6c: {  	_ =	shalt  }
0x6d: {  	_ =	shalt  }
0x6e: {  	_ =	shalt  }
0x6f: {  	_ =	shalt  }
0x70: {  	_ =	shalt  }
0x71: {  	_ =	shalt  }
0x72: {  	_ =	shalt  }
0x73: {  	_ =	shalt  }
0x74: {  	_ =	shalt  }
0x75: {  	_ =	shalt  }
0x76: {  	_ =	shalt  }
0x77: {  	_ =	shalt  }
0x78: {  	_ =	shalt  }
0x79: {  	_ =	shalt  }
0x7a: {  	_ =	shalt  }
0x7b: {  	_ =	shalt  }
0x7c: {  	_ =	shalt  }
0x7d: {  	_ =	shalt  }
0x7e: {  	_ =	shalt  }
0x7f: {  	_ =	shalt  }
0x80: {  	_ =	shalt  }
0x81: {  	_ =	shalt  }
0x82: {  	_ =	shalt  }
0x83: {  	_ =	shalt  }
0x84: {  	_ =	shalt  }
0x85: {  	_ =	shalt  }
0x86: {  	_ =	shalt  }
0x87: {  	_ =	shalt  }
.Lfunc_end0:
.L_simem_size_0:
called_computation_lowered:
.L_overlay_start_0:
0x88: {  	s2 =	sld [smem:$0x3FD9]  }
0x89: {  	s3 =	sld [smem:$0x3FFE];
	_ =	sdelay $0x1  }
0x8a: {  	s1 =	srdreg.scid  }
0x8b: {  	s0 =	sand.u32 $0x1, s1  }
0x8c: {  	s15 =	sshll.u32 s0, $0xA;
	s2 =	sadd.s32 s3, s2  }
0x8d: {  	s2 =	sadd.s32 s2, s15  }
0x8e: {  	[smem:$0x3FBD] =	sst s2  }
0x8f: {  	_ = 	snop  }
0x90: {  	s2 =	sld [smem:$0x3FD0];
	_ =	sdelay $0x2  }
0x91: {  	s4 =	simm.s32 $0xA;
	s5 =	simm.s32 $0x10;
	s16 =	sld [smem:$0x3FC8]  }
0x92: {  	[smem:s5], [sflag:s4] =	dma.local [hbm:s2], $0x1  }
0x93: {  	_ =	swait.eq [sflag:s4], $0x1  }
0x94: {  	[sflag:s4] =	ssyncset.done $0x0  }
0x95: {  	s17 =	sld [smem:$0x10];
	[sflag:s4] =	ssyncadd.s32 $0xFFFFFFFF  }
0x96: {  	s18 =	sld [smem:$0x11];
	(tm) =	ssettm $0x1  }
0x97: {  	s19 =	sld [smem:$0x3FFB];
	_ =	sdelay $0x3  }
0x98: {  	_ =	strace s19  }
0x99: {  	s5 =	sld [smem:$0x3FFC];
	_ =	sdelay $0x3  }
0x9a: {  	_ =	strace s5  }
0x9b: {  	s5 =	sld [smem:$0x3FFD];
	_ =	sdelay $0x3  }
0x9c: {  	_ =	strace s5  }
0x9d: {  	_ =	strace $0x8FFFFFFF  }
0x9e: {  	s20 =	sld [smem:$0x3FDB];
	_ =	sdelay $0x1  }
0x9f: {  	s6 =	simm.s32 $_scs_section_size  }
0xa0: {  	s7 =	simm.s32 $_size__tile_overlayer_lowered;
	s8 =	simm.s32 $_tile_overlayer_lowered  }
0xa1: {  	s23 =	simm.s32 $0x1BFF;
	s22 =	sshll.u32 s8, $0x1;
	s5 =	sadd.s32 s6, s20  }
0xa2: {  	s9 =	simm.s32 $0x0;
	s21 =	sshll.u32 s7, $0x1;
	s7 =	sadd.s32 s22, s5  }
0xa3: {  	[timem:s9], [sflag:s23] =	dma.local [hbm:s7], s21  }
0xa4: {  	_ =	swait.ge [sflag:s23], s21  }
0xa5: {  	s6 =	ssub.s32 $0x0, s21;
	[sflag:s23] =	ssyncset.done $0x0  }
0xa6: {  	[sflag:s23] =	ssyncadd.s32 s6;
	_ =	sdelay $0x1  }
0xa7: {  	s24 =	simm.s32 $0x1B8B  }
0xa8: {  	_ =	swait.ge [sflag:s24], $0x1  }
0xa9: {  	[sflag:s24] =	ssyncset.done $0x0  }
0xaa: {  	s25 =	simm.s32 $0x1B8E;
	[sflag:s24] =	ssyncadd.s32 $0xFFFFFFFF  }
0xab: {  	s26 =	simm.s32 $execute0_lowered;
	[smem:$0x3FD2] =	sst s25  }
0xac: {  	s6 =	sshll.u32 s26, $0x1;
	_ =	strace $0x8000004C;
	[dreg:$0x1] =	wrdreg $0xFFFFFFFF  }
0xad: {  	s28 =	simm.s32 $_size_execute0_lowered;
	s5 =	sadd.s32 s5, s6;
	[dreg:$0x0] =	wrdreg $0x0  }
0xae: {  	s6 =	sshll.u32 s28, $0x1;
	[dreg:$0x2] =	wrdreg s5  }
0xaf: {  	[dreg:$0x3] =	wrdreg s6  }
0xb0: {  	[dreg:$0x4] =	wrdreg $0xC0  }
0xb1: {  	_ =	task [dreg:s9], $0x5FFFF  }
0xb2: {  	[dreg:$0x1] =	wrdreg $0xFFFFFFFF  }
0xb3: {  	[dreg:$0x0] =	wrdreg $0x60  }
0xb4: {  	[dreg:$0x2] =	wrdreg s16  }
0xb5: {  	[dreg:$0x3] =	wrdreg s18  }
0xb6: {  	[dreg:$0x4] =	wrdreg s17  }
0xb7: {  	[dreg:$0x5] =	wrdreg $0x9  }
0xb8: {  	_ =	task.clear_ibuf [dreg:s9], $0x6FFFF;
	_ =	strace $0x9000004C  }
0xb9: {  	s29 =	simm.s32 $0x9;
	_ =	strace $0x8000004E  }
0xba: {  	_ =	swait.ge [sflag:s29], $0x1  }
0xbb: {  	[sflag:s29] =	ssyncadd.s32 $0xFFFFFFFF  }
0xbc: {  	_ =	strace $0x9000004E  }
0xbd: {  	_ =	sfence  }
0xbe: {  	s30 =	sld [smem:$0x0];
	_ =	sdelay $0x2  }
0xbf: {  	s31 =	sshll.u32 s1, $0xD;
	s1 =	sshrl.u32 s1, $0x2  }
0xc0: {  	s3 =	sand.u32 $0x4000, s31;
	s1 =	sadd.s32 s1, s30  }
0xc1: {  	s0 =	sor.u32 s3, s0;
	s1 =	sshll.u32 s1, $0x11  }
0xc2: {  	s0 =	sor.u32 s1, s0  }
0xc3: {  	s0 =	sadd.s32 $0x8F2B, s0  }
0xc4: {  	[sflag:s0] =	ssyncadd.remote.s32 $0x1  }
0xc5: {  	_ =	sfence.sel $0xFFFF  }
0xc6: {  	[dreg:$0x0] =	wrdreg $0xFFFFFFFF;
	(pc) =	sbr.abs _section_cstart, $3  }
0xc7: {  	[dreg:$0x1] =	wrdreg $0xFFFFFFFF  }
0xc8: {  	_ =	task.clear_ibuf [dreg:s9], $0x2FFFF;
	_ =	strace $0x9FFFFFFF  }
0xc9: {  	(tm) =	ssettm $0x7FFFFFFF  }
tec
execute0_lowered:
.L_overlay_start_1:
0x0: {  	(tag) =	ssettag $0x1  }
0x1: {  	s2 =	rddreg [dreg:$0x0]  }
0x2: {  	s3 =	rddreg [dreg:$0x1]  }
0x3: {  	s4 =	rddreg [dreg:$0x2];
	s1 =	stileid.u32  }
0x4: {  	s5 =	srdreg.scid;
	s0 =	rddreg [dreg:$0x3];
	_ =	strace $0x8000004D  }
0x5: {  	s8 =	simm.s32 $0x1;
	s9 =	simm.s32 $0x1;
	s10 =	simm.s32 $0x3  }
0x6: {  	s13 =	simm.s32 $0x0;
	s6 =	sand.u32 $0x1, s5;
	s7 =	sshll.u32 s1, $0x1  }
0x7: {  	s12 =	simm.s32 $0x0;
	s5 =	simm.s32 $0x1;
	s6 =	sor.u32 s7, s6  }
.Ltmp0:
0x8: {  	[sflag:s5] =	ssyncpa.u1 $0x0;
	p0 =	slt.u32 s6, $0x13;
	(pc) =	sbr.rel .LBB2_1-.Ltmp0, $4  }
0x9: {  	s7 =	simm.s32 $0x2;
	s8 =	simm.s32 @!p0 $0x0;
	p0 =	sne.s32 s6, $0x12  }
0xa: {  	[sflag:s7] =	ssyncpa.u1 $0x0;
	s6 =	smul.u32 $0xC80, s6;
	s9 =	simm.s32 @!p0 $0x0  }
0xb: {  	[sflag:s10] =	ssyncpa.u1 $0x0;
	s10 =	simm.s32 $0x0;
	s8 =	sadd.s32 s9, s8  }
0xc: {  	vm0 =	vmmov $0xffff;
	v0 =	vlaneseq.u32;
	p0 =	por $0x0, $0x0;
	s11 =	smov.u32 s6;
	s9 =	sadd.s32 $0x1, s8  }
.LBB2_4:
0xd: {  	vm1 =	vgt.s32 v1, $0x0;
	s15 =	sadd.s32 $0xFFFFFFF0, s15  }
0xe: {  	v1 =	vnsel vm1, $0x0, v1;
	p1 =	sgt.s32 s15, $0x0  }
0xf: {  	v1 =	vmin.u32 v1, $0x4E1FF;
	s15 =	simm.s32 @!p1 $0x0  }
0x10: {  	v2 =	vshll.u32 v1, $0x1;
	s15 =	smin.u32 s15, $0x10  }
0x11: {  	v1 =	vand.u32 $0x7F, v1;
	v2 =	vand.u32 $0xFFF00, v2;
	v3 =	vmov s15  }
0x12: {  	v1 =	vor.u32 v1, v2;
	vm1 =	vgt.u32 v3, v0  }
0x13: {  	v2 =	vnsel vm1, $0x7FFFFFFF, v1;
	_ =	sdelay $0x1  }
0x14: {  	s29 =	sand.u32 $0x1F00, s17;
	s16 =	sadd.s32 $0x10, s16;
	v1 =	vor.u32 $0x80, v1  }
0x15: {  	(ifvalue) =	ssetifvalue $0x7FFFFFFF;
	s16 =	sand.u32 $0x70, s16;
	s15 =	sadd.s32 s29, s14;
	v1 =	vnsel vm1, $0x7FFFFFFF, v1  }
0x16: {  	(ifvalue) =	ssetifvalue $0x7FFFFFFF;
	s15 =	sadd.s32 s16, s15  }
0x17: {  	[tilespmem:s15], [sflag:$0x1] =	stream.indirect_vreg.gather [hbm4b:s2+s10], $0x1, v2, vm0, $0x4038;
	[tilespmem:$0x4B00] =	vst v63  }
0x18: {  	(ifvalue) =	ssetifvalue $0x7FFFFFFF  }
0x19: {  	s30 =	sshll.u32 s13, $0x1;
	s15 =	sadd.s32 $0x80, s15;
	(ifvalue) =	ssetifvalue $0x7FFFFFFF  }
0x1a: {  	[tilespmem:s15], [sflag:$0x1] =	stream.indirect_vreg.gather [hbm4b:s2+s10], $0x1, v1, vm0, $0x4038;
	[tilespmem:$0x4B00] =	vst v63  }
0x1b: {  	s31 =	sand.u32 $0x78, s13;
	s15 =	sand.u32 $0xFFFFFF00, s30  }
0x1c: {  	_ =	swait.ge [sflag:s5], $0x1900;
	s13 =	sor.u32 s31, s15  }
0x1d: {  	[sflag:s5] =	ssyncset.done $0x0;
	s13 =	sshrl.u32 s13, $0x3  }
0x1e: {  	[sflag:s5] =	ssyncadd.s32 $0xFFFFE700;
	s13 =	sadd.s32 s4, s13  }
0x1f: {  	[hbm:s13] =	stream.linear.scatter [tilespmem:s14], [sflag:$0x3], $0x1900, $0x38;
	[tilespmem:$0x4B00] =	vst v63  }
.LBB2_5:
0x20: {  	s15 =	sadd.s32 $0x19000, s11  }
0x21: {  	p2 =	sgt.s32 s15, $0x270FF  }
0x22: {  	s15 =	smov.u32 @p2 s6;
	p2 =	sne.s32 s12, s9  }
.Ltmp1:
0x23: {  	p1 =	slt.u32 s12, $0x2;
	(pc) =	sbr.rel @!p2 .LBB2_6-.Ltmp1, $4  }
0x24: {  	s14 =	simm.s32 @!p1 $0x3  }
0x25: {  	s16 =	sadd.s32 $0x1, s12;
	_ =	swait.ge @!p1 [sflag:s14], $0x1900  }
0x26: {  	s13 =	smov.u32 s11;
	p0 =	por !p0, !p0;
	[sflag:s14] =	ssyncset.done @!p1 $0x0  }
0x27: {  	s12 =	smov.u32 s16;
	s11 =	smov.u32 s15;
	[sflag:s14] =	ssyncadd.s32 @!p1 $0xFFFFE700  }
.LBB2_1:
0x28: {  	p1 =	sge.u32 s12, s8  }
0x29: {  	s14 =	sxor.u32 @!p1 $0x1, s12  }
0x2a: {  	s14 =	smul.u32 @!p1 $0x3200, s14  }
0x2b: {  	s31 =	sadd.s32 $0xFFFFFFFF, s12;
	s15 =	sshrl.u32 @!p1 s11, $0x3  }
0x2c: {  	s16 =	sand.u32 @!p1 $0x7, s11;
	s15 =	sadd.s32 @!p1 s3, s15;
	s14 =	sshra.s32 @!p1 s14, $0x2  }
0x2d: {  	[tilespmem:s14], [sflag:$0x2] =	stream.linear.gather @!p1 [hbm4b:s15+s16], $0xC80, $0x38;
	[tilespmem:$0x4B00] =	vst v63  }
0x2e: {  	p1 =	sge.u32 s31, s8  }
.Ltmp2:
0x2f: {  	_ = 	snop;
	(pc) =	sbr.rel @p1 .LBB2_5-.Ltmp2, $1  }
0x30: {  	_ =	sdelay $0x3  }
0x31: {  	s14 =	simm.s32 $0x1  }
0x32: {  	s14 =	simm.s32 @!p0 $0x0  }
0x33: {  	_ =	swait.ge [sflag:s7], $0xC80;
	s14 =	smul.u32 $0x3200, s14  }
0x34: {  	[sflag:s7] =	ssyncset.done $0x0  }
0x35: {  	[sflag:s7] =	ssyncadd.s32 $0xFFFFF380;
	s17 =	sshrl.u32 s14, $0x2  }
0x36: {  	v1 =	vld.msk [tilespmem:s17+$0x0 ss:$0x1], $0xffff;
	_ =	sdelay $0x2  }
0x37: {  	s15 =	ssub.s32 $0x27100, s13  }
0x38: {  	p1 =	slt.s32 s15, $0xC80  }
0x39: {  	s15 =	simm.s32 @!p1 $0xC80;
	vm1 =	vgt.s32 v1, $0x0  }
0x3a: {  	p1 =	sgt.s32 s15, $0x0;
	s14 =	smov.u32 s15;
	v1 =	vnsel vm1, $0x0, v1  }
0x3b: {  	s14 =	simm.s32 @!p1 $0x0;
	v1 =	vmin.u32 v1, $0x4E1FF  }
0x3c: {  	s14 =	smin.u32 s14, $0x10;
	v2 =	vshll.u32 v1, $0x1  }
0x3d: {  	s16 =	sand.u32 $0x1, s12;
	v3 =	vmov s14;
	v1 =	vand.u32 $0x7F, v1;
	v2 =	vand.u32 $0xFFF00, v2  }
0x3e: {  	s31 =	smul.u32 $0x6400, s16;
	vm1 =	vgt.u32 v3, v0;
	v1 =	vor.u32 v1, v2  }
0x3f: {  	v2 =	vnsel vm1, $0x7FFFFFFF, v1  }
0x40: {  	s16 =	simm.s32 $0x0;
	s14 =	sshrl.u32 s31, $0x2  }
0x41: {  	s18 =	sand.u32 $0x1F00, s16;
	s14 =	sadd.s32 $0x1900, s14;
	v1 =	vor.u32 $0x80, v1  }
0x42: {  	s19 =	sand.u32 $0x70, s16;
	(ifvalue) =	ssetifvalue $0x7FFFFFFF;
	s18 =	sadd.s32 s18, s14;
	v1 =	vnsel vm1, $0x7FFFFFFF, v1  }
0x43: {  	(ifvalue) =	ssetifvalue $0x7FFFFFFF;
	s18 =	sadd.s32 s19, s18  }
0x44: {  	[tilespmem:s18], [sflag:$0x1] =	stream.indirect_vreg.gather [hbm4b:s2+s10], $0x1, v2, vm0, $0x4038;
	[tilespmem:$0x4B00] =	vst v63  }
0x45: {  	(ifvalue) =	ssetifvalue $0x7FFFFFFF  }
0x46: {  	s18 =	sadd.s32 $0x80, s18;
	(ifvalue) =	ssetifvalue $0x7FFFFFFF  }
0x47: {  	[tilespmem:s18], [sflag:$0x1] =	stream.indirect_vreg.gather [hbm4b:s2+s10], $0x1, v1, vm0, $0x4038;
	[tilespmem:$0x4B00] =	vst v63  }
0x48: {  	s18 =	sadd.s32 $0x10, s17  }
0x49: {  	v1 =	vld.msk [tilespmem:s18+$0x0 ss:$0x1], $0xffff  }
0x4a: {  	s19 =	simm.s32 $0x40;
	s17 =	simm.s32 $0x20  }
.LBB2_3:
0x4b: {  	p1 =	sne.s32 s19, $0x18E0;
	_ =	sdelay $0x2  }
0x4c: {  	vm1 =	vgt.s32 v1, $0x0;
	s15 =	sadd.s32 $0xFFFFFFF0, s15  }
0x4d: {  	v1 =	vnsel vm1, $0x0, v1;
	p2 =	sgt.s32 s15, $0x0;
	s20 =	smov.u32 s15  }
0x4e: {  	v1 =	vmin.u32 v1, $0x4E1FF;
	s20 =	simm.s32 @!p2 $0x0  }
0x4f: {  	v2 =	vshll.u32 v1, $0x1;
	s20 =	smin.u32 s20, $0x10  }
0x50: {  	v1 =	vand.u32 $0x7F, v1;
	v2 =	vand.u32 $0xFFF00, v2;
	v3 =	vmov s20  }
0x51: {  	v1 =	vor.u32 v1, v2;
	vm1 =	vgt.u32 v3, v0  }
0x52: {  	v2 =	vnsel vm1, $0x7FFFFFFF, v1;
	_ =	sdelay $0x1  }
0x53: {  	s16 =	sadd.s32 $0x10, s16;
	s20 =	sand.u32 $0x1F00, s17;
	s17 =	smov.u32 s19;
	v1 =	vor.u32 $0x80, v1  }
0x54: {  	s21 =	sand.u32 $0x70, s16;
	s20 =	sadd.s32 s20, s14;
	v1 =	vnsel vm1, $0x7FFFFFFF, v1;
	(ifvalue) =	ssetifvalue $0x7FFFFFFF  }
0x55: {  	s20 =	sadd.s32 s21, s20;
	(ifvalue) =	ssetifvalue $0x7FFFFFFF  }
0x56: {  	[tilespmem:s20], [sflag:$0x1] =	stream.indirect_vreg.gather [hbm4b:s2+s10], $0x1, v2, vm0, $0x4038;
	[tilespmem:$0x4B00] =	vst v63  }
0x57: {  	s18 =	sadd.s32 $0x10, s18;
	(ifvalue) =	ssetifvalue $0x7FFFFFFF  }
.Ltmp3:
0x58: {  	s20 =	sadd.s32 $0x80, s20;
	(ifvalue) =	ssetifvalue $0x7FFFFFFF;
	(pc) =	sbr.rel @p1 .LBB2_3-.Ltmp3, $3  }
0x59: {  	[tilespmem:s20], [sflag:$0x1] =	stream.indirect_vreg.gather [hbm4b:s2+s10], $0x1, v1, vm0, $0x4038;
	[tilespmem:$0x4B00] =	vst v63  }
0x5a: {  	v1 =	vld.msk [tilespmem:s18+$0x0 ss:$0x1], $0xffff;
	_ =	sdelay $0x1  }
0x5b: {  	s19 =	sadd.s32 $0x20, s19  }
.Ltmp4:
0x5c: {  	_ = 	snop;
	(pc) =	sbr.rel .LBB2_4-.Ltmp4, $1  }
0x5d: {  	_ =	sdelay $0x3  }
.LBB2_6:
0x5e: {  	_ =	sfence.sel $0x180000  }
0x5f: {  	s2 =	simm.s32 $0x2;
	[bflag:$0x0] =	sbarrier.arrive $0xFFFF  }
0x60: {  	s30 =	simm.s32 $0x3;
	[sflag:s2] =	ssyncpa.u1 $0x1  }
0x61: {  	s31 =	simm.s32 $0x1;
	[sflag:s30] =	ssyncpa.u1 $0x1  }
0x62: {  	[sflag:s31] =	ssyncpa.u1 $0x1  }
0x63: {  	p0 =	sne.s32 s1, $0x0;
	_ =	strace $0x9000004D  }
0x64: {  	s0 =	sadd.s32 @!p0 $0x100000, s0;
	[bflag:$0x2] =	sbarrier.arrive $0xFFFF  }
0x65: {  	[sflag:s0] =	ssyncadd.tile.s32 @!p0 $0x1;
	_ =	shalt  }
.Lfunc_end2:
_tile_overlayer_lowered:
.L_overlay_start_2:
0x66: {  	(tag) =	ssettag $0x2  }
0x67: {  	s0 =	rddreg [dreg:$0x0];
	s2 =	stileid.u32  }
0x68: {  	s1 =	rddreg [dreg:$0x1];
	p0 =	sne.s32 s2, $0x0  }
0x69: {  	s3 =	rddreg [dreg:$0x2];
	[bflag:$0x3] =	sbarrier.arrive $0xFFFF;
	s2 =	simm.s32 @!p0 $0x1C01  }
0x6a: {  	[timem:s3], [sflag:s2] =	dma.local @!p0 [hbm:s0], s1  }
0x6b: {  	s0 =	simm.s32 @!p0 $0x1  }
0x6c: {  	_ =	swait.ge @!p0 [sflag:s0], s1  }
0x6d: {  	s1 =	ssub.s32 @!p0 $0x0, s1;
	[sflag:s0] =	ssyncset.done @!p0 $0x0  }
0x6e: {  	[sflag:s0] =	ssyncadd.s32 @!p0 s1  }
0x6f: {  	[bflag:$0x3] =	sbarrier.arrive $0xFFFF  }
0x70: {  	_ =	shalt  }

// kernel: kernel.6.cloned.1.call-start
scs
__scs_entry_jumppad:
0x0: {  	(pc) =	sbr.rel $0x88, $3  }
0x1: {  	(tag) =	ssettag $0x0;
	lr =	simm.s32 $0x1  }
0x2: {  	[smem:$0x3F96] =	sst lr;
	_ =	strace $0xD0000000  }
0x3: {  	_ = 	snop  }
0x4: {  	_ = 	snop  }
0x5: {  	_ = 	snop  }
0x6: {  	_ = 	snop  }
0x7: {  	_ = 	snop  }
__scs_overlays_trampoline_lowered:
0x8: {  	[smem:$0x3FA5] =	sst s0  }
0x9: {  	[smem:$0x3FA6] =	sst s1  }
0xa: {  	[smem:$0x3FA7] =	sst s2  }
0xb: {  	[smem:$0x3FA8] =	sst s3  }
0xc: {  	[smem:$0x3FA9] =	sst s4  }
0xd: {  	[smem:$0x3FAA] =	sst s5  }
0xe: {  	[smem:$0x3FAB] =	sst s6  }
0xf: {  	[smem:$0x3FAC] =	sst s7  }
0x10: {  	[smem:$0x3FAD] =	sst s8  }
0x11: {  	[smem:$0x3FAE] =	sst s9;
	s0 =	simm.s32 @!p0 $0x0  }
0x12: {  	s1 =	sld [smem:$0x3F94];
	s0 =	simm.s32 @p0 $0x1  }
0x13: {  	[smem:$0x3FAF] =	sst s0;
	s0 =	simm.s32 @!p1 $0x0  }
0x14: {  	s2 =	sld [smem:$0x3F93];
	s0 =	simm.s32 @p1 $0x1  }
0x15: {  	[smem:$0x3FB0] =	sst s0;
	s0 =	simm.s32 @!p2 $0x0  }
0x16: {  	s3 =	sld [smem:$0x3FDB];
	s0 =	simm.s32 @p2 $0x1  }
0x17: {  	s4 =	simm.s32 $0x1BF5;
	[smem:$0x3FB2] =	sst s0  }
0x18: {  	s0 =	sld [smem:$0x3F95];
	_ =	swait.ge [sflag:s4], $0x0  }
0x19: {  	s7 =	sld [smem:$0x3F96]  }
0x1a: {  	s8 =	sadd.s32 $0xFFFFE003, lr  }
0x1b: {  	s9 =	sadd.s32 $0xFFFFFEF7, lr;
	s5 =	simm.s32 $0xFFFFFFFF;
	p2 =	slt.u32 s8, $0xFFFFF086  }
0x1c: {  	p1 =	slt.u32 s9, $0xF7A;
	s5 =	simm.s32 @!p2 $0x0  }
0x1d: {  	s5 =	simm.s32 @p1 $0x1;
	p0 =	seq.s32 s7, s2  }
0x1e: {  	s7 =	smul.u32 @!p0 $0xF7A, s2;
	p2 =	seq.s32 @!p0 s5, $0x0  }
0x1f: {  	s9 =	smul.u32 $0xF7A, s1;
	s8 =	simm.s32 @!p0 $0x1BF5;
	p2 =	por !p2, p0  }
0x20: {  	[sflag:s8] =	ssyncset.s32 @!p0 $0xFFFFF086;
	s6 =	sadd.s32 @!p0 s3, s7;
	s7 =	simm.s32 @!p0 $0x108  }
0x21: {  	s3 =	sadd.s32 s3, s9;
	s6 =	sadd.s32 @!p0 $0x88, s6;
	s7 =	simm.s32 @p2 $0x1082  }
0x22: {  	[simem:s7], [sflag:s8] =	dma.local @!p0 [hbm:s6], $0xF7A  }
0x23: {  	s9 =	sor.u32 $0xD0000000, s2;
	s6 =	simm.s32 $0x108;
	_ =	swait.ge @!p0 [sflag:s8], $0x0  }
0x24: {  	s3 =	sadd.s32 $0x88, s3;
	s6 =	simm.s32 @!p1 $0x1082;
	[sflag:s4] =	ssyncset.s32 $0xFFFFF086  }
0x25: {  	[simem:s6], [sflag:s4] =	dma.local [hbm:s3], $0xF7A  }
0x26: {  	[smem:$0x3F96] =	sst s1;
	(tag) =	ssettag s2;
	_ =	strace s9  }
0x27: {  	s1 =	sld [smem:$0x3FA6]  }
0x28: {  	s2 =	sld [smem:$0x3FA7]  }
0x29: {  	s4 =	sld [smem:$0x3FA9]  }
0x2a: {  	p0 =	seq.s32 s5, $0x0;
	s5 =	sld [smem:$0x3FAA]  }
0x2b: {  	s6 =	sld [smem:$0x3FAB]  }
0x2c: {  	s7 =	sld [smem:$0x3FAC]  }
0x2d: {  	s3 =	simm.s32 $0x108;
	s8 =	sld [smem:$0x3FAD]  }
0x2e: {  	s3 =	simm.s32 @!p0 $0x1082;
	s9 =	sld [smem:$0x3FAE]  }
0x2f: {  	lr =	sadd.s32 s0, s3;
	s0 =	sld [smem:$0x3FA5]  }
0x30: {  	s3 =	sld [smem:$0x3FA8]  }
0x31: {  	[smem:$0x3FB1] =	sst s10  }
0x32: {  	s10 =	sld [smem:$0x3FAF];
	_ =	sdelay $0x3  }
0x33: {  	p0 =	seq.s32 s10, $0x1;
	s10 =	sld [smem:$0x3FB1];
	_ =	sdelay $0x3  }
0x34: {  	[smem:$0x3FB1] =	sst s10  }
0x35: {  	s10 =	sld [smem:$0x3FB0];
	_ =	sdelay $0x3  }
0x36: {  	p1 =	seq.s32 s10, $0x1;
	s10 =	sld [smem:$0x3FB1];
	_ =	sdelay $0x3  }
0x37: {  	[smem:$0x3FB1] =	sst s10  }
0x38: {  	s10 =	sld [smem:$0x3FB2]  }
0x39: {  	_ = 	snop;
	(pc) =	sbr.ind lr, $3  }
0x3a: {  	_ = 	snop  }
0x3b: {  	_ = 	snop  }
0x3c: {  	p2 =	seq.s32 s10, $0x1;
	s10 =	sld [smem:$0x3FB1]  }
0x3d: {  	_ =	shalt  }
0x3e: {  	_ =	shalt  }
0x3f: {  	_ =	shalt  }
0x40: {  	_ =	shalt  }
0x41: {  	_ =	shalt  }
0x42: {  	_ =	shalt  }
0x43: {  	_ =	shalt  }
0x44: {  	_ =	shalt  }
0x45: {  	_ =	shalt  }
0x46: {  	_ =	shalt  }
0x47: {  	_ =	shalt  }
0x48: {  	_ =	shalt  }
0x49: {  	_ =	shalt  }
0x4a: {  	_ =	shalt  }
0x4b: {  	_ =	shalt  }
0x4c: {  	_ =	shalt  }
0x4d: {  	_ =	shalt  }
0x4e: {  	_ =	shalt  }
0x4f: {  	_ =	shalt  }
0x50: {  	_ =	shalt  }
0x51: {  	_ =	shalt  }
0x52: {  	_ =	shalt  }
0x53: {  	_ =	shalt  }
0x54: {  	_ =	shalt  }
0x55: {  	_ =	shalt  }
0x56: {  	_ =	shalt  }
0x57: {  	_ =	shalt  }
0x58: {  	_ =	shalt  }
0x59: {  	_ =	shalt  }
0x5a: {  	_ =	shalt  }
0x5b: {  	_ =	shalt  }
0x5c: {  	_ =	shalt  }
0x5d: {  	_ =	shalt  }
0x5e: {  	_ =	shalt  }
0x5f: {  	_ =	shalt  }
0x60: {  	_ =	shalt  }
0x61: {  	_ =	shalt  }
0x62: {  	_ =	shalt  }
0x63: {  	_ =	shalt  }
0x64: {  	_ =	shalt  }
0x65: {  	_ =	shalt  }
0x66: {  	_ =	shalt  }
0x67: {  	_ =	shalt  }
0x68: {  	_ =	shalt  }
0x69: {  	_ =	shalt  }
0x6a: {  	_ =	shalt  }
0x6b: {  	_ =	shalt  }
0x6c: {  	_ =	shalt  }
0x6d: {  	_ =	shalt  }
0x6e: {  	_ =	shalt  }
0x6f: {  	_ =	shalt  }
0x70: {  	_ =	shalt  }
0x71: {  	_ =	shalt  }
0x72: {  	_ =	shalt  }
0x73: {  	_ =	shalt  }
0x74: {  	_ =	shalt  }
0x75: {  	_ =	shalt  }
0x76: {  	_ =	shalt  }
0x77: {  	_ =	shalt  }
0x78: {  	_ =	shalt  }
0x79: {  	_ =	shalt  }
0x7a: {  	_ =	shalt  }
0x7b: {  	_ =	shalt  }
0x7c: {  	_ =	shalt  }
0x7d: {  	_ =	shalt  }
0x7e: {  	_ =	shalt  }
0x7f: {  	_ =	shalt  }
0x80: {  	_ =	shalt  }
0x81: {  	_ =	shalt  }
0x82: {  	_ =	shalt  }
0x83: {  	_ =	shalt  }
0x84: {  	_ =	shalt  }
0x85: {  	_ =	shalt  }
0x86: {  	_ =	shalt  }
0x87: {  	_ =	shalt  }
.Lfunc_end0:
.L_simem_size_0:
called_computation.1_lowered:
.L_overlay_start_0:
0x88: {  	s2 =	sld [smem:$0x3FD9]  }
0x89: {  	s3 =	sld [smem:$0x3FFE];
	_ =	sdelay $0x1  }
0x8a: {  	s1 =	srdreg.scid  }
0x8b: {  	s0 =	sand.u32 $0x1, s1  }
0x8c: {  	s14 =	sshll.u32 s0, $0xA;
	s2 =	sadd.s32 s3, s2  }
0x8d: {  	s2 =	sadd.s32 s2, s14  }
0x8e: {  	[smem:$0x3FBD] =	sst s2  }
0x8f: {  	_ = 	snop  }
0x90: {  	s2 =	sld [smem:$0x3FD0];
	_ =	sdelay $0x2  }
0x91: {  	s15 =	simm.s32 $0xA;
	s4 =	simm.s32 $0x10  }
0x92: {  	[smem:s4], [sflag:s15] =	dma.local [hbm:s2], $0x1  }
0x93: {  	_ =	swait.eq [sflag:s15], $0x1  }
0x94: {  	s16 =	sld [smem:$0x10];
	[sflag:s15] =	ssyncset.done $0x0  }
0x95: {  	s17 =	sld [smem:$0x12];
	[sflag:s15] =	ssyncadd.s32 $0xFFFFFFFF  }
0x96: {  	s18 =	sld [smem:$0x13];
	(tm) =	ssettm $0x1  }
0x97: {  	s5 =	sld [smem:$0x3FFB];
	_ =	sdelay $0x3  }
0x98: {  	_ =	strace s5  }
0x99: {  	s5 =	sld [smem:$0x3FFC];
	_ =	sdelay $0x3  }
0x9a: {  	_ =	strace s5  }
0x9b: {  	s5 =	sld [smem:$0x3FFD];
	_ =	sdelay $0x3  }
0x9c: {  	_ =	strace s5  }
0x9d: {  	_ =	strace $0x8FFFFFFF  }
0x9e: {  	s19 =	sld [smem:$0x3FDB];
	_ =	sdelay $0x1  }
0x9f: {  	s6 =	simm.s32 $_scs_section_size  }
0xa0: {  	s7 =	simm.s32 $_size__tile_overlayer_lowered;
	s8 =	simm.s32 $_tile_overlayer_lowered  }
0xa1: {  	s22 =	simm.s32 $0x1BFF;
	s21 =	sshll.u32 s8, $0x1;
	s5 =	sadd.s32 s6, s19  }
0xa2: {  	s9 =	simm.s32 $0x0;
	s20 =	sshll.u32 s7, $0x1;
	s7 =	sadd.s32 s21, s5  }
0xa3: {  	[timem:s9], [sflag:s22] =	dma.local [hbm:s7], s20  }
0xa4: {  	_ =	swait.ge [sflag:s22], s20  }
0xa5: {  	s6 =	ssub.s32 $0x0, s20;
	[sflag:s22] =	ssyncset.done $0x0  }
0xa6: {  	[sflag:s22] =	ssyncadd.s32 s6;
	_ =	sdelay $0x1  }
0xa7: {  	s23 =	simm.s32 $0x1B8B  }
0xa8: {  	_ =	swait.ge [sflag:s23], $0x1  }
0xa9: {  	[sflag:s23] =	ssyncset.done $0x0  }
0xaa: {  	s25 =	simm.s32 $0x1B8E;
	s24 =	sld [smem:$0x3FFE];
	[sflag:s23] =	ssyncadd.s32 $0xFFFFFFFF  }
0xab: {  	s26 =	simm.s32 $execute0_lowered;
	[smem:$0x3FD2] =	sst s25  }
0xac: {  	s7 =	sshll.u32 s26, $0x1;
	_ =	strace $0x80000046;
	[dreg:$0x1] =	wrdreg $0xFFFFFFFF  }
0xad: {  	s28 =	simm.s32 $_size_execute0_lowered;
	s5 =	sadd.s32 s5, s7;
	[dreg:$0x0] =	wrdreg $0x0  }
0xae: {  	s7 =	sshll.u32 s28, $0x1;
	[dreg:$0x2] =	wrdreg s5  }
0xaf: {  	[dreg:$0x3] =	wrdreg s7  }
0xb0: {  	[dreg:$0x4] =	wrdreg $0xC0  }
0xb1: {  	_ =	task [dreg:s9], $0x5FFFF  }
0xb2: {  	[dreg:$0x1] =	wrdreg $0xFFFFFFFF  }
0xb3: {  	[dreg:$0x0] =	wrdreg $0x60  }
0xb4: {  	[dreg:$0x2] =	wrdreg s24  }
0xb5: {  	[dreg:$0x3] =	wrdreg s18  }
0xb6: {  	[dreg:$0x4] =	wrdreg s17  }
0xb7: {  	[dreg:$0x5] =	wrdreg s16  }
0xb8: {  	[dreg:$0x6] =	wrdreg $0x28000  }
0xb9: {  	[dreg:$0x7] =	wrdreg $0x9  }
0xba: {  	_ =	task.clear_ibuf [dreg:s9], $0x8FFFF;
	_ =	strace $0x90000046  }
0xbb: {  	s29 =	simm.s32 $0x9;
	_ =	strace $0x80000048  }
0xbc: {  	_ =	swait.ge [sflag:s29], $0x1  }
0xbd: {  	[sflag:s29] =	ssyncadd.s32 $0xFFFFFFFF  }
0xbe: {  	_ =	strace $0x90000048  }
0xbf: {  	_ =	sfence  }
0xc0: {  	s30 =	sld [smem:$0x0];
	_ =	sdelay $0x2  }
0xc1: {  	s31 =	sshll.u32 s1, $0xD;
	s1 =	sshrl.u32 s1, $0x2  }
0xc2: {  	s3 =	sand.u32 $0x4000, s31;
	s1 =	sadd.s32 s1, s30  }
0xc3: {  	s0 =	sor.u32 s3, s0;
	s1 =	sshll.u32 s1, $0x11  }
0xc4: {  	s0 =	sor.u32 s1, s0  }
0xc5: {  	s0 =	sadd.s32 $0x8F2B, s0  }
0xc6: {  	[sflag:s0] =	ssyncadd.remote.s32 $0x1  }
0xc7: {  	_ =	sfence.sel $0xFFFF  }
0xc8: {  	[dreg:$0x0] =	wrdreg $0xFFFFFFFF;
	(pc) =	sbr.abs _section_cstart, $3  }
0xc9: {  	[dreg:$0x1] =	wrdreg $0xFFFFFFFF  }
0xca: {  	_ =	task.clear_ibuf [dreg:s9], $0x2FFFF;
	_ =	strace $0x9FFFFFFF  }
0xcb: {  	(tm) =	ssettm $0x7FFFFFFF  }
tec
execute0_lowered:
.L_overlay_start_1:
0x0: {  	(tag) =	ssettag $0x1  }
0x1: {  	s4 =	srdreg.scid  }
0x2: {  	s9 =	rddreg [dreg:$0x0];
	s4 =	sand.u32 $0x1, s4  }
0x3: {  	s5 =	rddreg [dreg:$0x1];
	p1 =	seq.s32 s4, $0x1  }
.Ltmp0:
0x4: {  	s7 =	rddreg [dreg:$0x2];
	(pc) =	sbr.rel @p1 .LBB2_2-.Ltmp0, $4  }
0x5: {  	s1 =	rddreg [dreg:$0x3]  }
0x6: {  	s2 =	rddreg [dreg:$0x4];
	s3 =	simm.s32 $0x0  }
0x7: {  	s10 =	stileid.u32;
	[smem:$0x7FF] =	sst s3  }
0x8: {  	s0 =	rddreg [dreg:$0x5];
	p0 =	sne.s32 s10, $0x0;
	_ =	strace $0x80000047  }
0x9: {  	s4 =	sshrl.u32 @!p0 s2, $0x3;
	s6 =	simm.s32 @!p0 $0x1C01  }
0xa: {  	[spmem:s4], [sflag:s6] =	dma.local @!p0 [hbm:s5], $0x4F0  }
0xb: {  	s5 =	simm.s32 @!p0 $0x1  }
0xc: {  	_ =	swait.ge @!p0 [sflag:s5], $0x4F0  }
0xd: {  	[sflag:s5] =	ssyncset.done @!p0 $0x0  }
0xe: {  	s8 =	simm.s32 $0x1400;
	s25 =	simm.s32 $0x1;
	[sflag:s5] =	ssyncadd.s32 @!p0 $0xFFFFFB10  }
0xf: {  	[tilespmem:s8], [sflag:$0x1] =	stream.linear.gather [hbm4b:s7+s3], $0x1400, $0x38;
	[tilespmem:$0x2A78] =	vst v63  }
0x10: {  	s10 =	smul.u32 $0x9C40, s10;
	_ =	swait.ge [sflag:s25], $0x1400  }
0x11: {  	[sflag:s25] =	ssyncset.done $0x0  }
0x12: {  	s9 =	sadd.s32 $0x600, s9;
	s11 =	sshrl.u32 s10, $0x3;
	[sflag:s25] =	ssyncadd.s32 $0xFFFFEC00  }
0x13: {  	s12 =	sadd.s32 s9, s11;
	[bflag:$0x0] =	sbarrier.arrive $0xFFFF  }
0x14: {  	[tilespmem:s3], [sflag:$0x1] =	stream.linear.gather [hbm4b:s12+s3], $0x1388, $0x38;
	[tilespmem:$0x2A78] =	vst v63  }
0x15: {  	_ =	swait.ge [sflag:s25], $0x1388  }
0x16: {  	[sflag:s25] =	ssyncset.done $0x0  }
0x17: {  	s26 =	simm.s32 $0x1388;
	[sflag:s25] =	ssyncadd.s32 $0xFFFFEC78  }
0x18: {  	[spmem:s2] =	stream.indirect.scatter.add.f32 [tilespmem:s8], [sflag:$0x1], $0x1, s3, s26, $0xb8;
	[tilespmem:$0x2A78] =	vst v63  }
0x19: {  	s13 =	sadd.s32 $0x1388, s10;
	_ =	swait.ge [sflag:s25], $0x1388  }
0x1a: {  	s13 =	sshrl.u32 s13, $0x3;
	[sflag:s25] =	ssyncset.done $0x0  }
0x1b: {  	s13 =	sadd.s32 s9, s13;
	[sflag:s25] =	ssyncadd.s32 $0xFFFFEC78  }
0x1c: {  	[tilespmem:s3], [sflag:$0x1] =	stream.linear.gather [hbm4b:s13+s3], $0x1388, $0x38;
	[tilespmem:$0x2A78] =	vst v63  }
0x1d: {  	_ =	swait.ge [sflag:s25], $0x1388  }
0x1e: {  	[sflag:s25] =	ssyncset.done $0x0  }
0x1f: {  	[sflag:s25] =	ssyncadd.s32 $0xFFFFEC78  }
0x20: {  	[spmem:s2] =	stream.indirect.scatter.add.f32 [tilespmem:s8], [sflag:$0x1], $0x1, s3, s26, $0xb8;
	[tilespmem:$0x2A78] =	vst v63  }
0x21: {  	_ =	swait.ge [sflag:s25], $0x1388  }
0x22: {  	[sflag:s25] =	ssyncset.done $0x0  }
0x23: {  	s28 =	sadd.s32 $0x4E2, s12;
	[sflag:s25] =	ssyncadd.s32 $0xFFFFEC78  }
0x24: {  	[tilespmem:s3], [sflag:$0x1] =	stream.linear.gather [hbm4b:s28+s3], $0x1388, $0x38;
	[tilespmem:$0x2A78] =	vst v63  }
0x25: {  	_ =	swait.ge [sflag:s25], $0x1388  }
0x26: {  	[sflag:s25] =	ssyncset.done $0x0  }
0x27: {  	[sflag:s25] =	ssyncadd.s32 $0xFFFFEC78  }
0x28: {  	[spmem:s2] =	stream.indirect.scatter.add.f32 [tilespmem:s8], [sflag:$0x1], $0x1, s3, s26, $0xb8;
	[tilespmem:$0x2A78] =	vst v63  }
0x29: {  	s29 =	sadd.s32 $0x3A98, s10;
	_ =	swait.ge [sflag:s25], $0x1388  }
0x2a: {  	s13 =	sshrl.u32 s29, $0x3;
	[sflag:s25] =	ssyncset.done $0x0  }
0x2b: {  	s13 =	sadd.s32 s9, s13;
	[sflag:s25] =	ssyncadd.s32 $0xFFFFEC78  }
0x2c: {  	[tilespmem:s3], [sflag:$0x1] =	stream.linear.gather [hbm4b:s13+s3], $0x1388, $0x38;
	[tilespmem:$0x2A78] =	vst v63  }
0x2d: {  	_ =	swait.ge [sflag:s25], $0x1388  }
0x2e: {  	[sflag:s25] =	ssyncset.done $0x0  }
0x2f: {  	[sflag:s25] =	ssyncadd.s32 $0xFFFFEC78  }
0x30: {  	[spmem:s2] =	stream.indirect.scatter.add.f32 [tilespmem:s8], [sflag:$0x1], $0x1, s3, s26, $0xb8;
	[tilespmem:$0x2A78] =	vst v63  }
0x31: {  	_ =	swait.ge [sflag:s25], $0x1388  }
0x32: {  	[sflag:s25] =	ssyncset.done $0x0  }
0x33: {  	s30 =	sadd.s32 $0x9C4, s12;
	[sflag:s25] =	ssyncadd.s32 $0xFFFFEC78  }
0x34: {  	[tilespmem:s3], [sflag:$0x1] =	stream.linear.gather [hbm4b:s30+s3], $0x1388, $0x38;
	[tilespmem:$0x2A78] =	vst v63  }
0x35: {  	_ =	swait.ge [sflag:s25], $0x1388  }
0x36: {  	[sflag:s25] =	ssyncset.done $0x0  }
0x37: {  	[sflag:s25] =	ssyncadd.s32 $0xFFFFEC78  }
0x38: {  	[spmem:s2] =	stream.indirect.scatter.add.f32 [tilespmem:s8], [sflag:$0x1], $0x1, s3, s26, $0xb8;
	[tilespmem:$0x2A78] =	vst v63  }
0x39: {  	s31 =	sadd.s32 $0x61A8, s10;
	_ =	swait.ge [sflag:s25], $0x1388  }
0x3a: {  	s13 =	sshrl.u32 s31, $0x3;
	[sflag:s25] =	ssyncset.done $0x0  }
0x3b: {  	s13 =	sadd.s32 s9, s13;
	[sflag:s25] =	ssyncadd.s32 $0xFFFFEC78  }
0x3c: {  	[tilespmem:s3], [sflag:$0x1] =	stream.linear.gather [hbm4b:s13+s3], $0x1388, $0x38;
	[tilespmem:$0x2A78] =	vst v63  }
0x3d: {  	_ =	swait.ge [sflag:s25], $0x1388  }
0x3e: {  	[sflag:s25] =	ssyncset.done $0x0  }
0x3f: {  	[sflag:s25] =	ssyncadd.s32 $0xFFFFEC78  }
0x40: {  	[spmem:s2] =	stream.indirect.scatter.add.f32 [tilespmem:s8], [sflag:$0x1], $0x1, s3, s26, $0xb8;
	[tilespmem:$0x2A78] =	vst v63  }
0x41: {  	_ =	swait.ge [sflag:s25], $0x1388  }
0x42: {  	[sflag:s25] =	ssyncset.done $0x0  }
0x43: {  	s12 =	sadd.s32 $0xEA6, s12;
	[sflag:s25] =	ssyncadd.s32 $0xFFFFEC78  }
0x44: {  	[tilespmem:s3], [sflag:$0x1] =	stream.linear.gather [hbm4b:s12+s3], $0x1388, $0x38;
	[tilespmem:$0x2A78] =	vst v63  }
0x45: {  	_ =	swait.ge [sflag:s25], $0x1388  }
0x46: {  	[sflag:s25] =	ssyncset.done $0x0  }
0x47: {  	[sflag:s25] =	ssyncadd.s32 $0xFFFFEC78  }
0x48: {  	[spmem:s2] =	stream.indirect.scatter.add.f32 [tilespmem:s8], [sflag:$0x1], $0x1, s3, s26, $0xb8;
	[tilespmem:$0x2A78] =	vst v63  }
0x49: {  	s10 =	sadd.s32 $0x88B8, s10;
	_ =	swait.ge [sflag:s25], $0x1388  }
0x4a: {  	s10 =	sshrl.u32 s10, $0x3;
	[sflag:s25] =	ssyncset.done $0x0  }
0x4b: {  	s9 =	sadd.s32 s9, s10;
	[sflag:s25] =	ssyncadd.s32 $0xFFFFEC78  }
0x4c: {  	[tilespmem:s3], [sflag:$0x1] =	stream.linear.gather [hbm4b:s9+s3], $0x1388, $0x38;
	[tilespmem:$0x2A78] =	vst v63  }
0x4d: {  	_ =	swait.ge [sflag:s25], $0x1388  }
0x4e: {  	[sflag:s25] =	ssyncset.done $0x0  }
0x4f: {  	[sflag:s25] =	ssyncadd.s32 $0xFFFFEC78  }
0x50: {  	[spmem:s2] =	stream.indirect.scatter.add.f32 [tilespmem:s8], [sflag:$0x1], $0x1, s3, s26, $0xb8;
	[tilespmem:$0x2A78] =	vst v63  }
0x51: {  	_ =	swait.ge [sflag:s25], $0x1388  }
0x52: {  	[sflag:s25] =	ssyncset.done $0x0  }
0x53: {  	[sflag:s25] =	ssyncadd.s32 $0xFFFFEC78  }
0x54: {  	[bflag:$0x0] =	sbarrier.arrive $0xFFFF  }
0x55: {  	[hbm:s1], [sflag:s6] =	dma.local @!p0 [spmem:s4], $0x4F0  }
0x56: {  	_ =	swait.ge @!p0 [sflag:s5], $0x4F0  }
0x57: {  	[sflag:s5] =	ssyncset.done @!p0 $0x0  }
0x58: {  	[sflag:s5] =	ssyncadd.s32 @!p0 $0xFFFFFB10  }
.LBB2_2:
0x59: {  	_ =	sfence.sel $0x180000  }
0x5a: {  	[bflag:$0x0] =	sbarrier.arrive $0xFFFF  }
0x5b: {  	_ =	strace $0x90000047  }
0x5c: {  	s0 =	sadd.s32 @!p0 $0x100000, s0;
	[bflag:$0x2] =	sbarrier.arrive $0xFFFF  }
0x5d: {  	[sflag:s0] =	ssyncadd.tile.s32 @!p0 $0x1;
	_ =	shalt  }
.Lfunc_end2:
_tile_overlayer_lowered:
.L_overlay_start_2:
0x5e: {  	(tag) =	ssettag $0x2  }
0x5f: {  	s0 =	rddreg [dreg:$0x0];
	s2 =	stileid.u32  }
0x60: {  	s1 =	rddreg [dreg:$0x1];
	p0 =	sne.s32 s2, $0x0  }
0x61: {  	s3 =	rddreg [dreg:$0x2];
	[bflag:$0x3] =	sbarrier.arrive $0xFFFF;
	s2 =	simm.s32 @!p0 $0x1C01  }
0x62: {  	[timem:s3], [sflag:s2] =	dma.local @!p0 [hbm:s0], s1  }
0x63: {  	s0 =	simm.s32 @!p0 $0x1  }
0x64: {  	_ =	swait.ge @!p0 [sflag:s0], s1  }
0x65: {  	s1 =	ssub.s32 @!p0 $0x0, s1;
	[sflag:s0] =	ssyncset.done @!p0 $0x0  }
0x66: {  	[sflag:s0] =	ssyncadd.s32 @!p0 s1  }
0x67: {  	[bflag:$0x3] =	sbarrier.arrive $0xFFFF  }
0x68: {  	_ =	shalt  }

// kernel: kernel.9.cloned.1.call-start
scs
__scs_entry_jumppad:
0x0: {  	(pc) =	sbr.rel $0x88, $3  }
0x1: {  	(tag) =	ssettag $0x0;
	lr =	simm.s32 $0x1  }
0x2: {  	[smem:$0x3F96] =	sst lr;
	_ =	strace $0xD0000000  }
0x3: {  	_ = 	snop  }
0x4: {  	_ = 	snop  }
0x5: {  	_ = 	snop  }
0x6: {  	_ = 	snop  }
0x7: {  	_ = 	snop  }
__scs_overlays_trampoline_lowered:
0x8: {  	[smem:$0x3FA5] =	sst s0  }
0x9: {  	[smem:$0x3FA6] =	sst s1  }
0xa: {  	[smem:$0x3FA7] =	sst s2  }
0xb: {  	[smem:$0x3FA8] =	sst s3  }
0xc: {  	[smem:$0x3FA9] =	sst s4  }
0xd: {  	[smem:$0x3FAA] =	sst s5  }
0xe: {  	[smem:$0x3FAB] =	sst s6  }
0xf: {  	[smem:$0x3FAC] =	sst s7  }
0x10: {  	[smem:$0x3FAD] =	sst s8  }
0x11: {  	[smem:$0x3FAE] =	sst s9;
	s0 =	simm.s32 @!p0 $0x0  }
0x12: {  	s1 =	sld [smem:$0x3F94];
	s0 =	simm.s32 @p0 $0x1  }
0x13: {  	[smem:$0x3FAF] =	sst s0;
	s0 =	simm.s32 @!p1 $0x0  }
0x14: {  	s2 =	sld [smem:$0x3F93];
	s0 =	simm.s32 @p1 $0x1  }
0x15: {  	[smem:$0x3FB0] =	sst s0;
	s0 =	simm.s32 @!p2 $0x0  }
0x16: {  	s3 =	sld [smem:$0x3FDB];
	s0 =	simm.s32 @p2 $0x1  }
0x17: {  	s4 =	simm.s32 $0x1BF5;
	[smem:$0x3FB2] =	sst s0  }
0x18: {  	s0 =	sld [smem:$0x3F95];
	_ =	swait.ge [sflag:s4], $0x0  }
0x19: {  	s7 =	sld [smem:$0x3F96]  }
0x1a: {  	s8 =	sadd.s32 $0xFFFFE003, lr  }
0x1b: {  	s9 =	sadd.s32 $0xFFFFFEF7, lr;
	s5 =	simm.s32 $0xFFFFFFFF;
	p2 =	slt.u32 s8, $0xFFFFF086  }
0x1c: {  	p1 =	slt.u32 s9, $0xF7A;
	s5 =	simm.s32 @!p2 $0x0  }
0x1d: {  	s5 =	simm.s32 @p1 $0x1;
	p0 =	seq.s32 s7, s2  }
0x1e: {  	s7 =	smul.u32 @!p0 $0xF7A, s2;
	p2 =	seq.s32 @!p0 s5, $0x0  }
0x1f: {  	s9 =	smul.u32 $0xF7A, s1;
	s8 =	simm.s32 @!p0 $0x1BF5;
	p2 =	por !p2, p0  }
0x20: {  	[sflag:s8] =	ssyncset.s32 @!p0 $0xFFFFF086;
	s6 =	sadd.s32 @!p0 s3, s7;
	s7 =	simm.s32 @!p0 $0x108  }
0x21: {  	s3 =	sadd.s32 s3, s9;
	s6 =	sadd.s32 @!p0 $0x88, s6;
	s7 =	simm.s32 @p2 $0x1082  }
0x22: {  	[simem:s7], [sflag:s8] =	dma.local @!p0 [hbm:s6], $0xF7A  }
0x23: {  	s9 =	sor.u32 $0xD0000000, s2;
	s6 =	simm.s32 $0x108;
	_ =	swait.ge @!p0 [sflag:s8], $0x0  }
0x24: {  	s3 =	sadd.s32 $0x88, s3;
	s6 =	simm.s32 @!p1 $0x1082;
	[sflag:s4] =	ssyncset.s32 $0xFFFFF086  }
0x25: {  	[simem:s6], [sflag:s4] =	dma.local [hbm:s3], $0xF7A  }
0x26: {  	[smem:$0x3F96] =	sst s1;
	(tag) =	ssettag s2;
	_ =	strace s9  }
0x27: {  	s1 =	sld [smem:$0x3FA6]  }
0x28: {  	s2 =	sld [smem:$0x3FA7]  }
0x29: {  	s4 =	sld [smem:$0x3FA9]  }
0x2a: {  	p0 =	seq.s32 s5, $0x0;
	s5 =	sld [smem:$0x3FAA]  }
0x2b: {  	s6 =	sld [smem:$0x3FAB]  }
0x2c: {  	s7 =	sld [smem:$0x3FAC]  }
0x2d: {  	s3 =	simm.s32 $0x108;
	s8 =	sld [smem:$0x3FAD]  }
0x2e: {  	s3 =	simm.s32 @!p0 $0x1082;
	s9 =	sld [smem:$0x3FAE]  }
0x2f: {  	lr =	sadd.s32 s0, s3;
	s0 =	sld [smem:$0x3FA5]  }
0x30: {  	s3 =	sld [smem:$0x3FA8]  }
0x31: {  	[smem:$0x3FB1] =	sst s10  }
0x32: {  	s10 =	sld [smem:$0x3FAF];
	_ =	sdelay $0x3  }
0x33: {  	p0 =	seq.s32 s10, $0x1;
	s10 =	sld [smem:$0x3FB1];
	_ =	sdelay $0x3  }
0x34: {  	[smem:$0x3FB1] =	sst s10  }
0x35: {  	s10 =	sld [smem:$0x3FB0];
	_ =	sdelay $0x3  }
0x36: {  	p1 =	seq.s32 s10, $0x1;
	s10 =	sld [smem:$0x3FB1];
	_ =	sdelay $0x3  }
0x37: {  	[smem:$0x3FB1] =	sst s10  }
0x38: {  	s10 =	sld [smem:$0x3FB2]  }
0x39: {  	_ = 	snop;
	(pc) =	sbr.ind lr, $3  }
0x3a: {  	_ = 	snop  }
0x3b: {  	_ = 	snop  }
0x3c: {  	p2 =	seq.s32 s10, $0x1;
	s10 =	sld [smem:$0x3FB1]  }
0x3d: {  	_ =	shalt  }
0x3e: {  	_ =	shalt  }
0x3f: {  	_ =	shalt  }
0x40: {  	_ =	shalt  }
0x41: {  	_ =	shalt  }
0x42: {  	_ =	shalt  }
0x43: {  	_ =	shalt  }
0x44: {  	_ =	shalt  }
0x45: {  	_ =	shalt  }
0x46: {  	_ =	shalt  }
0x47: {  	_ =	shalt  }
0x48: {  	_ =	shalt  }
0x49: {  	_ =	shalt  }
0x4a: {  	_ =	shalt  }
0x4b: {  	_ =	shalt  }
0x4c: {  	_ =	shalt  }
0x4d: {  	_ =	shalt  }
0x4e: {  	_ =	shalt  }
0x4f: {  	_ =	shalt  }
0x50: {  	_ =	shalt  }
0x51: {  	_ =	shalt  }
0x52: {  	_ =	shalt  }
0x53: {  	_ =	shalt  }
0x54: {  	_ =	shalt  }
0x55: {  	_ =	shalt  }
0x56: {  	_ =	shalt  }
0x57: {  	_ =	shalt  }
0x58: {  	_ =	shalt  }
0x59: {  	_ =	shalt  }
0x5a: {  	_ =	shalt  }
0x5b: {  	_ =	shalt  }
0x5c: {  	_ =	shalt  }
0x5d: {  	_ =	shalt  }
0x5e: {  	_ =	shalt  }
0x5f: {  	_ =	shalt  }
0x60: {  	_ =	shalt  }
0x61: {  	_ =	shalt  }
0x62: {  	_ =	shalt  }
0x63: {  	_ =	shalt  }
0x64: {  	_ =	shalt  }
0x65: {  	_ =	shalt  }
0x66: {  	_ =	shalt  }
0x67: {  	_ =	shalt  }
0x68: {  	_ =	shalt  }
0x69: {  	_ =	shalt  }
0x6a: {  	_ =	shalt  }
0x6b: {  	_ =	shalt  }
0x6c: {  	_ =	shalt  }
0x6d: {  	_ =	shalt  }
0x6e: {  	_ =	shalt  }
0x6f: {  	_ =	shalt  }
0x70: {  	_ =	shalt  }
0x71: {  	_ =	shalt  }
0x72: {  	_ =	shalt  }
0x73: {  	_ =	shalt  }
0x74: {  	_ =	shalt  }
0x75: {  	_ =	shalt  }
0x76: {  	_ =	shalt  }
0x77: {  	_ =	shalt  }
0x78: {  	_ =	shalt  }
0x79: {  	_ =	shalt  }
0x7a: {  	_ =	shalt  }
0x7b: {  	_ =	shalt  }
0x7c: {  	_ =	shalt  }
0x7d: {  	_ =	shalt  }
0x7e: {  	_ =	shalt  }
0x7f: {  	_ =	shalt  }
0x80: {  	_ =	shalt  }
0x81: {  	_ =	shalt  }
0x82: {  	_ =	shalt  }
0x83: {  	_ =	shalt  }
0x84: {  	_ =	shalt  }
0x85: {  	_ =	shalt  }
0x86: {  	_ =	shalt  }
0x87: {  	_ =	shalt  }
.Lfunc_end0:
.L_simem_size_0:
called_computation.2_lowered:
.L_overlay_start_0:
0x88: {  	s2 =	sld [smem:$0x3FD9]  }
0x89: {  	s3 =	sld [smem:$0x3FFE];
	_ =	sdelay $0x1  }
0x8a: {  	s1 =	srdreg.scid  }
0x8b: {  	s0 =	sand.u32 $0x1, s1  }
0x8c: {  	s14 =	sshll.u32 s0, $0xA;
	s2 =	sadd.s32 s3, s2  }
0x8d: {  	s2 =	sadd.s32 s2, s14  }
0x8e: {  	[smem:$0x3FBD] =	sst s2  }
0x8f: {  	_ = 	snop  }
0x90: {  	s2 =	sld [smem:$0x3FD0];
	_ =	sdelay $0x2  }
0x91: {  	s15 =	simm.s32 $0xA;
	s4 =	simm.s32 $0x10  }
0x92: {  	[smem:s4], [sflag:s15] =	dma.local [hbm:s2], $0x1  }
0x93: {  	_ =	swait.eq [sflag:s15], $0x1  }
0x94: {  	[sflag:s15] =	ssyncset.done $0x0  }
0x95: {  	[sflag:s15] =	ssyncadd.s32 $0xFFFFFFFF  }
0x96: {  	s16 =	sld [smem:$0x11];
	(tm) =	ssettm $0x1  }
0x97: {  	s17 =	sld [smem:$0x3FFB];
	_ =	sdelay $0x3  }
0x98: {  	_ =	strace s17  }
0x99: {  	s3 =	sld [smem:$0x3FFC];
	_ =	sdelay $0x3  }
0x9a: {  	_ =	strace s3  }
0x9b: {  	s3 =	sld [smem:$0x3FFD];
	_ =	sdelay $0x3  }
0x9c: {  	_ =	strace s3  }
0x9d: {  	_ =	strace $0x8FFFFFFF  }
0x9e: {  	s18 =	sld [smem:$0x3FDB];
	_ =	sdelay $0x1  }
0x9f: {  	s19 =	simm.s32 $_scs_section_size  }
0xa0: {  	s5 =	simm.s32 $_size__tile_overlayer_lowered;
	s6 =	simm.s32 $_tile_overlayer_lowered  }
0xa1: {  	s22 =	simm.s32 $0x1BFF;
	s21 =	sshll.u32 s6, $0x1;
	s3 =	sadd.s32 s19, s18  }
0xa2: {  	s7 =	simm.s32 $0x0;
	s20 =	sshll.u32 s5, $0x1;
	s5 =	sadd.s32 s21, s3  }
0xa3: {  	[timem:s7], [sflag:s22] =	dma.local [hbm:s5], s20  }
0xa4: {  	_ =	swait.ge [sflag:s22], s20  }
0xa5: {  	s4 =	ssub.s32 $0x0, s20;
	[sflag:s22] =	ssyncset.done $0x0  }
0xa6: {  	[sflag:s22] =	ssyncadd.s32 s4;
	_ =	sdelay $0x1  }
0xa7: {  	s23 =	simm.s32 $0x1B8B  }
0xa8: {  	_ =	swait.ge [sflag:s23], $0x1  }
0xa9: {  	[sflag:s23] =	ssyncset.done $0x0  }
0xaa: {  	s25 =	simm.s32 $0x1B8E;
	s24 =	sld [smem:$0x3FFE];
	[sflag:s23] =	ssyncadd.s32 $0xFFFFFFFF  }
0xab: {  	s26 =	simm.s32 $execute0_lowered;
	[smem:$0x3FD2] =	sst s25  }
0xac: {  	s5 =	sshll.u32 s26, $0x1;
	_ =	strace $0x80000049;
	[dreg:$0x1] =	wrdreg $0xFFFFFFFF  }
0xad: {  	s28 =	simm.s32 $_size_execute0_lowered;
	s3 =	sadd.s32 s3, s5;
	[dreg:$0x0] =	wrdreg $0x0  }
0xae: {  	s5 =	sshll.u32 s28, $0x1;
	[dreg:$0x2] =	wrdreg s3  }
0xaf: {  	[dreg:$0x3] =	wrdreg s5  }
0xb0: {  	[dreg:$0x4] =	wrdreg $0xC0  }
0xb1: {  	_ =	task [dreg:s7], $0x5FFFF  }
0xb2: {  	[dreg:$0x1] =	wrdreg $0xFFFFFFFF  }
0xb3: {  	[dreg:$0x0] =	wrdreg $0x60  }
0xb4: {  	[dreg:$0x2] =	wrdreg s16  }
0xb5: {  	[dreg:$0x3] =	wrdreg s24  }
0xb6: {  	[dreg:$0x4] =	wrdreg $0x9  }
0xb7: {  	_ =	task.clear_ibuf [dreg:s7], $0x5FFFF;
	_ =	strace $0x90000049  }
0xb8: {  	s29 =	simm.s32 $0x9;
	_ =	strace $0x8000004B  }
0xb9: {  	_ =	swait.ge [sflag:s29], $0x1  }
0xba: {  	[sflag:s29] =	ssyncadd.s32 $0xFFFFFFFF  }
0xbb: {  	_ =	strace $0x9000004B  }
0xbc: {  	_ =	sfence  }
0xbd: {  	s30 =	sld [smem:$0x0];
	_ =	sdelay $0x2  }
0xbe: {  	s31 =	sshll.u32 s1, $0xD;
	s1 =	sshrl.u32 s1, $0x2  }
0xbf: {  	s3 =	sand.u32 $0x4000, s31;
	s1 =	sadd.s32 s1, s30  }
0xc0: {  	s0 =	sor.u32 s3, s0;
	s1 =	sshll.u32 s1, $0x11  }
0xc1: {  	s0 =	sor.u32 s1, s0  }
0xc2: {  	s0 =	sadd.s32 $0x8F2B, s0  }
0xc3: {  	[sflag:s0] =	ssyncadd.remote.s32 $0x1  }
0xc4: {  	_ =	sfence.sel $0xFFFF  }
0xc5: {  	[dreg:$0x0] =	wrdreg $0xFFFFFFFF;
	(pc) =	sbr.abs _section_cstart, $3  }
0xc6: {  	[dreg:$0x1] =	wrdreg $0xFFFFFFFF  }
0xc7: {  	_ =	task.clear_ibuf [dreg:s7], $0x2FFFF;
	_ =	strace $0x9FFFFFFF  }
0xc8: {  	(tm) =	ssettm $0x7FFFFFFF  }
0xc9: {  	_ =	shalt  }
tec
execute0_lowered:
.L_overlay_start_1:
0x0: {  	(tag) =	ssettag $0x1  }
0x1: {  	s0 =	srdreg.scid;
	s1 =	stileid.u32  }
0x2: {  	s2 =	rddreg [dreg:$0x0];
	s31 =	sand.u32 $0x1, s0;
	s20 =	sshll.u32 s1, $0x1  }
0x3: {  	s4 =	rddreg [dreg:$0x1];
	s3 =	simm.s32 $0x0;
	s5 =	sor.u32 s31, s20  }
0x4: {  	[smem:$0x7FF] =	sst s3;
	s30 =	sadd.s32 $0x600, s4;
	s0 =	smul.u32 $0x4E20, s5  }
0x5: {  	s1 =	sadd.s32 $0x14000, s4;
	_ =	strace $0x8000004A;
	s5 =	smul.u32 $0x4E200, s5  }
0x6: {  	[dreg:$0x14] =	wrdreg s1;
	s6 =	sshrl.u32 s0, $0x3;
	s22 =	sadd.s32 $0x3E8, s0  }
0x7: {  	s23 =	sadd.s32 s1, s5;
	s8 =	sadd.s32 $0xBB8, s0;
	s14 =	sadd.s32 $0xFA0, s0  }
0x8: {  	s16 =	sadd.s32 $0x1388, s0;
	s21 =	sadd.s32 s30, s6;
	s24 =	sshrl.u32 s22, $0x3  }
0x9: {  	[dreg:$0x4] =	wrdreg s23;
	s26 =	sshll.u32 s22, $0x4;
	s6 =	sadd.s32 $0x7D0, s0  }
0xa: {  	s10 =	sshrl.u32 s8, $0x3;
	[dreg:$0x3] =	wrdreg s21;
	s25 =	sadd.s32 s30, s24  }
0xb: {  	s12 =	sshll.u32 s8, $0x4;
	s5 =	sadd.s32 s1, s26;
	[dreg:$0x5] =	wrdreg s25  }
0xc: {  	s15 =	sshrl.u32 s14, $0x3;
	s11 =	sadd.s32 s30, s10;
	[dreg:$0x6] =	wrdreg s5  }
0xd: {  	s18 =	sshrl.u32 s16, $0x3;
	s13 =	sadd.s32 s1, s12;
	[dreg:$0x9] =	wrdreg s11  }
0xe: {  	s20 =	sshll.u32 s16, $0x4;
	s19 =	sadd.s32 s30, s18;
	[dreg:$0xa] =	wrdreg s13  }
0xf: {  	s7 =	sshrl.u32 s6, $0x3;
	s21 =	sadd.s32 s1, s20;
	[dreg:$0xd] =	wrdreg s19  }
0x10: {  	s4 =	sadd.s32 s30, s7;
	s5 =	sshll.u32 s6, $0x4;
	[dreg:$0xe] =	wrdreg s21  }
0x11: {  	s22 =	sadd.s32 $0x1770, s0;
	[dreg:$0x7] =	wrdreg s4;
	s9 =	sadd.s32 s1, s5  }
0x12: {  	s8 =	sadd.s32 $0x1F40, s0;
	s4 =	sadd.s32 s30, s15;
	[dreg:$0x8] =	wrdreg s9  }
0x13: {  	s23 =	sshrl.u32 s22, $0x3;
	s7 =	sshrl.u32 s8, $0x3;
	[dreg:$0xb] =	wrdreg s4  }
0x14: {  	s5 =	sshll.u32 s14, $0x4;
	s10 =	sadd.s32 s30, s7;
	s9 =	rddreg [dreg:$0x3]  }
0x15: {  	s24 =	sadd.s32 $0x1B58, s0;
	s17 =	sadd.s32 s1, s5;
	[dreg:$0x13] =	wrdreg s10  }
0x16: {  	s4 =	sadd.s32 s30, s23;
	s5 =	sshll.u32 s22, $0x4;
	[dreg:$0xc] =	wrdreg s17  }
0x17: {  	s26 =	sshrl.u32 s24, $0x3;
	[dreg:$0xf] =	wrdreg s4;
	s25 =	sadd.s32 s1, s5  }
0x18: {  	[tilespmem:s3], [sflag:$0x2] =	stream.linear.gather [hbm4b:s9+s3], $0x3E8, $0x38;
	[tilespmem:$0x1F800] =	vst v63  }
0x19: {  	s6 =	sshll.u32 s24, $0x4;
	s5 =	sadd.s32 s30, s26;
	[dreg:$0x10] =	wrdreg s25  }
0x1a: {  	s4 =	sadd.s32 s1, s6;
	[dreg:$0x11] =	wrdreg s5  }
0x1b: {  	[dreg:$0x12] =	wrdreg s4;
	s4 =	simm.s32 $0x2  }
0x1c: {  	_ =	swait.ge [sflag:s4], $0x3E8  }
0x1d: {  	s7 =	simm.s32 $0x1;
	[sflag:s4] =	ssyncset.done $0x0  }
0x1e: {  	s6 =	simm.s32 $0x400;
	s5 =	simm.s32 $0x3E8;
	[sflag:s4] =	ssyncadd.s32 $0xFFFFFC18  }
0x1f: {  	[tilespmem:s6], [sflag:$0x1] =	stream.indirect.gather [hbm4b:s2+s5], $0x80, s3, s5, $0xb8;
	[tilespmem:$0x1F800] =	vst v63  }
0x20: {  	_ =	swait.ge [sflag:s7], $0x1F400  }
0x21: {  	[sflag:s7] =	ssyncset.done $0x0  }
0x22: {  	s9 =	rddreg [dreg:$0x4];
	[sflag:s7] =	ssyncadd.s32 $0xFFFE0C00  }
0x23: {  	[hbm4b:s9+s3] =	stream.linear.scatter [tilespmem:s6], [sflag:$0x2], $0x1F400, $0x38;
	[tilespmem:$0x1F800] =	vst v63  }
0x24: {  	_ =	swait.ge [sflag:s4], $0x1F400  }
0x25: {  	[sflag:s4] =	ssyncset.done $0x0  }
0x26: {  	s11 =	rddreg [dreg:$0x5];
	[sflag:s4] =	ssyncadd.s32 $0xFFFE0C00  }
0x27: {  	[tilespmem:s3], [sflag:$0x2] =	stream.linear.gather [hbm4b:s11+s3], $0x3E8, $0x38;
	[tilespmem:$0x1F800] =	vst v63  }
0x28: {  	_ =	swait.ge [sflag:s4], $0x3E8  }
0x29: {  	[sflag:s4] =	ssyncset.done $0x0  }
0x2a: {  	[sflag:s4] =	ssyncadd.s32 $0xFFFFFC18  }
0x2b: {  	[tilespmem:s6], [sflag:$0x1] =	stream.indirect.gather [hbm4b:s2+s5], $0x80, s3, s5, $0xb8;
	[tilespmem:$0x1F800] =	vst v63  }
0x2c: {  	_ =	swait.ge [sflag:s7], $0x1F400  }
0x2d: {  	[sflag:s7] =	ssyncset.done $0x0  }
0x2e: {  	s12 =	rddreg [dreg:$0x6];
	[sflag:s7] =	ssyncadd.s32 $0xFFFE0C00  }
0x2f: {  	[hbm4b:s12+s3] =	stream.linear.scatter [tilespmem:s6], [sflag:$0x2], $0x1F400, $0x38;
	[tilespmem:$0x1F800] =	vst v63  }
0x30: {  	_ =	swait.ge [sflag:s4], $0x1F400  }
0x31: {  	[sflag:s4] =	ssyncset.done $0x0  }
0x32: {  	s13 =	rddreg [dreg:$0x7];
	[sflag:s4] =	ssyncadd.s32 $0xFFFE0C00  }
0x33: {  	[tilespmem:s3], [sflag:$0x2] =	stream.linear.gather [hbm4b:s13+s3], $0x3E8, $0x38;
	[tilespmem:$0x1F800] =	vst v63  }
0x34: {  	_ =	swait.ge [sflag:s4], $0x3E8  }
0x35: {  	[sflag:s4] =	ssyncset.done $0x0  }
0x36: {  	[sflag:s4] =	ssyncadd.s32 $0xFFFFFC18  }
0x37: {  	[tilespmem:s6], [sflag:$0x1] =	stream.indirect.gather [hbm4b:s2+s5], $0x80, s3, s5, $0xb8;
	[tilespmem:$0x1F800] =	vst v63  }
0x38: {  	_ =	swait.ge [sflag:s7], $0x1F400  }
0x39: {  	[sflag:s7] =	ssyncset.done $0x0  }
0x3a: {  	s14 =	rddreg [dreg:$0x8];
	[sflag:s7] =	ssyncadd.s32 $0xFFFE0C00  }
0x3b: {  	[hbm4b:s14+s3] =	stream.linear.scatter [tilespmem:s6], [sflag:$0x2], $0x1F400, $0x38;
	[tilespmem:$0x1F800] =	vst v63  }
0x3c: {  	_ =	swait.ge [sflag:s4], $0x1F400  }
0x3d: {  	[sflag:s4] =	ssyncset.done $0x0  }
0x3e: {  	s15 =	rddreg [dreg:$0x9];
	[sflag:s4] =	ssyncadd.s32 $0xFFFE0C00  }
0x3f: {  	[tilespmem:s3], [sflag:$0x2] =	stream.linear.gather [hbm4b:s15+s3], $0x3E8, $0x38;
	[tilespmem:$0x1F800] =	vst v63  }
0x40: {  	_ =	swait.ge [sflag:s4], $0x3E8  }
0x41: {  	[sflag:s4] =	ssyncset.done $0x0  }
0x42: {  	[sflag:s4] =	ssyncadd.s32 $0xFFFFFC18  }
0x43: {  	[tilespmem:s6], [sflag:$0x1] =	stream.indirect.gather [hbm4b:s2+s5], $0x80, s3, s5, $0xb8;
	[tilespmem:$0x1F800] =	vst v63  }
0x44: {  	_ =	swait.ge [sflag:s7], $0x1F400  }
0x45: {  	[sflag:s7] =	ssyncset.done $0x0  }
0x46: {  	s16 =	rddreg [dreg:$0xa];
	[sflag:s7] =	ssyncadd.s32 $0xFFFE0C00  }
0x47: {  	[hbm4b:s16+s3] =	stream.linear.scatter [tilespmem:s6], [sflag:$0x2], $0x1F400, $0x38;
	[tilespmem:$0x1F800] =	vst v63  }
0x48: {  	_ =	swait.ge [sflag:s4], $0x1F400  }
0x49: {  	[sflag:s4] =	ssyncset.done $0x0  }
0x4a: {  	s17 =	rddreg [dreg:$0xb];
	[sflag:s4] =	ssyncadd.s32 $0xFFFE0C00  }
0x4b: {  	[tilespmem:s3], [sflag:$0x2] =	stream.linear.gather [hbm4b:s17+s3], $0x3E8, $0x38;
	[tilespmem:$0x1F800] =	vst v63  }
0x4c: {  	_ =	swait.ge [sflag:s4], $0x3E8  }
0x4d: {  	[sflag:s4] =	ssyncset.done $0x0  }
0x4e: {  	[sflag:s4] =	ssyncadd.s32 $0xFFFFFC18  }
0x4f: {  	[tilespmem:s6], [sflag:$0x1] =	stream.indirect.gather [hbm4b:s2+s5], $0x80, s3, s5, $0xb8;
	[tilespmem:$0x1F800] =	vst v63  }
0x50: {  	_ =	swait.ge [sflag:s7], $0x1F400  }
0x51: {  	[sflag:s7] =	ssyncset.done $0x0  }
0x52: {  	s18 =	rddreg [dreg:$0xc];
	[sflag:s7] =	ssyncadd.s32 $0xFFFE0C00  }
0x53: {  	[hbm4b:s18+s3] =	stream.linear.scatter [tilespmem:s6], [sflag:$0x2], $0x1F400, $0x38;
	[tilespmem:$0x1F800] =	vst v63  }
0x54: {  	_ =	swait.ge [sflag:s4], $0x1F400  }
0x55: {  	[sflag:s4] =	ssyncset.done $0x0  }
0x56: {  	s19 =	rddreg [dreg:$0xd];
	[sflag:s4] =	ssyncadd.s32 $0xFFFE0C00  }
0x57: {  	[tilespmem:s3], [sflag:$0x2] =	stream.linear.gather [hbm4b:s19+s3], $0x3E8, $0x38;
	[tilespmem:$0x1F800] =	vst v63  }
0x58: {  	_ =	swait.ge [sflag:s4], $0x3E8  }
0x59: {  	[sflag:s4] =	ssyncset.done $0x0  }
0x5a: {  	[sflag:s4] =	ssyncadd.s32 $0xFFFFFC18  }
0x5b: {  	[tilespmem:s6], [sflag:$0x1] =	stream.indirect.gather [hbm4b:s2+s5], $0x80, s3, s5, $0xb8;
	[tilespmem:$0x1F800] =	vst v63  }
0x5c: {  	_ =	swait.ge [sflag:s7], $0x1F400  }
0x5d: {  	[sflag:s7] =	ssyncset.done $0x0  }
0x5e: {  	s20 =	rddreg [dreg:$0xe];
	[sflag:s7] =	ssyncadd.s32 $0xFFFE0C00  }
0x5f: {  	[hbm4b:s20+s3] =	stream.linear.scatter [tilespmem:s6], [sflag:$0x2], $0x1F400, $0x38;
	[tilespmem:$0x1F800] =	vst v63  }
0x60: {  	_ =	swait.ge [sflag:s4], $0x1F400  }
0x61: {  	[sflag:s4] =	ssyncset.done $0x0  }
0x62: {  	s21 =	rddreg [dreg:$0xf];
	[sflag:s4] =	ssyncadd.s32 $0xFFFE0C00  }
0x63: {  	[tilespmem:s3], [sflag:$0x2] =	stream.linear.gather [hbm4b:s21+s3], $0x3E8, $0x38;
	[tilespmem:$0x1F800] =	vst v63  }
0x64: {  	_ =	swait.ge [sflag:s4], $0x3E8  }
0x65: {  	[sflag:s4] =	ssyncset.done $0x0  }
0x66: {  	[sflag:s4] =	ssyncadd.s32 $0xFFFFFC18  }
0x67: {  	[tilespmem:s6], [sflag:$0x1] =	stream.indirect.gather [hbm4b:s2+s5], $0x80, s3, s5, $0xb8;
	[tilespmem:$0x1F800] =	vst v63  }
0x68: {  	_ =	swait.ge [sflag:s7], $0x1F400  }
0x69: {  	[sflag:s7] =	ssyncset.done $0x0  }
0x6a: {  	s22 =	rddreg [dreg:$0x10];
	[sflag:s7] =	ssyncadd.s32 $0xFFFE0C00  }
0x6b: {  	[hbm4b:s22+s3] =	stream.linear.scatter [tilespmem:s6], [sflag:$0x2], $0x1F400, $0x38;
	[tilespmem:$0x1F800] =	vst v63  }
0x6c: {  	_ =	swait.ge [sflag:s4], $0x1F400  }
0x6d: {  	[sflag:s4] =	ssyncset.done $0x0  }
0x6e: {  	s23 =	rddreg [dreg:$0x11];
	[sflag:s4] =	ssyncadd.s32 $0xFFFE0C00  }
0x6f: {  	[tilespmem:s3], [sflag:$0x2] =	stream.linear.gather [hbm4b:s23+s3], $0x3E8, $0x38;
	[tilespmem:$0x1F800] =	vst v63  }
0x70: {  	_ =	swait.ge [sflag:s4], $0x3E8  }
0x71: {  	[sflag:s4] =	ssyncset.done $0x0  }
0x72: {  	[sflag:s4] =	ssyncadd.s32 $0xFFFFFC18  }
0x73: {  	[tilespmem:s6], [sflag:$0x1] =	stream.indirect.gather [hbm4b:s2+s5], $0x80, s3, s5, $0xb8;
	[tilespmem:$0x1F800] =	vst v63  }
0x74: {  	_ =	swait.ge [sflag:s7], $0x1F400  }
0x75: {  	[sflag:s7] =	ssyncset.done $0x0  }
0x76: {  	s24 =	rddreg [dreg:$0x12];
	[sflag:s7] =	ssyncadd.s32 $0xFFFE0C00  }
0x77: {  	[hbm4b:s24+s3] =	stream.linear.scatter [tilespmem:s6], [sflag:$0x2], $0x1F400, $0x38;
	[tilespmem:$0x1F800] =	vst v63  }
0x78: {  	_ =	swait.ge [sflag:s4], $0x1F400  }
0x79: {  	[sflag:s4] =	ssyncset.done $0x0  }
0x7a: {  	s25 =	rddreg [dreg:$0x13];
	[sflag:s4] =	ssyncadd.s32 $0xFFFE0C00  }
0x7b: {  	[tilespmem:s3], [sflag:$0x2] =	stream.linear.gather [hbm4b:s25+s3], $0x3E8, $0x38;
	[tilespmem:$0x1F800] =	vst v63  }
0x7c: {  	_ =	swait.ge [sflag:s4], $0x3E8  }
0x7d: {  	[sflag:s4] =	ssyncset.done $0x0  }
0x7e: {  	[sflag:s4] =	ssyncadd.s32 $0xFFFFFC18  }
0x7f: {  	[tilespmem:s6], [sflag:$0x1] =	stream.indirect.gather [hbm4b:s2+s5], $0x80, s3, s5, $0xb8;
	[tilespmem:$0x1F800] =	vst v63  }
0x80: {  	_ =	swait.ge [sflag:s7], $0x1F400  }
0x81: {  	s8 =	sshll.u32 s8, $0x4;
	[sflag:s7] =	ssyncset.done $0x0  }
0x82: {  	s8 =	sadd.s32 s1, s8;
	[sflag:s7] =	ssyncadd.s32 $0xFFFE0C00  }
0x83: {  	[hbm4b:s8+s3] =	stream.linear.scatter [tilespmem:s6], [sflag:$0x2], $0x1F400, $0x38;
	[tilespmem:$0x1F800] =	vst v63  }
0x84: {  	s10 =	sadd.s32 $0x2328, s0;
	_ =	swait.ge [sflag:s4], $0x1F400  }
0x85: {  	s26 =	sshrl.u32 s10, $0x3;
	[sflag:s4] =	ssyncset.done $0x0  }
0x86: {  	s9 =	sadd.s32 s30, s26;
	[sflag:s4] =	ssyncadd.s32 $0xFFFE0C00  }
0x87: {  	[tilespmem:s3], [sflag:$0x2] =	stream.linear.gather [hbm4b:s9+s3], $0x3E8, $0x38;
	[tilespmem:$0x1F800] =	vst v63  }
0x88: {  	_ =	swait.ge [sflag:s4], $0x3E8  }
0x89: {  	[sflag:s4] =	ssyncset.done $0x0  }
0x8a: {  	[sflag:s4] =	ssyncadd.s32 $0xFFFFFC18  }
0x8b: {  	[tilespmem:s6], [sflag:$0x1] =	stream.indirect.gather [hbm4b:s2+s5], $0x80, s3, s5, $0xb8;
	[tilespmem:$0x1F800] =	vst v63  }
0x8c: {  	_ =	swait.ge [sflag:s7], $0x1F400  }
0x8d: {  	s10 =	sshll.u32 s10, $0x4;
	[sflag:s7] =	ssyncset.done $0x0  }
0x8e: {  	s10 =	sadd.s32 s1, s10;
	[sflag:s7] =	ssyncadd.s32 $0xFFFE0C00  }
0x8f: {  	[hbm4b:s10+s3] =	stream.linear.scatter [tilespmem:s6], [sflag:$0x2], $0x1F400, $0x38;
	[tilespmem:$0x1F800] =	vst v63  }
0x90: {  	s12 =	sadd.s32 $0x2710, s0;
	_ =	swait.ge [sflag:s4], $0x1F400  }
0x91: {  	s11 =	sshrl.u32 s12, $0x3;
	[sflag:s4] =	ssyncset.done $0x0  }
0x92: {  	s11 =	sadd.s32 s30, s11;
	[sflag:s4] =	ssyncadd.s32 $0xFFFE0C00  }
0x93: {  	[tilespmem:s3], [sflag:$0x2] =	stream.linear.gather [hbm4b:s11+s3], $0x3E8, $0x38;
	[tilespmem:$0x1F800] =	vst v63  }
0x94: {  	_ =	swait.ge [sflag:s4], $0x3E8  }
0x95: {  	[sflag:s4] =	ssyncset.done $0x0  }
0x96: {  	[sflag:s4] =	ssyncadd.s32 $0xFFFFFC18  }
0x97: {  	[tilespmem:s6], [sflag:$0x1] =	stream.indirect.gather [hbm4b:s2+s5], $0x80, s3, s5, $0xb8;
	[tilespmem:$0x1F800] =	vst v63  }
0x98: {  	_ =	swait.ge [sflag:s7], $0x1F400  }
0x99: {  	s12 =	sshll.u32 s12, $0x4;
	[sflag:s7] =	ssyncset.done $0x0  }
0x9a: {  	s12 =	sadd.s32 s1, s12;
	[sflag:s7] =	ssyncadd.s32 $0xFFFE0C00  }
0x9b: {  	[hbm4b:s12+s3] =	stream.linear.scatter [tilespmem:s6], [sflag:$0x2], $0x1F400, $0x38;
	[tilespmem:$0x1F800] =	vst v63  }
0x9c: {  	s14 =	sadd.s32 $0x2AF8, s0;
	_ =	swait.ge [sflag:s4], $0x1F400  }
0x9d: {  	s13 =	sshrl.u32 s14, $0x3;
	[sflag:s4] =	ssyncset.done $0x0  }
0x9e: {  	s13 =	sadd.s32 s30, s13;
	[sflag:s4] =	ssyncadd.s32 $0xFFFE0C00  }
0x9f: {  	[tilespmem:s3], [sflag:$0x2] =	stream.linear.gather [hbm4b:s13+s3], $0x3E8, $0x38;
	[tilespmem:$0x1F800] =	vst v63  }
0xa0: {  	_ =	swait.ge [sflag:s4], $0x3E8  }
0xa1: {  	[sflag:s4] =	ssyncset.done $0x0  }
0xa2: {  	[sflag:s4] =	ssyncadd.s32 $0xFFFFFC18  }
0xa3: {  	[tilespmem:s6], [sflag:$0x1] =	stream.indirect.gather [hbm4b:s2+s5], $0x80, s3, s5, $0xb8;
	[tilespmem:$0x1F800] =	vst v63  }
0xa4: {  	_ =	swait.ge [sflag:s7], $0x1F400  }
0xa5: {  	s14 =	sshll.u32 s14, $0x4;
	[sflag:s7] =	ssyncset.done $0x0  }
0xa6: {  	s14 =	sadd.s32 s1, s14;
	[sflag:s7] =	ssyncadd.s32 $0xFFFE0C00  }
0xa7: {  	[hbm4b:s14+s3] =	stream.linear.scatter [tilespmem:s6], [sflag:$0x2], $0x1F400, $0x38;
	[tilespmem:$0x1F800] =	vst v63  }
0xa8: {  	s16 =	sadd.s32 $0x2EE0, s0;
	_ =	swait.ge [sflag:s4], $0x1F400  }
0xa9: {  	s15 =	sshrl.u32 s16, $0x3;
	[sflag:s4] =	ssyncset.done $0x0  }
0xaa: {  	s15 =	sadd.s32 s30, s15;
	[sflag:s4] =	ssyncadd.s32 $0xFFFE0C00  }
0xab: {  	[tilespmem:s3], [sflag:$0x2] =	stream.linear.gather [hbm4b:s15+s3], $0x3E8, $0x38;
	[tilespmem:$0x1F800] =	vst v63  }
0xac: {  	_ =	swait.ge [sflag:s4], $0x3E8  }
0xad: {  	[sflag:s4] =	ssyncset.done $0x0  }
0xae: {  	[sflag:s4] =	ssyncadd.s32 $0xFFFFFC18  }
0xaf: {  	[tilespmem:s6], [sflag:$0x1] =	stream.indirect.gather [hbm4b:s2+s5], $0x80, s3, s5, $0xb8;
	[tilespmem:$0x1F800] =	vst v63  }
0xb0: {  	_ =	swait.ge [sflag:s7], $0x1F400  }
0xb1: {  	s16 =	sshll.u32 s16, $0x4;
	[sflag:s7] =	ssyncset.done $0x0  }
0xb2: {  	s16 =	sadd.s32 s1, s16;
	[sflag:s7] =	ssyncadd.s32 $0xFFFE0C00  }
0xb3: {  	[hbm4b:s16+s3] =	stream.linear.scatter [tilespmem:s6], [sflag:$0x2], $0x1F400, $0x38;
	[tilespmem:$0x1F800] =	vst v63  }
0xb4: {  	s18 =	sadd.s32 $0x32C8, s0;
	_ =	swait.ge [sflag:s4], $0x1F400  }
0xb5: {  	s17 =	sshrl.u32 s18, $0x3;
	[sflag:s4] =	ssyncset.done $0x0  }
0xb6: {  	s17 =	sadd.s32 s30, s17;
	[sflag:s4] =	ssyncadd.s32 $0xFFFE0C00  }
0xb7: {  	[tilespmem:s3], [sflag:$0x2] =	stream.linear.gather [hbm4b:s17+s3], $0x3E8, $0x38;
	[tilespmem:$0x1F800] =	vst v63  }
0xb8: {  	_ =	swait.ge [sflag:s4], $0x3E8  }
0xb9: {  	[sflag:s4] =	ssyncset.done $0x0  }
0xba: {  	[sflag:s4] =	ssyncadd.s32 $0xFFFFFC18  }
0xbb: {  	[tilespmem:s6], [sflag:$0x1] =	stream.indirect.gather [hbm4b:s2+s5], $0x80, s3, s5, $0xb8;
	[tilespmem:$0x1F800] =	vst v63  }
0xbc: {  	_ =	swait.ge [sflag:s7], $0x1F400  }
0xbd: {  	s18 =	sshll.u32 s18, $0x4;
	[sflag:s7] =	ssyncset.done $0x0  }
0xbe: {  	s18 =	sadd.s32 s1, s18;
	[sflag:s7] =	ssyncadd.s32 $0xFFFE0C00  }
0xbf: {  	[hbm4b:s18+s3] =	stream.linear.scatter [tilespmem:s6], [sflag:$0x2], $0x1F400, $0x38;
	[tilespmem:$0x1F800] =	vst v63  }
0xc0: {  	s20 =	sadd.s32 $0x36B0, s0;
	_ =	swait.ge [sflag:s4], $0x1F400  }
0xc1: {  	s19 =	sshrl.u32 s20, $0x3;
	[sflag:s4] =	ssyncset.done $0x0  }
0xc2: {  	s19 =	sadd.s32 s30, s19;
	[sflag:s4] =	ssyncadd.s32 $0xFFFE0C00  }
0xc3: {  	[tilespmem:s3], [sflag:$0x2] =	stream.linear.gather [hbm4b:s19+s3], $0x3E8, $0x38;
	[tilespmem:$0x1F800] =	vst v63  }
0xc4: {  	_ =	swait.ge [sflag:s4], $0x3E8  }
0xc5: {  	[sflag:s4] =	ssyncset.done $0x0  }
0xc6: {  	[sflag:s4] =	ssyncadd.s32 $0xFFFFFC18  }
0xc7: {  	[tilespmem:s6], [sflag:$0x1] =	stream.indirect.gather [hbm4b:s2+s5], $0x80, s3, s5, $0xb8;
	[tilespmem:$0x1F800] =	vst v63  }
0xc8: {  	_ =	swait.ge [sflag:s7], $0x1F400  }
0xc9: {  	s20 =	sshll.u32 s20, $0x4;
	[sflag:s7] =	ssyncset.done $0x0  }
0xca: {  	s20 =	sadd.s32 s1, s20;
	[sflag:s7] =	ssyncadd.s32 $0xFFFE0C00  }
0xcb: {  	[hbm4b:s20+s3] =	stream.linear.scatter [tilespmem:s6], [sflag:$0x2], $0x1F400, $0x38;
	[tilespmem:$0x1F800] =	vst v63  }
0xcc: {  	s22 =	sadd.s32 $0x3A98, s0;
	_ =	swait.ge [sflag:s4], $0x1F400  }
0xcd: {  	s21 =	sshrl.u32 s22, $0x3;
	[sflag:s4] =	ssyncset.done $0x0  }
0xce: {  	s21 =	sadd.s32 s30, s21;
	[sflag:s4] =	ssyncadd.s32 $0xFFFE0C00  }
0xcf: {  	[tilespmem:s3], [sflag:$0x2] =	stream.linear.gather [hbm4b:s21+s3], $0x3E8, $0x38;
	[tilespmem:$0x1F800] =	vst v63  }
0xd0: {  	_ =	swait.ge [sflag:s4], $0x3E8  }
0xd1: {  	[sflag:s4] =	ssyncset.done $0x0  }
0xd2: {  	[sflag:s4] =	ssyncadd.s32 $0xFFFFFC18  }
0xd3: {  	[tilespmem:s6], [sflag:$0x1] =	stream.indirect.gather [hbm4b:s2+s5], $0x80, s3, s5, $0xb8;
	[tilespmem:$0x1F800] =	vst v63  }
0xd4: {  	_ =	swait.ge [sflag:s7], $0x1F400  }
0xd5: {  	s22 =	sshll.u32 s22, $0x4;
	[sflag:s7] =	ssyncset.done $0x0  }
0xd6: {  	s22 =	sadd.s32 s1, s22;
	[sflag:s7] =	ssyncadd.s32 $0xFFFE0C00  }
0xd7: {  	[hbm4b:s22+s3] =	stream.linear.scatter [tilespmem:s6], [sflag:$0x2], $0x1F400, $0x38;
	[tilespmem:$0x1F800] =	vst v63  }
0xd8: {  	s24 =	sadd.s32 $0x3E80, s0;
	_ =	swait.ge [sflag:s4], $0x1F400  }
0xd9: {  	s23 =	sshrl.u32 s24, $0x3;
	[sflag:s4] =	ssyncset.done $0x0  }
0xda: {  	s23 =	sadd.s32 s30, s23;
	[sflag:s4] =	ssyncadd.s32 $0xFFFE0C00  }
0xdb: {  	[tilespmem:s3], [sflag:$0x2] =	stream.linear.gather [hbm4b:s23+s3], $0x3E8, $0x38;
	[tilespmem:$0x1F800] =	vst v63  }
0xdc: {  	_ =	swait.ge [sflag:s4], $0x3E8  }
0xdd: {  	[sflag:s4] =	ssyncset.done $0x0  }
0xde: {  	[sflag:s4] =	ssyncadd.s32 $0xFFFFFC18  }
0xdf: {  	[tilespmem:s6], [sflag:$0x1] =	stream.indirect.gather [hbm4b:s2+s5], $0x80, s3, s5, $0xb8;
	[tilespmem:$0x1F800] =	vst v63  }
0xe0: {  	_ =	swait.ge [sflag:s7], $0x1F400  }
0xe1: {  	s24 =	sshll.u32 s24, $0x4;
	[sflag:s7] =	ssyncset.done $0x0  }
0xe2: {  	s24 =	sadd.s32 s1, s24;
	[sflag:s7] =	ssyncadd.s32 $0xFFFE0C00  }
0xe3: {  	[hbm4b:s24+s3] =	stream.linear.scatter [tilespmem:s6], [sflag:$0x2], $0x1F400, $0x38;
	[tilespmem:$0x1F800] =	vst v63  }
0xe4: {  	s26 =	sadd.s32 $0x4268, s0;
	_ =	swait.ge [sflag:s4], $0x1F400  }
0xe5: {  	s25 =	sshrl.u32 s26, $0x3;
	[sflag:s4] =	ssyncset.done $0x0  }
0xe6: {  	s25 =	sadd.s32 s30, s25;
	[sflag:s4] =	ssyncadd.s32 $0xFFFE0C00  }
0xe7: {  	[tilespmem:s3], [sflag:$0x2] =	stream.linear.gather [hbm4b:s25+s3], $0x3E8, $0x38;
	[tilespmem:$0x1F800] =	vst v63  }
0xe8: {  	_ =	swait.ge [sflag:s4], $0x3E8  }
0xe9: {  	[sflag:s4] =	ssyncset.done $0x0  }
0xea: {  	[sflag:s4] =	ssyncadd.s32 $0xFFFFFC18  }
0xeb: {  	[tilespmem:s6], [sflag:$0x1] =	stream.indirect.gather [hbm4b:s2+s5], $0x80, s3, s5, $0xb8;
	[tilespmem:$0x1F800] =	vst v63  }
0xec: {  	_ =	swait.ge [sflag:s7], $0x1F400  }
0xed: {  	s26 =	sshll.u32 s26, $0x4;
	[sflag:s7] =	ssyncset.done $0x0  }
0xee: {  	s26 =	sadd.s32 s1, s26;
	[sflag:s7] =	ssyncadd.s32 $0xFFFE0C00  }
0xef: {  	[hbm4b:s26+s3] =	stream.linear.scatter [tilespmem:s6], [sflag:$0x2], $0x1F400, $0x38;
	[tilespmem:$0x1F800] =	vst v63  }
0xf0: {  	s29 =	sadd.s32 $0x4650, s0;
	_ =	swait.ge [sflag:s4], $0x1F400  }
0xf1: {  	s28 =	sshrl.u32 s29, $0x3;
	[sflag:s4] =	ssyncset.done $0x0  }
0xf2: {  	s28 =	sadd.s32 s30, s28;
	[sflag:s4] =	ssyncadd.s32 $0xFFFE0C00  }
0xf3: {  	[tilespmem:s3], [sflag:$0x2] =	stream.linear.gather [hbm4b:s28+s3], $0x3E8, $0x38;
	[tilespmem:$0x1F800] =	vst v63  }
0xf4: {  	_ =	swait.ge [sflag:s4], $0x3E8  }
0xf5: {  	[sflag:s4] =	ssyncset.done $0x0  }
0xf6: {  	[sflag:s4] =	ssyncadd.s32 $0xFFFFFC18  }
0xf7: {  	[tilespmem:s6], [sflag:$0x1] =	stream.indirect.gather [hbm4b:s2+s5], $0x80, s3, s5, $0xb8;
	[tilespmem:$0x1F800] =	vst v63  }
0xf8: {  	_ =	swait.ge [sflag:s7], $0x1F400  }
0xf9: {  	s29 =	sshll.u32 s29, $0x4;
	[sflag:s7] =	ssyncset.done $0x0  }
0xfa: {  	s29 =	sadd.s32 s1, s29;
	s0 =	sadd.s32 $0x4A38, s0;
	[sflag:s7] =	ssyncadd.s32 $0xFFFE0C00  }
0xfb: {  	[hbm4b:s29+s3] =	stream.linear.scatter [tilespmem:s6], [sflag:$0x2], $0x1F400, $0x38;
	[tilespmem:$0x1F800] =	vst v63  }
0xfc: {  	s1 =	sshrl.u32 s0, $0x3;
	_ =	swait.ge [sflag:s4], $0x1F400  }
0xfd: {  	s30 =	sadd.s32 s30, s1;
	s1 =	ssub.s32 $0x2, s31;
	[sflag:s4] =	ssyncset.done $0x0  }
0xfe: {  	s31 =	sshrl.u32 s1, $0x1;
	[sflag:s4] =	ssyncadd.s32 $0xFFFE0C00  }
0xff: {  	[tilespmem:s3], [sflag:$0x2] =	stream.linear.gather [hbm4b:s30+s3], $0x3E8, $0x38;
	[tilespmem:$0x1F800] =	vst v63  }
0x100: {  	s1 =	ssub.s32 s1, s31;
	_ =	swait.ge [sflag:s4], $0x3E8  }
0x101: {  	s1 =	smax.u32 s1, $0x1;
	[sflag:s4] =	ssyncset.done $0x0  }
0x102: {  	p0 =	sne.s32 s1, $0x1;
	[sflag:s4] =	ssyncadd.s32 $0xFFFFFC18  }
0x103: {  	[tilespmem:s6], [sflag:$0x1] =	stream.indirect.gather [hbm4b:s2+s5], $0x80, s3, s5, $0xb8;
	[tilespmem:$0x1F800] =	vst v63  }
.Ltmp0:
0x104: {  	_ =	swait.ge [sflag:s7], $0x1F400;
	(pc) =	sbr.rel @!p0 .LBB2_2-.Ltmp0, $4  }
0x105: {  	s0 =	sshll.u32 s0, $0x4;
	[sflag:s7] =	ssyncset.done $0x0;
	s31 =	rddreg [dreg:$0x14]  }
0x106: {  	s31 =	sadd.s32 s31, s0;
	[sflag:s7] =	ssyncadd.s32 $0xFFFE0C00  }
0x107: {  	[hbm4b:s31+s3] =	stream.linear.scatter [tilespmem:s6], [sflag:$0x2], $0x1F400, $0x38;
	[tilespmem:$0x1F800] =	vst v63  }
0x108: {  	s1 =	sadd.s32 $0xFFFFFFFF, s1;
	_ =	swait.ge [sflag:s4], $0x1F400  }
.LBB2_1:
0x109: {  	[sflag:s4] =	ssyncset.done $0x0  }
0x10a: {  	s0 =	rddreg [dreg:$0x3];
	[sflag:s4] =	ssyncadd.s32 $0xFFFE0C00  }
0x10b: {  	[tilespmem:s3], [sflag:$0x2] =	stream.linear.gather [hbm4b:s0+s3], $0x3E8, $0x38;
	[tilespmem:$0x1F800] =	vst v63  }
0x10c: {  	_ =	swait.ge [sflag:s4], $0x3E8  }
0x10d: {  	[sflag:s4] =	ssyncset.done $0x0  }
0x10e: {  	[sflag:s4] =	ssyncadd.s32 $0xFFFFFC18  }
0x10f: {  	[tilespmem:s6], [sflag:$0x1] =	stream.indirect.gather [hbm4b:s2+s5], $0x80, s3, s5, $0xb8;
	[tilespmem:$0x1F800] =	vst v63  }
0x110: {  	_ =	swait.ge [sflag:s7], $0x1F400  }
0x111: {  	[sflag:s7] =	ssyncset.done $0x0  }
0x112: {  	s0 =	rddreg [dreg:$0x4];
	[sflag:s7] =	ssyncadd.s32 $0xFFFE0C00  }
0x113: {  	[hbm4b:s0+s3] =	stream.linear.scatter [tilespmem:s6], [sflag:$0x2], $0x1F400, $0x38;
	[tilespmem:$0x1F800] =	vst v63  }
0x114: {  	_ =	swait.ge [sflag:s4], $0x1F400  }
0x115: {  	[sflag:s4] =	ssyncset.done $0x0  }
0x116: {  	s0 =	rddreg [dreg:$0x5];
	[sflag:s4] =	ssyncadd.s32 $0xFFFE0C00  }
0x117: {  	[tilespmem:s3], [sflag:$0x2] =	stream.linear.gather [hbm4b:s0+s3], $0x3E8, $0x38;
	[tilespmem:$0x1F800] =	vst v63  }
0x118: {  	_ =	swait.ge [sflag:s4], $0x3E8  }
0x119: {  	[sflag:s4] =	ssyncset.done $0x0  }
0x11a: {  	[sflag:s4] =	ssyncadd.s32 $0xFFFFFC18  }
0x11b: {  	[tilespmem:s6], [sflag:$0x1] =	stream.indirect.gather [hbm4b:s2+s5], $0x80, s3, s5, $0xb8;
	[tilespmem:$0x1F800] =	vst v63  }
0x11c: {  	_ =	swait.ge [sflag:s7], $0x1F400  }
0x11d: {  	[sflag:s7] =	ssyncset.done $0x0  }
0x11e: {  	s0 =	rddreg [dreg:$0x6];
	[sflag:s7] =	ssyncadd.s32 $0xFFFE0C00  }
0x11f: {  	[hbm4b:s0+s3] =	stream.linear.scatter [tilespmem:s6], [sflag:$0x2], $0x1F400, $0x38;
	[tilespmem:$0x1F800] =	vst v63  }
0x120: {  	_ =	swait.ge [sflag:s4], $0x1F400  }
0x121: {  	[sflag:s4] =	ssyncset.done $0x0  }
0x122: {  	s0 =	rddreg [dreg:$0x7];
	[sflag:s4] =	ssyncadd.s32 $0xFFFE0C00  }
0x123: {  	[tilespmem:s3], [sflag:$0x2] =	stream.linear.gather [hbm4b:s0+s3], $0x3E8, $0x38;
	[tilespmem:$0x1F800] =	vst v63  }
0x124: {  	_ =	swait.ge [sflag:s4], $0x3E8  }
0x125: {  	[sflag:s4] =	ssyncset.done $0x0  }
0x126: {  	[sflag:s4] =	ssyncadd.s32 $0xFFFFFC18  }
0x127: {  	[tilespmem:s6], [sflag:$0x1] =	stream.indirect.gather [hbm4b:s2+s5], $0x80, s3, s5, $0xb8;
	[tilespmem:$0x1F800] =	vst v63  }
0x128: {  	_ =	swait.ge [sflag:s7], $0x1F400  }
0x129: {  	[sflag:s7] =	ssyncset.done $0x0  }
0x12a: {  	s0 =	rddreg [dreg:$0x8];
	[sflag:s7] =	ssyncadd.s32 $0xFFFE0C00  }
0x12b: {  	[hbm4b:s0+s3] =	stream.linear.scatter [tilespmem:s6], [sflag:$0x2], $0x1F400, $0x38;
	[tilespmem:$0x1F800] =	vst v63  }
0x12c: {  	_ =	swait.ge [sflag:s4], $0x1F400  }
0x12d: {  	[sflag:s4] =	ssyncset.done $0x0  }
0x12e: {  	s0 =	rddreg [dreg:$0x9];
	[sflag:s4] =	ssyncadd.s32 $0xFFFE0C00  }
0x12f: {  	[tilespmem:s3], [sflag:$0x2] =	stream.linear.gather [hbm4b:s0+s3], $0x3E8, $0x38;
	[tilespmem:$0x1F800] =	vst v63  }
0x130: {  	_ =	swait.ge [sflag:s4], $0x3E8  }
0x131: {  	[sflag:s4] =	ssyncset.done $0x0  }
0x132: {  	[sflag:s4] =	ssyncadd.s32 $0xFFFFFC18  }
0x133: {  	[tilespmem:s6], [sflag:$0x1] =	stream.indirect.gather [hbm4b:s2+s5], $0x80, s3, s5, $0xb8;
	[tilespmem:$0x1F800] =	vst v63  }
0x134: {  	_ =	swait.ge [sflag:s7], $0x1F400  }
0x135: {  	[sflag:s7] =	ssyncset.done $0x0  }
0x136: {  	s0 =	rddreg [dreg:$0xa];
	[sflag:s7] =	ssyncadd.s32 $0xFFFE0C00  }
0x137: {  	[hbm4b:s0+s3] =	stream.linear.scatter [tilespmem:s6], [sflag:$0x2], $0x1F400, $0x38;
	[tilespmem:$0x1F800] =	vst v63  }
0x138: {  	_ =	swait.ge [sflag:s4], $0x1F400  }
0x139: {  	[sflag:s4] =	ssyncset.done $0x0  }
0x13a: {  	s0 =	rddreg [dreg:$0xb];
	[sflag:s4] =	ssyncadd.s32 $0xFFFE0C00  }
0x13b: {  	[tilespmem:s3], [sflag:$0x2] =	stream.linear.gather [hbm4b:s0+s3], $0x3E8, $0x38;
	[tilespmem:$0x1F800] =	vst v63  }
0x13c: {  	_ =	swait.ge [sflag:s4], $0x3E8  }
0x13d: {  	[sflag:s4] =	ssyncset.done $0x0  }
0x13e: {  	[sflag:s4] =	ssyncadd.s32 $0xFFFFFC18  }
0x13f: {  	[tilespmem:s6], [sflag:$0x1] =	stream.indirect.gather [hbm4b:s2+s5], $0x80, s3, s5, $0xb8;
	[tilespmem:$0x1F800] =	vst v63  }
0x140: {  	_ =	swait.ge [sflag:s7], $0x1F400  }
0x141: {  	[sflag:s7] =	ssyncset.done $0x0  }
0x142: {  	s0 =	rddreg [dreg:$0xc];
	[sflag:s7] =	ssyncadd.s32 $0xFFFE0C00  }
0x143: {  	[hbm4b:s0+s3] =	stream.linear.scatter [tilespmem:s6], [sflag:$0x2], $0x1F400, $0x38;
	[tilespmem:$0x1F800] =	vst v63  }
0x144: {  	_ =	swait.ge [sflag:s4], $0x1F400  }
0x145: {  	[sflag:s4] =	ssyncset.done $0x0  }
0x146: {  	s0 =	rddreg [dreg:$0xd];
	[sflag:s4] =	ssyncadd.s32 $0xFFFE0C00  }
0x147: {  	[tilespmem:s3], [sflag:$0x2] =	stream.linear.gather [hbm4b:s0+s3], $0x3E8, $0x38;
	[tilespmem:$0x1F800] =	vst v63  }
0x148: {  	_ =	swait.ge [sflag:s4], $0x3E8  }
0x149: {  	[sflag:s4] =	ssyncset.done $0x0  }
0x14a: {  	[sflag:s4] =	ssyncadd.s32 $0xFFFFFC18  }
0x14b: {  	[tilespmem:s6], [sflag:$0x1] =	stream.indirect.gather [hbm4b:s2+s5], $0x80, s3, s5, $0xb8;
	[tilespmem:$0x1F800] =	vst v63  }
0x14c: {  	_ =	swait.ge [sflag:s7], $0x1F400  }
0x14d: {  	[sflag:s7] =	ssyncset.done $0x0  }
0x14e: {  	s0 =	rddreg [dreg:$0xe];
	[sflag:s7] =	ssyncadd.s32 $0xFFFE0C00  }
0x14f: {  	[hbm4b:s0+s3] =	stream.linear.scatter [tilespmem:s6], [sflag:$0x2], $0x1F400, $0x38;
	[tilespmem:$0x1F800] =	vst v63  }
0x150: {  	_ =	swait.ge [sflag:s4], $0x1F400  }
0x151: {  	[sflag:s4] =	ssyncset.done $0x0  }
0x152: {  	s0 =	rddreg [dreg:$0xf];
	[sflag:s4] =	ssyncadd.s32 $0xFFFE0C00  }
0x153: {  	[tilespmem:s3], [sflag:$0x2] =	stream.linear.gather [hbm4b:s0+s3], $0x3E8, $0x38;
	[tilespmem:$0x1F800] =	vst v63  }
0x154: {  	_ =	swait.ge [sflag:s4], $0x3E8  }
0x155: {  	[sflag:s4] =	ssyncset.done $0x0  }
0x156: {  	[sflag:s4] =	ssyncadd.s32 $0xFFFFFC18  }
0x157: {  	[tilespmem:s6], [sflag:$0x1] =	stream.indirect.gather [hbm4b:s2+s5], $0x80, s3, s5, $0xb8;
	[tilespmem:$0x1F800] =	vst v63  }
0x158: {  	_ =	swait.ge [sflag:s7], $0x1F400  }
0x159: {  	[sflag:s7] =	ssyncset.done $0x0  }
0x15a: {  	s0 =	rddreg [dreg:$0x10];
	[sflag:s7] =	ssyncadd.s32 $0xFFFE0C00  }
0x15b: {  	[hbm4b:s0+s3] =	stream.linear.scatter [tilespmem:s6], [sflag:$0x2], $0x1F400, $0x38;
	[tilespmem:$0x1F800] =	vst v63  }
0x15c: {  	_ =	swait.ge [sflag:s4], $0x1F400  }
0x15d: {  	[sflag:s4] =	ssyncset.done $0x0  }
0x15e: {  	s0 =	rddreg [dreg:$0x11];
	[sflag:s4] =	ssyncadd.s32 $0xFFFE0C00  }
0x15f: {  	[tilespmem:s3], [sflag:$0x2] =	stream.linear.gather [hbm4b:s0+s3], $0x3E8, $0x38;
	[tilespmem:$0x1F800] =	vst v63  }
0x160: {  	_ =	swait.ge [sflag:s4], $0x3E8  }
0x161: {  	[sflag:s4] =	ssyncset.done $0x0  }
0x162: {  	[sflag:s4] =	ssyncadd.s32 $0xFFFFFC18  }
0x163: {  	[tilespmem:s6], [sflag:$0x1] =	stream.indirect.gather [hbm4b:s2+s5], $0x80, s3, s5, $0xb8;
	[tilespmem:$0x1F800] =	vst v63  }
0x164: {  	_ =	swait.ge [sflag:s7], $0x1F400  }
0x165: {  	[sflag:s7] =	ssyncset.done $0x0  }
0x166: {  	s0 =	rddreg [dreg:$0x12];
	[sflag:s7] =	ssyncadd.s32 $0xFFFE0C00  }
0x167: {  	[hbm4b:s0+s3] =	stream.linear.scatter [tilespmem:s6], [sflag:$0x2], $0x1F400, $0x38;
	[tilespmem:$0x1F800] =	vst v63  }
0x168: {  	_ =	swait.ge [sflag:s4], $0x1F400  }
0x169: {  	[sflag:s4] =	ssyncset.done $0x0  }
0x16a: {  	s0 =	rddreg [dreg:$0x13];
	[sflag:s4] =	ssyncadd.s32 $0xFFFE0C00  }
0x16b: {  	[tilespmem:s3], [sflag:$0x2] =	stream.linear.gather [hbm4b:s0+s3], $0x3E8, $0x38;
	[tilespmem:$0x1F800] =	vst v63  }
0x16c: {  	_ =	swait.ge [sflag:s4], $0x3E8  }
0x16d: {  	[sflag:s4] =	ssyncset.done $0x0  }
0x16e: {  	[sflag:s4] =	ssyncadd.s32 $0xFFFFFC18  }
0x16f: {  	[tilespmem:s6], [sflag:$0x1] =	stream.indirect.gather [hbm4b:s2+s5], $0x80, s3, s5, $0xb8;
	[tilespmem:$0x1F800] =	vst v63  }
0x170: {  	_ =	swait.ge [sflag:s7], $0x1F400  }
0x171: {  	[sflag:s7] =	ssyncset.done $0x0  }
0x172: {  	[sflag:s7] =	ssyncadd.s32 $0xFFFE0C00  }
0x173: {  	[hbm4b:s8+s3] =	stream.linear.scatter [tilespmem:s6], [sflag:$0x2], $0x1F400, $0x38;
	[tilespmem:$0x1F800] =	vst v63  }
0x174: {  	_ =	swait.ge [sflag:s4], $0x1F400  }
0x175: {  	[sflag:s4] =	ssyncset.done $0x0  }
0x176: {  	[sflag:s4] =	ssyncadd.s32 $0xFFFE0C00  }
0x177: {  	[tilespmem:s3], [sflag:$0x2] =	stream.linear.gather [hbm4b:s9+s3], $0x3E8, $0x38;
	[tilespmem:$0x1F800] =	vst v63  }
0x178: {  	_ =	swait.ge [sflag:s4], $0x3E8  }
0x179: {  	[sflag:s4] =	ssyncset.done $0x0  }
0x17a: {  	[sflag:s4] =	ssyncadd.s32 $0xFFFFFC18  }
0x17b: {  	[tilespmem:s6], [sflag:$0x1] =	stream.indirect.gather [hbm4b:s2+s5], $0x80, s3, s5, $0xb8;
	[tilespmem:$0x1F800] =	vst v63  }
0x17c: {  	_ =	swait.ge [sflag:s7], $0x1F400  }
0x17d: {  	[sflag:s7] =	ssyncset.done $0x0  }
0x17e: {  	[sflag:s7] =	ssyncadd.s32 $0xFFFE0C00  }
0x17f: {  	[hbm4b:s10+s3] =	stream.linear.scatter [tilespmem:s6], [sflag:$0x2], $0x1F400, $0x38;
	[tilespmem:$0x1F800] =	vst v63  }
0x180: {  	_ =	swait.ge [sflag:s4], $0x1F400  }
0x181: {  	[sflag:s4] =	ssyncset.done $0x0  }
0x182: {  	[sflag:s4] =	ssyncadd.s32 $0xFFFE0C00  }
0x183: {  	[tilespmem:s3], [sflag:$0x2] =	stream.linear.gather [hbm4b:s11+s3], $0x3E8, $0x38;
	[tilespmem:$0x1F800] =	vst v63  }
0x184: {  	_ =	swait.ge [sflag:s4], $0x3E8  }
0x185: {  	[sflag:s4] =	ssyncset.done $0x0  }
0x186: {  	[sflag:s4] =	ssyncadd.s32 $0xFFFFFC18  }
0x187: {  	[tilespmem:s6], [sflag:$0x1] =	stream.indirect.gather [hbm4b:s2+s5], $0x80, s3, s5, $0xb8;
	[tilespmem:$0x1F800] =	vst v63  }
0x188: {  	_ =	swait.ge [sflag:s7], $0x1F400  }
0x189: {  	[sflag:s7] =	ssyncset.done $0x0  }
0x18a: {  	[sflag:s7] =	ssyncadd.s32 $0xFFFE0C00  }
0x18b: {  	[hbm4b:s12+s3] =	stream.linear.scatter [tilespmem:s6], [sflag:$0x2], $0x1F400, $0x38;
	[tilespmem:$0x1F800] =	vst v63  }
0x18c: {  	_ =	swait.ge [sflag:s4], $0x1F400  }
0x18d: {  	[sflag:s4] =	ssyncset.done $0x0  }
0x18e: {  	[sflag:s4] =	ssyncadd.s32 $0xFFFE0C00  }
0x18f: {  	[tilespmem:s3], [sflag:$0x2] =	stream.linear.gather [hbm4b:s13+s3], $0x3E8, $0x38;
	[tilespmem:$0x1F800] =	vst v63  }
0x190: {  	_ =	swait.ge [sflag:s4], $0x3E8  }
0x191: {  	[sflag:s4] =	ssyncset.done $0x0  }
0x192: {  	[sflag:s4] =	ssyncadd.s32 $0xFFFFFC18  }
0x193: {  	[tilespmem:s6], [sflag:$0x1] =	stream.indirect.gather [hbm4b:s2+s5], $0x80, s3, s5, $0xb8;
	[tilespmem:$0x1F800] =	vst v63  }
0x194: {  	_ =	swait.ge [sflag:s7], $0x1F400  }
0x195: {  	[sflag:s7] =	ssyncset.done $0x0  }
0x196: {  	[sflag:s7] =	ssyncadd.s32 $0xFFFE0C00  }
0x197: {  	[hbm4b:s14+s3] =	stream.linear.scatter [tilespmem:s6], [sflag:$0x2], $0x1F400, $0x38;
	[tilespmem:$0x1F800] =	vst v63  }
0x198: {  	_ =	swait.ge [sflag:s4], $0x1F400  }
0x199: {  	[sflag:s4] =	ssyncset.done $0x0  }
0x19a: {  	[sflag:s4] =	ssyncadd.s32 $0xFFFE0C00  }
0x19b: {  	[tilespmem:s3], [sflag:$0x2] =	stream.linear.gather [hbm4b:s15+s3], $0x3E8, $0x38;
	[tilespmem:$0x1F800] =	vst v63  }
0x19c: {  	_ =	swait.ge [sflag:s4], $0x3E8  }
0x19d: {  	[sflag:s4] =	ssyncset.done $0x0  }
0x19e: {  	[sflag:s4] =	ssyncadd.s32 $0xFFFFFC18  }
0x19f: {  	[tilespmem:s6], [sflag:$0x1] =	stream.indirect.gather [hbm4b:s2+s5], $0x80, s3, s5, $0xb8;
	[tilespmem:$0x1F800] =	vst v63  }
0x1a0: {  	_ =	swait.ge [sflag:s7], $0x1F400  }
0x1a1: {  	[sflag:s7] =	ssyncset.done $0x0  }
0x1a2: {  	[sflag:s7] =	ssyncadd.s32 $0xFFFE0C00  }
0x1a3: {  	[hbm4b:s16+s3] =	stream.linear.scatter [tilespmem:s6], [sflag:$0x2], $0x1F400, $0x38;
	[tilespmem:$0x1F800] =	vst v63  }
0x1a4: {  	_ =	swait.ge [sflag:s4], $0x1F400  }
0x1a5: {  	[sflag:s4] =	ssyncset.done $0x0  }
0x1a6: {  	[sflag:s4] =	ssyncadd.s32 $0xFFFE0C00  }
0x1a7: {  	[tilespmem:s3], [sflag:$0x2] =	stream.linear.gather [hbm4b:s17+s3], $0x3E8, $0x38;
	[tilespmem:$0x1F800] =	vst v63  }
0x1a8: {  	_ =	swait.ge [sflag:s4], $0x3E8  }
0x1a9: {  	[sflag:s4] =	ssyncset.done $0x0  }
0x1aa: {  	[sflag:s4] =	ssyncadd.s32 $0xFFFFFC18  }
0x1ab: {  	[tilespmem:s6], [sflag:$0x1] =	stream.indirect.gather [hbm4b:s2+s5], $0x80, s3, s5, $0xb8;
	[tilespmem:$0x1F800] =	vst v63  }
0x1ac: {  	_ =	swait.ge [sflag:s7], $0x1F400  }
0x1ad: {  	[sflag:s7] =	ssyncset.done $0x0  }
0x1ae: {  	[sflag:s7] =	ssyncadd.s32 $0xFFFE0C00  }
0x1af: {  	[hbm4b:s18+s3] =	stream.linear.scatter [tilespmem:s6], [sflag:$0x2], $0x1F400, $0x38;
	[tilespmem:$0x1F800] =	vst v63  }
0x1b0: {  	_ =	swait.ge [sflag:s4], $0x1F400  }
0x1b1: {  	[sflag:s4] =	ssyncset.done $0x0  }
0x1b2: {  	[sflag:s4] =	ssyncadd.s32 $0xFFFE0C00  }
0x1b3: {  	[tilespmem:s3], [sflag:$0x2] =	stream.linear.gather [hbm4b:s19+s3], $0x3E8, $0x38;
	[tilespmem:$0x1F800] =	vst v63  }
0x1b4: {  	_ =	swait.ge [sflag:s4], $0x3E8  }
0x1b5: {  	[sflag:s4] =	ssyncset.done $0x0  }
0x1b6: {  	[sflag:s4] =	ssyncadd.s32 $0xFFFFFC18  }
0x1b7: {  	[tilespmem:s6], [sflag:$0x1] =	stream.indirect.gather [hbm4b:s2+s5], $0x80, s3, s5, $0xb8;
	[tilespmem:$0x1F800] =	vst v63  }
0x1b8: {  	_ =	swait.ge [sflag:s7], $0x1F400  }
0x1b9: {  	[sflag:s7] =	ssyncset.done $0x0  }
0x1ba: {  	[sflag:s7] =	ssyncadd.s32 $0xFFFE0C00  }
0x1bb: {  	[hbm4b:s20+s3] =	stream.linear.scatter [tilespmem:s6], [sflag:$0x2], $0x1F400, $0x38;
	[tilespmem:$0x1F800] =	vst v63  }
0x1bc: {  	_ =	swait.ge [sflag:s4], $0x1F400  }
0x1bd: {  	[sflag:s4] =	ssyncset.done $0x0  }
0x1be: {  	[sflag:s4] =	ssyncadd.s32 $0xFFFE0C00  }
0x1bf: {  	[tilespmem:s3], [sflag:$0x2] =	stream.linear.gather [hbm4b:s21+s3], $0x3E8, $0x38;
	[tilespmem:$0x1F800] =	vst v63  }
0x1c0: {  	_ =	swait.ge [sflag:s4], $0x3E8  }
0x1c1: {  	[sflag:s4] =	ssyncset.done $0x0  }
0x1c2: {  	[sflag:s4] =	ssyncadd.s32 $0xFFFFFC18  }
0x1c3: {  	[tilespmem:s6], [sflag:$0x1] =	stream.indirect.gather [hbm4b:s2+s5], $0x80, s3, s5, $0xb8;
	[tilespmem:$0x1F800] =	vst v63  }
0x1c4: {  	_ =	swait.ge [sflag:s7], $0x1F400  }
0x1c5: {  	[sflag:s7] =	ssyncset.done $0x0  }
0x1c6: {  	[sflag:s7] =	ssyncadd.s32 $0xFFFE0C00  }
0x1c7: {  	[hbm4b:s22+s3] =	stream.linear.scatter [tilespmem:s6], [sflag:$0x2], $0x1F400, $0x38;
	[tilespmem:$0x1F800] =	vst v63  }
0x1c8: {  	_ =	swait.ge [sflag:s4], $0x1F400  }
0x1c9: {  	[sflag:s4] =	ssyncset.done $0x0  }
0x1ca: {  	[sflag:s4] =	ssyncadd.s32 $0xFFFE0C00  }
0x1cb: {  	[tilespmem:s3], [sflag:$0x2] =	stream.linear.gather [hbm4b:s23+s3], $0x3E8, $0x38;
	[tilespmem:$0x1F800] =	vst v63  }
0x1cc: {  	_ =	swait.ge [sflag:s4], $0x3E8  }
0x1cd: {  	[sflag:s4] =	ssyncset.done $0x0  }
0x1ce: {  	[sflag:s4] =	ssyncadd.s32 $0xFFFFFC18  }
0x1cf: {  	[tilespmem:s6], [sflag:$0x1] =	stream.indirect.gather [hbm4b:s2+s5], $0x80, s3, s5, $0xb8;
	[tilespmem:$0x1F800] =	vst v63  }
0x1d0: {  	_ =	swait.ge [sflag:s7], $0x1F400  }
0x1d1: {  	[sflag:s7] =	ssyncset.done $0x0  }
0x1d2: {  	[sflag:s7] =	ssyncadd.s32 $0xFFFE0C00  }
0x1d3: {  	[hbm4b:s24+s3] =	stream.linear.scatter [tilespmem:s6], [sflag:$0x2], $0x1F400, $0x38;
	[tilespmem:$0x1F800] =	vst v63  }
0x1d4: {  	_ =	swait.ge [sflag:s4], $0x1F400  }
0x1d5: {  	[sflag:s4] =	ssyncset.done $0x0  }
0x1d6: {  	[sflag:s4] =	ssyncadd.s32 $0xFFFE0C00  }
0x1d7: {  	[tilespmem:s3], [sflag:$0x2] =	stream.linear.gather [hbm4b:s25+s3], $0x3E8, $0x38;
	[tilespmem:$0x1F800] =	vst v63  }
0x1d8: {  	_ =	swait.ge [sflag:s4], $0x3E8  }
0x1d9: {  	[sflag:s4] =	ssyncset.done $0x0  }
0x1da: {  	[sflag:s4] =	ssyncadd.s32 $0xFFFFFC18  }
0x1db: {  	[tilespmem:s6], [sflag:$0x1] =	stream.indirect.gather [hbm4b:s2+s5], $0x80, s3, s5, $0xb8;
	[tilespmem:$0x1F800] =	vst v63  }
0x1dc: {  	_ =	swait.ge [sflag:s7], $0x1F400  }
0x1dd: {  	[sflag:s7] =	ssyncset.done $0x0  }
0x1de: {  	[sflag:s7] =	ssyncadd.s32 $0xFFFE0C00  }
0x1df: {  	[hbm4b:s26+s3] =	stream.linear.scatter [tilespmem:s6], [sflag:$0x2], $0x1F400, $0x38;
	[tilespmem:$0x1F800] =	vst v63  }
0x1e0: {  	_ =	swait.ge [sflag:s4], $0x1F400  }
0x1e1: {  	[sflag:s4] =	ssyncset.done $0x0  }
0x1e2: {  	[sflag:s4] =	ssyncadd.s32 $0xFFFE0C00  }
0x1e3: {  	[tilespmem:s3], [sflag:$0x2] =	stream.linear.gather [hbm4b:s28+s3], $0x3E8, $0x38;
	[tilespmem:$0x1F800] =	vst v63  }
0x1e4: {  	_ =	swait.ge [sflag:s4], $0x3E8  }
0x1e5: {  	[sflag:s4] =	ssyncset.done $0x0  }
0x1e6: {  	[sflag:s4] =	ssyncadd.s32 $0xFFFFFC18  }
0x1e7: {  	[tilespmem:s6], [sflag:$0x1] =	stream.indirect.gather [hbm4b:s2+s5], $0x80, s3, s5, $0xb8;
	[tilespmem:$0x1F800] =	vst v63  }
0x1e8: {  	_ =	swait.ge [sflag:s7], $0x1F400  }
0x1e9: {  	[sflag:s7] =	ssyncset.done $0x0  }
0x1ea: {  	[sflag:s7] =	ssyncadd.s32 $0xFFFE0C00  }
0x1eb: {  	[hbm4b:s29+s3] =	stream.linear.scatter [tilespmem:s6], [sflag:$0x2], $0x1F400, $0x38;
	[tilespmem:$0x1F800] =	vst v63  }
0x1ec: {  	_ =	swait.ge [sflag:s4], $0x1F400  }
0x1ed: {  	[sflag:s4] =	ssyncset.done $0x0  }
0x1ee: {  	[sflag:s4] =	ssyncadd.s32 $0xFFFE0C00  }
0x1ef: {  	[tilespmem:s3], [sflag:$0x2] =	stream.linear.gather [hbm4b:s30+s3], $0x3E8, $0x38;
	[tilespmem:$0x1F800] =	vst v63  }
0x1f0: {  	_ =	swait.ge [sflag:s4], $0x3E8  }
0x1f1: {  	[sflag:s4] =	ssyncset.done $0x0  }
0x1f2: {  	p0 =	sne.s32 s1, $0x1;
	[sflag:s4] =	ssyncadd.s32 $0xFFFFFC18  }
0x1f3: {  	[tilespmem:s6], [sflag:$0x1] =	stream.indirect.gather [hbm4b:s2+s5], $0x80, s3, s5, $0xb8;
	[tilespmem:$0x1F800] =	vst v63  }
.Ltmp1:
0x1f4: {  	_ =	swait.ge [sflag:s7], $0x1F400;
	(pc) =	sbr.rel @p0 .LBB2_1-.Ltmp1, $4  }
0x1f5: {  	[sflag:s7] =	ssyncset.done $0x0  }
0x1f6: {  	[sflag:s7] =	ssyncadd.s32 $0xFFFE0C00  }
0x1f7: {  	[hbm4b:s31+s3] =	stream.linear.scatter [tilespmem:s6], [sflag:$0x2], $0x1F400, $0x38;
	[tilespmem:$0x1F800] =	vst v63  }
0x1f8: {  	s1 =	sadd.s32 $0xFFFFFFFF, s1;
	_ =	swait.ge [sflag:s4], $0x1F400  }
.LBB2_2:
0x1f9: {  	[sflag:s4] =	ssyncset.done $0x0  }
0x1fa: {  	[sflag:s4] =	ssyncadd.s32 $0xFFFE0C00  }
0x1fb: {  	_ =	sfence.sel $0x180000  }
0x1fc: {  	[bflag:$0x0] =	sbarrier.arrive $0xFFFF  }
0x1fd: {  	_ =	strace $0x9000004A  }
0x1fe: {  	s0 =	stileid.u32;
	[bflag:$0x2] =	sbarrier.arrive $0xFFFF  }
0x1ff: {  	p0 =	sne.s32 s0, $0x0;
	s0 =	rddreg [dreg:$0x2]  }
0x200: {  	s0 =	sadd.s32 @!p0 $0x100000, s0  }
0x201: {  	[sflag:s0] =	ssyncadd.tile.s32 @!p0 $0x1;
	_ =	shalt  }
.Lfunc_end2:
_tile_overlayer_lowered:
.L_overlay_start_2:
0x202: {  	(tag) =	ssettag $0x2  }
0x203: {  	s0 =	rddreg [dreg:$0x0];
	s2 =	stileid.u32  }
0x204: {  	s1 =	rddreg [dreg:$0x1];
	p0 =	sne.s32 s2, $0x0  }
0x205: {  	s3 =	rddreg [dreg:$0x2];
	[bflag:$0x3] =	sbarrier.arrive $0xFFFF;
	s2 =	simm.s32 @!p0 $0x1C02  }
0x206: {  	[timem:s3], [sflag:s2] =	dma.local @!p0 [hbm:s0], s1  }
0x207: {  	s0 =	simm.s32 @!p0 $0x2  }
0x208: {  	_ =	swait.ge @!p0 [sflag:s0], s1  }
0x209: {  	s1 =	ssub.s32 @!p0 $0x0, s1;
	[sflag:s0] =	ssyncset.done @!p0 $0x0  }
0x20a: {  	[sflag:s0] =	ssyncadd.s32 @!p0 s1  }
0x20b: {  	[bflag:$0x3] =	sbarrier.arrive $0xFFFF  }
0x20c: {  	_ =	shalt  }

</sc_bundles>
